<compile_context>
chip_gen: v7x
topology: tpu7x:2x2x1
jax: 0.10.2.dev20260603
libtpu: 0.0.44.dev20260713+nightly
codegen_flags: <defaults>
</compile_context>

<pallas_src>
import functools

import jax
import jax.numpy as jnp
from jax import lax
from jax.experimental import pallas as pl
from jax.experimental.pallas import tpu as pltpu
from jax.experimental.pallas import tpu_sc as plsc

_NC, _NS, _LANES = 2, 16, 16
_NW = _NC * _NS

_LVL_BITS = (8, 8, 8, 7)
_LVL_SHIFTS = (23, 15, 7, 0)
_NCHUNK = 4


def _bucket16(v, shift, nbits):
    m16 = ((1 << nbits) - 1) << 4
    if shift >= 4:
        return (v >> (shift - 4)) & jnp.int32(m16)
    return (v << (4 - shift)) & jnp.int32(m16)


def _sc_select_body(k, nvec, x_hbm, thr_hbm, xbuf0, xbuf1, hist0, hist1,
                    tvec, *sems):
    lane = lax.iota(jnp.int32, _LANES)
    ones = jnp.full((_LANES,), 1, jnp.int32)
    zeros16 = jnp.zeros((_LANES,), jnp.int32)
    wid = lax.axis_index("c") * _NS + lax.axis_index("s")

    nelem = nvec * _LANES
    csize = nelem // _NCHUNK
    copies = []
    for c in range(_NCHUNK):
        copies.append(
            (pltpu.async_copy(x_hbm.at[wid * 2, pl.ds(c * csize, csize)],
                              xbuf0.at[pl.ds(c * csize, csize)], sems[c]),
             pltpu.async_copy(x_hbm.at[wid * 2 + 1, pl.ds(c * csize, csize)],
                              xbuf1.at[pl.ds(c * csize, csize)], sems[c])))

    kk0 = jnp.int32(k)
    kk1 = jnp.int32(k)
    p0 = jnp.int32(0)
    p1 = jnp.int32(0)
    for lvl in range(4):
        shift = _LVL_SHIFTS[lvl]
        nbits = _LVL_BITS[lvl]
        nb = 1 << nbits

        @plsc.parallel_loop(0, nb, unroll=8)
        def _(b):
            hist0[pl.ds(b * _LANES, _LANES)] = zeros16
            hist1[pl.ds(b * _LANES, _LANES)] = zeros16

        pfx0, pfx1 = p0, p1
        mlow = jnp.int32((1 << (31 - shift - nbits)) - 1)

        def span(i0v, i1v, lvl=lvl, shift=shift, nbits=nbits, nb=nb,
                 pfx0=pfx0, pfx1=pfx1, mlow=mlow):
            @plsc.parallel_loop(i0v, i1v, unroll=8)
            def _(i):
                v0 = plsc.bitcast(xbuf0[pl.ds(i * _LANES, _LANES)], jnp.int32)
                v1 = plsc.bitcast(xbuf1[pl.ds(i * _LANES, _LANES)], jnp.int32)
                i0 = _bucket16(v0, shift, nbits) + lane
                i1 = _bucket16(v1, shift, nbits) + lane
                if lvl == 0:
                    plsc.addupdate_scatter(hist0, [i0], ones)
                    plsc.addupdate_scatter(hist1, [i1], ones)
                else:
                    s0 = ((v0 >> (shift + nbits)) & mlow) == pfx0
                    s1 = ((v1 >> (shift + nbits)) & mlow) == pfx1
                    plsc.addupdate_scatter(hist0, [i0], ones, mask=s0)
                    plsc.addupdate_scatter(hist1, [i1], ones, mask=s1)

        if lvl == 0:
            cvec = csize // _LANES
            for c in range(_NCHUNK):
                copies[c][0].wait()
                copies[c][1].wait()
                span(c * cvec, (c + 1) * cvec)
        else:
            span(0, nvec)

        @plsc.parallel_loop(0, nb, unroll=4, carry=(zeros16, zeros16))
        def _(t, acc, nb=nb):
            a0, a1 = acc
            bb = nb - 1 - t
            a0 = a0 + hist0[pl.ds(bb * _LANES, _LANES)]
            a1 = a1 + hist1[pl.ds(bb * _LANES, _LANES)]
            hist0[pl.ds(bb * _LANES, _LANES)] = a0
            hist1[pl.ds(bb * _LANES, _LANES)] = a1
            return (a0, a1)

        def probe(hist, b):
            return jnp.sum(hist[pl.ds(b * _LANES, _LANES)])

        lo0 = jnp.int32(0)
        lo1 = jnp.int32(0)
        step = nb >> 1
        while step >= 1:
            c0 = lo0 + jnp.int32(step)
            c1 = lo1 + jnp.int32(step)
            sv0 = probe(hist0, jnp.minimum(c0, nb - 1))
            sv1 = probe(hist1, jnp.minimum(c1, nb - 1))
            lo0 = jnp.where((c0 <= nb - 1) & (sv0 >= kk0), c0, lo0)
            lo1 = jnp.where((c1 <= nb - 1) & (sv1 >= kk1), c1, lo1)
            step >>= 1
        a0 = probe(hist0, jnp.minimum(lo0 + 1, nb - 1))
        a1 = probe(hist1, jnp.minimum(lo1 + 1, nb - 1))
        kk0 = kk0 - jnp.where(lo0 + 1 <= nb - 1, a0, jnp.int32(0))
        kk1 = kk1 - jnp.where(lo1 + 1 <= nb - 1, a1, jnp.int32(0))
        p0 = (p0 << nbits) | lo0
        p1 = (p1 << nbits) | lo1
    tvec[...] = jnp.broadcast_to(p0, (_LANES,))
    pltpu.sync_copy(tvec, thr_hbm.at[wid * 2])
    tvec[...] = jnp.broadcast_to(p1, (_LANES,))
    pltpu.sync_copy(tvec, thr_hbm.at[wid * 2 + 1])


def _sc_select(x, k):
    B, H = x.shape
    mesh = plsc.VectorSubcoreMesh(
        core_axis_name="c", subcore_axis_name="s", num_cores=_NC,
        num_subcores=_NS)
    body = functools.partial(_sc_select_body, k, H // _LANES)
    nbmax = 1 << max(_LVL_BITS)
    return pl.kernel(
        body,
        out_type=jax.ShapeDtypeStruct((B, _LANES), jnp.int32),
        mesh=mesh,
        compiler_params=pltpu.CompilerParams(needs_layout_passes=False),
        scratch_types=[
            pltpu.VMEM((H,), jnp.float32),
            pltpu.VMEM((H,), jnp.float32),
            pltpu.VMEM((nbmax * _LANES,), jnp.int32),
            pltpu.VMEM((nbmax * _LANES,), jnp.int32),
            pltpu.VMEM((_LANES,), jnp.int32),
        ] + [pltpu.SemaphoreType.DMA] * _NCHUNK,
    )(x)


def _apply_body(thr_ref, x_ref, sparse_ref, mask_ref):
    x = x_ref[...]
    u = lax.bitcast_convert_type(jnp.abs(x), jnp.int32)
    keep = u >= thr_ref[:, 0:1]
    mask_ref[...] = keep.astype(jnp.int8)
    sparse_ref[...] = jnp.where(keep, x, 0.0)


def _tc_apply(x, thr, rows):
    B, H = x.shape
    return pl.pallas_call(
        _apply_body,
        grid=(B // rows,),
        in_specs=[
            pl.BlockSpec((rows, _LANES), lambda i: (i, 0)),
            pl.BlockSpec((rows, H), lambda i: (i, 0)),
        ],
        out_specs=[
            pl.BlockSpec((rows, H), lambda i: (i, 0)),
            pl.BlockSpec((rows, H), lambda i: (i, 0)),
        ],
        out_shape=[
            jax.ShapeDtypeStruct((B, H), jnp.float32),
            jax.ShapeDtypeStruct((B, H), jnp.int8),
        ],
    )(thr, x)


def _select_body(x_ref, sparse_ref, mask_ref, *, k):
    x = x_ref[...]
    u = lax.bitcast_convert_type(jnp.abs(x), jnp.int32)

    def step(i, p):
        cand = p | (jnp.int32(1) << (30 - i))
        cnt = jnp.sum((u >= cand).astype(jnp.int32), axis=1, keepdims=True)
        return jnp.where(cnt >= k, cand, p)

    p0 = jnp.zeros((x.shape[0], 1), jnp.int32)
    thr = lax.fori_loop(0, 31, step, p0)
    keep = u >= thr
    mask_ref[...] = keep
    sparse_ref[...] = jnp.where(keep, x, 0.0)


def _tc_only(flat, k):
    B, H = flat.shape
    rows = 8 if B % 8 == 0 else 1
    return pl.pallas_call(
        functools.partial(_select_body, k=k),
        grid=(B // rows,),
        in_specs=[pl.BlockSpec((rows, H), lambda i: (i, 0))],
        out_specs=[
            pl.BlockSpec((rows, H), lambda i: (i, 0)),
            pl.BlockSpec((rows, H), lambda i: (i, 0)),
        ],
        out_shape=[
            jax.ShapeDtypeStruct((B, H), jnp.float32),
            jax.ShapeDtypeStruct((B, H), jnp.bool_),
        ],
    )(flat)


def kernel(x):
    flat = x if x.ndim == 2 else x.reshape(x.shape[0], -1)
    B, H = flat.shape
    k = max(1, int(H * 10.0 / 100.0))
    if B == 2 * _NW and H % (_LANES * _NCHUNK) == 0 and B % 32 == 0:
        thr = _sc_select(flat, k)
        sparse, mask8 = _tc_apply(flat, thr, 32)
        mask = mask8.astype(jnp.bool_)
    else:
        sparse, mask = _tc_only(flat, k)
    return sparse.reshape(x.shape), mask.reshape(x.shape)

# --- scband reference (transcript-rebuilt; emitter-appended) ---
"""Pipeline reference for scband-optimized-sparsity-jaccard-hook-36532991820028 (READ-ONLY COPY).

The authoritative reference and input builder live on the scoring server;
editing this copy changes nothing except your own understanding.
"""

import jax, jax.numpy as jnp
import numpy as np

RULE = "topk"
PARAM = 10.0  # keep top 10% of elements per row by |value|


def setup_inputs(seed: int = 0) -> dict:
    key = jax.random.key(seed)
    x = jax.random.normal(key, (64, 32768), dtype=jnp.float32)
    return {"x": x}


def _topk_sparsify_with_mask(x, param):
    # Flatten everything except the batch dim, like the torch hook does.
    if x.ndim == 2:
        flat = x
    else:
        flat = x.reshape(x.shape[0], -1)
    B, H = flat.shape
    k = max(1, int(H * param / 100.0))
    abs_vals = jnp.abs(flat)
    # top-k indices by magnitude per row
    _, top_idx = jax.lax.top_k(abs_vals, k)
    row_idx = jnp.arange(B)[:, None]
    mask_flat = jnp.zeros((B, H), dtype=bool).at[row_idx, top_idx].set(True)
    sparse_flat = jnp.where(mask_flat, flat, jnp.zeros_like(flat))
    sparse = sparse_flat.reshape(x.shape)
    mask = mask_flat.reshape(x.shape)
    return sparse, mask


def reference(x):
    # pre_forward_hook core: sparsify the incoming activation, return sparse
    # tensor and boolean keep-mask (stat accumulation is host-side bookkeeping).
    sparse, mask = _topk_sparsify_with_mask(x, PARAM)
    return sparse, mask

if __name__ == "__main__":
    import jax
    _d = setup_inputs()
    print(jax.jit(kernel)(*tuple(_d.values())))

</pallas_src>

<mosaic_0001>
#map = affine_map<(d0, d1) -> (0, 0)>
module attributes {stable_mosaic.version = 14 : i64} {
  func.func @_sc_select_body(%arg0: i32, %arg1: i32, %arg2: memref<64x32768xf32, #tpu.memory_space<hbm>>, %arg3: memref<64x16xi32, #tpu.memory_space<hbm>>, %arg4: memref<32768xf32, #tpu.memory_space<vmem>>, %arg5: memref<32768xf32, #tpu.memory_space<vmem>>, %arg6: memref<4096xi32, #tpu.memory_space<vmem>>, %arg7: memref<4096xi32, #tpu.memory_space<vmem>>, %arg8: memref<16xi32, #tpu.memory_space<vmem>>, %arg9: memref<!tpu.dma_semaphore, #tpu.memory_space<semaphore_mem>>, %arg10: memref<!tpu.dma_semaphore, #tpu.memory_space<semaphore_mem>>, %arg11: memref<!tpu.dma_semaphore, #tpu.memory_space<semaphore_mem>>, %arg12: memref<!tpu.dma_semaphore, #tpu.memory_space<semaphore_mem>>) attributes {dimension_semantics = [#tpu.dimension_semantics<core_parallel>, #tpu.dimension_semantics<subcore_parallel>], iteration_bounds = array<i64: 2, 16>, scalar_prefetch = 0 : i64, scratch_operands = 9 : i64, tpu.core_type = #tpu.core_type<sc_vector_subcore>, window_params = [{transform_indices = #map}, {transform_indices = #map}]} {
    %iota3A = tpu.iota {dimensions = array<i32: 0>} : vector<16xi32>
    %broadcast_in_dim3A = arith.constant 1 : i32
    %broadcast_in_dim3A_0 = vector.broadcast %broadcast_in_dim3A : i32 to vector<16xi32>
    %broadcast_in_dim3A_1 = arith.constant 0 : i32
    %broadcast_in_dim3A_2 = vector.broadcast %broadcast_in_dim3A_1 : i32 to vector<16xi32>
    %mul3A = arith.constant 16 : i32
    %mul3A_3 = arith.muli %arg0, %mul3A : i32
    %add3A = arith.addi %mul3A_3, %arg1 : i32
    %mul3A_4 = arith.constant 2 : i32
    %mul3A_5 = arith.muli %add3A, %mul3A_4 : i32
    %dma_start3A = arith.constant 0 : i32
    %dma_start3A_6 = tpu.memref_slice %arg4[%dma_start3A] : memref<32768xf32, #tpu.memory_space<vmem>> -> memref<8192xf32, #tpu.memory_space<vmem>>
    %dma_start3A_7 = arith.constant 0 : i32
    %dma_start3A_8 = tpu.memref_slice %arg2[%mul3A_5, %dma_start3A_7] : memref<64x32768xf32, #tpu.memory_space<hbm>> -> memref<1x8192xf32, #tpu.memory_space<hbm>>
    %dma_start3A_9 = tpu.memref_squeeze %dma_start3A_8 : memref<1x8192xf32, #tpu.memory_space<hbm>> -> memref<8192xf32, #tpu.memory_space<hbm>>
    %dma_start3A_10 = arith.constant 0 : i32
    %dma_start3A_11 = tpu.memref_slice %arg4[%dma_start3A_10] : memref<32768xf32, #tpu.memory_space<vmem>> -> memref<8192xf32, #tpu.memory_space<vmem>>
    %dma_start3A_12 = arith.constant 0 : i32
    %dma_start3A_13 = tpu.memref_slice %arg2[%mul3A_5, %dma_start3A_12] : memref<64x32768xf32, #tpu.memory_space<hbm>> -> memref<1x8192xf32, #tpu.memory_space<hbm>>
    %dma_start3A_14 = tpu.memref_squeeze %dma_start3A_13 : memref<1x8192xf32, #tpu.memory_space<hbm>> -> memref<8192xf32, #tpu.memory_space<hbm>>
    tpu.enqueue_dma source(%dma_start3A_14 : memref<8192xf32, #tpu.memory_space<hbm>>) target(%dma_start3A_11 : memref<8192xf32, #tpu.memory_space<vmem>>) target_semaphore(%arg9 : memref<!tpu.dma_semaphore, #tpu.memory_space<semaphore_mem>>)
    %mul3A_15 = arith.constant 2 : i32
    %mul3A_16 = arith.muli %add3A, %mul3A_15 : i32
    %add3A_17 = arith.constant 1 : i32
    %add3A_18 = arith.addi %mul3A_16, %add3A_17 : i32
    %dma_start3A_19 = arith.constant 0 : i32
    %dma_start3A_20 = tpu.memref_slice %arg5[%dma_start3A_19] : memref<32768xf32, #tpu.memory_space<vmem>> -> memref<8192xf32, #tpu.memory_space<vmem>>
    %dma_start3A_21 = arith.constant 0 : i32
    %dma_start3A_22 = tpu.memref_slice %arg2[%add3A_18, %dma_start3A_21] : memref<64x32768xf32, #tpu.memory_space<hbm>> -> memref<1x8192xf32, #tpu.memory_space<hbm>>
    %dma_start3A_23 = tpu.memref_squeeze %dma_start3A_22 : memref<1x8192xf32, #tpu.memory_space<hbm>> -> memref<8192xf32, #tpu.memory_space<hbm>>
    %dma_start3A_24 = arith.constant 0 : i32
    %dma_start3A_25 = tpu.memref_slice %arg5[%dma_start3A_24] : memref<32768xf32, #tpu.memory_space<vmem>> -> memref<8192xf32, #tpu.memory_space<vmem>>
    %dma_start3A_26 = arith.constant 0 : i32
    %dma_start3A_27 = tpu.memref_slice %arg2[%add3A_18, %dma_start3A_26] : memref<64x32768xf32, #tpu.memory_space<hbm>> -> memref<1x8192xf32, #tpu.memory_space<hbm>>
    %dma_start3A_28 = tpu.memref_squeeze %dma_start3A_27 : memref<1x8192xf32, #tpu.memory_space<hbm>> -> memref<8192xf32, #tpu.memory_space<hbm>>
    tpu.enqueue_dma source(%dma_start3A_28 : memref<8192xf32, #tpu.memory_space<hbm>>) target(%dma_start3A_25 : memref<8192xf32, #tpu.memory_space<vmem>>) target_semaphore(%arg9 : memref<!tpu.dma_semaphore, #tpu.memory_space<semaphore_mem>>)
    %mul3A_29 = arith.constant 2 : i32
    %mul3A_30 = arith.muli %add3A, %mul3A_29 : i32
    %dma_start3A_31 = arith.constant 8192 : i32
    %dma_start3A_32 = tpu.memref_slice %arg4[%dma_start3A_31] : memref<32768xf32, #tpu.memory_space<vmem>> -> memref<8192xf32, #tpu.memory_space<vmem>>
    %dma_start3A_33 = arith.constant 8192 : i32
    %dma_start3A_34 = tpu.memref_slice %arg2[%mul3A_30, %dma_start3A_33] : memref<64x32768xf32, #tpu.memory_space<hbm>> -> memref<1x8192xf32, #tpu.memory_space<hbm>>
    %dma_start3A_35 = tpu.memref_squeeze %dma_start3A_34 : memref<1x8192xf32, #tpu.memory_space<hbm>> -> memref<8192xf32, #tpu.memory_space<hbm>>
    %dma_start3A_36 = arith.constant 8192 : i32
    %dma_start3A_37 = tpu.memref_slice %arg4[%dma_start3A_36] : memref<32768xf32, #tpu.memory_space<vmem>> -> memref<8192xf32, #tpu.memory_space<vmem>>
    %dma_start3A_38 = arith.constant 8192 : i32
    %dma_start3A_39 = tpu.memref_slice %arg2[%mul3A_30, %dma_start3A_38] : memref<64x32768xf32, #tpu.memory_space<hbm>> -> memref<1x8192xf32, #tpu.memory_space<hbm>>
    %dma_start3A_40 = tpu.memref_squeeze %dma_start3A_39 : memref<1x8192xf32, #tpu.memory_space<hbm>> -> memref<8192xf32, #tpu.memory_space<hbm>>
    tpu.enqueue_dma source(%dma_start3A_40 : memref<8192xf32, #tpu.memory_space<hbm>>) target(%dma_start3A_37 : memref<8192xf32, #tpu.memory_space<vmem>>) target_semaphore(%arg10 : memref<!tpu.dma_semaphore, #tpu.memory_space<semaphore_mem>>)
    %mul3A_41 = arith.constant 2 : i32
    %mul3A_42 = arith.muli %add3A, %mul3A_41 : i32
    %add3A_43 = arith.constant 1 : i32
    %add3A_44 = arith.addi %mul3A_42, %add3A_43 : i32
    %dma_start3A_45 = arith.constant 8192 : i32
    %dma_start3A_46 = tpu.memref_slice %arg5[%dma_start3A_45] : memref<32768xf32, #tpu.memory_space<vmem>> -> memref<8192xf32, #tpu.memory_space<vmem>>
    %dma_start3A_47 = arith.constant 8192 : i32
    %dma_start3A_48 = tpu.memref_slice %arg2[%add3A_44, %dma_start3A_47] : memref<64x32768xf32, #tpu.memory_space<hbm>> -> memref<1x8192xf32, #tpu.memory_space<hbm>>
    %dma_start3A_49 = tpu.memref_squeeze %dma_start3A_48 : memref<1x8192xf32, #tpu.memory_space<hbm>> -> memref<8192xf32, #tpu.memory_space<hbm>>
    %dma_start3A_50 = arith.constant 8192 : i32
    %dma_start3A_51 = tpu.memref_slice %arg5[%dma_start3A_50] : memref<32768xf32, #tpu.memory_space<vmem>> -> memref<8192xf32, #tpu.memory_space<vmem>>
    %dma_start3A_52 = arith.constant 8192 : i32
    %dma_start3A_53 = tpu.memref_slice %arg2[%add3A_44, %dma_start3A_52] : memref<64x32768xf32, #tpu.memory_space<hbm>> -> memref<1x8192xf32, #tpu.memory_space<hbm>>
    %dma_start3A_54 = tpu.memref_squeeze %dma_start3A_53 : memref<1x8192xf32, #tpu.memory_space<hbm>> -> memref<8192xf32, #tpu.memory_space<hbm>>
    tpu.enqueue_dma source(%dma_start3A_54 : memref<8192xf32, #tpu.memory_space<hbm>>) target(%dma_start3A_51 : memref<8192xf32, #tpu.memory_space<vmem>>) target_semaphore(%arg10 : memref<!tpu.dma_semaphore, #tpu.memory_space<semaphore_mem>>)
    %mul3A_55 = arith.constant 2 : i32
    %mul3A_56 = arith.muli %add3A, %mul3A_55 : i32
    %dma_start3A_57 = arith.constant 16384 : i32
    %dma_start3A_58 = tpu.memref_slice %arg4[%dma_start3A_57] : memref<32768xf32, #tpu.memory_space<vmem>> -> memref<8192xf32, #tpu.memory_space<vmem>>
    %dma_start3A_59 = arith.constant 16384 : i32
    %dma_start3A_60 = tpu.memref_slice %arg2[%mul3A_56, %dma_start3A_59] : memref<64x32768xf32, #tpu.memory_space<hbm>> -> memref<1x8192xf32, #tpu.memory_space<hbm>>
    %dma_start3A_61 = tpu.memref_squeeze %dma_start3A_60 : memref<1x8192xf32, #tpu.memory_space<hbm>> -> memref<8192xf32, #tpu.memory_space<hbm>>
    %dma_start3A_62 = arith.constant 16384 : i32
    %dma_start3A_63 = tpu.memref_slice %arg4[%dma_start3A_62] : memref<32768xf32, #tpu.memory_space<vmem>> -> memref<8192xf32, #tpu.memory_space<vmem>>
    %dma_start3A_64 = arith.constant 16384 : i32
    %dma_start3A_65 = tpu.memref_slice %arg2[%mul3A_56, %dma_start3A_64] : memref<64x32768xf32, #tpu.memory_space<hbm>> -> memref<1x8192xf32, #tpu.memory_space<hbm>>
    %dma_start3A_66 = tpu.memref_squeeze %dma_start3A_65 : memref<1x8192xf32, #tpu.memory_space<hbm>> -> memref<8192xf32, #tpu.memory_space<hbm>>
    tpu.enqueue_dma source(%dma_start3A_66 : memref<8192xf32, #tpu.memory_space<hbm>>) target(%dma_start3A_63 : memref<8192xf32, #tpu.memory_space<vmem>>) target_semaphore(%arg11 : memref<!tpu.dma_semaphore, #tpu.memory_space<semaphore_mem>>)
    %mul3A_67 = arith.constant 2 : i32
    %mul3A_68 = arith.muli %add3A, %mul3A_67 : i32
    %add3A_69 = arith.constant 1 : i32
    %add3A_70 = arith.addi %mul3A_68, %add3A_69 : i32
    %dma_start3A_71 = arith.constant 16384 : i32
    %dma_start3A_72 = tpu.memref_slice %arg5[%dma_start3A_71] : memref<32768xf32, #tpu.memory_space<vmem>> -> memref<8192xf32, #tpu.memory_space<vmem>>
    %dma_start3A_73 = arith.constant 16384 : i32
    %dma_start3A_74 = tpu.memref_slice %arg2[%add3A_70, %dma_start3A_73] : memref<64x32768xf32, #tpu.memory_space<hbm>> -> memref<1x8192xf32, #tpu.memory_space<hbm>>
    %dma_start3A_75 = tpu.memref_squeeze %dma_start3A_74 : memref<1x8192xf32, #tpu.memory_space<hbm>> -> memref<8192xf32, #tpu.memory_space<hbm>>
    %dma_start3A_76 = arith.constant 16384 : i32
    %dma_start3A_77 = tpu.memref_slice %arg5[%dma_start3A_76] : memref<32768xf32, #tpu.memory_space<vmem>> -> memref<8192xf32, #tpu.memory_space<vmem>>
    %dma_start3A_78 = arith.constant 16384 : i32
    %dma_start3A_79 = tpu.memref_slice %arg2[%add3A_70, %dma_start3A_78] : memref<64x32768xf32, #tpu.memory_space<hbm>> -> memref<1x8192xf32, #tpu.memory_space<hbm>>
    %dma_start3A_80 = tpu.memref_squeeze %dma_start3A_79 : memref<1x8192xf32, #tpu.memory_space<hbm>> -> memref<8192xf32, #tpu.memory_space<hbm>>
    tpu.enqueue_dma source(%dma_start3A_80 : memref<8192xf32, #tpu.memory_space<hbm>>) target(%dma_start3A_77 : memref<8192xf32, #tpu.memory_space<vmem>>) target_semaphore(%arg11 : memref<!tpu.dma_semaphore, #tpu.memory_space<semaphore_mem>>)
    %mul3A_81 = arith.constant 2 : i32
    %mul3A_82 = arith.muli %add3A, %mul3A_81 : i32
    %dma_start3A_83 = arith.constant 24576 : i32
    %dma_start3A_84 = tpu.memref_slice %arg4[%dma_start3A_83] : memref<32768xf32, #tpu.memory_space<vmem>> -> memref<8192xf32, #tpu.memory_space<vmem>>
    %dma_start3A_85 = arith.constant 24576 : i32
    %dma_start3A_86 = tpu.memref_slice %arg2[%mul3A_82, %dma_start3A_85] : memref<64x32768xf32, #tpu.memory_space<hbm>> -> memref<1x8192xf32, #tpu.memory_space<hbm>>
    %dma_start3A_87 = tpu.memref_squeeze %dma_start3A_86 : memref<1x8192xf32, #tpu.memory_space<hbm>> -> memref<8192xf32, #tpu.memory_space<hbm>>
    %dma_start3A_88 = arith.constant 24576 : i32
    %dma_start3A_89 = tpu.memref_slice %arg4[%dma_start3A_88] : memref<32768xf32, #tpu.memory_space<vmem>> -> memref<8192xf32, #tpu.memory_space<vmem>>
    %dma_start3A_90 = arith.constant 24576 : i32
    %dma_start3A_91 = tpu.memref_slice %arg2[%mul3A_82, %dma_start3A_90] : memref<64x32768xf32, #tpu.memory_space<hbm>> -> memref<1x8192xf32, #tpu.memory_space<hbm>>
    %dma_start3A_92 = tpu.memref_squeeze %dma_start3A_91 : memref<1x8192xf32, #tpu.memory_space<hbm>> -> memref<8192xf32, #tpu.memory_space<hbm>>
    tpu.enqueue_dma source(%dma_start3A_92 : memref<8192xf32, #tpu.memory_space<hbm>>) target(%dma_start3A_89 : memref<8192xf32, #tpu.memory_space<vmem>>) target_semaphore(%arg12 : memref<!tpu.dma_semaphore, #tpu.memory_space<semaphore_mem>>)
    %mul3A_93 = arith.constant 2 : i32
    %mul3A_94 = arith.muli %add3A, %mul3A_93 : i32
    %add3A_95 = arith.constant 1 : i32
    %add3A_96 = arith.addi %mul3A_94, %add3A_95 : i32
    %dma_start3A_97 = arith.constant 24576 : i32
    %dma_start3A_98 = tpu.memref_slice %arg5[%dma_start3A_97] : memref<32768xf32, #tpu.memory_space<vmem>> -> memref<8192xf32, #tpu.memory_space<vmem>>
    %dma_start3A_99 = arith.constant 24576 : i32
    %dma_start3A_100 = tpu.memref_slice %arg2[%add3A_96, %dma_start3A_99] : memref<64x32768xf32, #tpu.memory_space<hbm>> -> memref<1x8192xf32, #tpu.memory_space<hbm>>
    %dma_start3A_101 = tpu.memref_squeeze %dma_start3A_100 : memref<1x8192xf32, #tpu.memory_space<hbm>> -> memref<8192xf32, #tpu.memory_space<hbm>>
    %dma_start3A_102 = arith.constant 24576 : i32
    %dma_start3A_103 = tpu.memref_slice %arg5[%dma_start3A_102] : memref<32768xf32, #tpu.memory_space<vmem>> -> memref<8192xf32, #tpu.memory_space<vmem>>
    %dma_start3A_104 = arith.constant 24576 : i32
    %dma_start3A_105 = tpu.memref_slice %arg2[%add3A_96, %dma_start3A_104] : memref<64x32768xf32, #tpu.memory_space<hbm>> -> memref<1x8192xf32, #tpu.memory_space<hbm>>
    %dma_start3A_106 = tpu.memref_squeeze %dma_start3A_105 : memref<1x8192xf32, #tpu.memory_space<hbm>> -> memref<8192xf32, #tpu.memory_space<hbm>>
    tpu.enqueue_dma source(%dma_start3A_106 : memref<8192xf32, #tpu.memory_space<hbm>>) target(%dma_start3A_103 : memref<8192xf32, #tpu.memory_space<vmem>>) target_semaphore(%arg12 : memref<!tpu.dma_semaphore, #tpu.memory_space<semaphore_mem>>)
    %parallel_loop3A = arith.constant 0 : i32
    %parallel_loop3A_107 = arith.constant 256 : i32
    %parallel_loop3A_108 = arith.constant 1 : i32
    scf.for %parallel_loop3A_1503 = %parallel_loop3A to %parallel_loop3A_107 step %parallel_loop3A_108  : i32 {
      %parallel_loop3A_1504 = arith.constant 16 : i32
      %parallel_loop3A_1505 = arith.muli %parallel_loop3A_1503, %parallel_loop3A_1504 : i32
      %parallel_loop3A_1506 = arith.index_cast %parallel_loop3A_1505 : i32 to index
      %parallel_loop3A_1507 = tpu.vector_load %arg6[%parallel_loop3A_1506] {strides = array<i32>} : memref<4096xi32, #tpu.memory_space<vmem>>, vector<16xi32>,
      tpu.vector_store %arg6[%parallel_loop3A_1506], %broadcast_in_dim3A_2 {strides = array<i32>} : memref<4096xi32, #tpu.memory_space<vmem>>, vector<16xi32>,
      %parallel_loop3A_1508 = arith.constant 16 : i32
      %parallel_loop3A_1509 = arith.muli %parallel_loop3A_1503, %parallel_loop3A_1508 : i32
      %parallel_loop3A_1510 = arith.index_cast %parallel_loop3A_1509 : i32 to index
      %parallel_loop3A_1511 = tpu.vector_load %arg7[%parallel_loop3A_1510] {strides = array<i32>} : memref<4096xi32, #tpu.memory_space<vmem>>, vector<16xi32>,
      tpu.vector_store %arg7[%parallel_loop3A_1510], %broadcast_in_dim3A_2 {strides = array<i32>} : memref<4096xi32, #tpu.memory_space<vmem>>, vector<16xi32>,
    } {sc.loop_unroll_factor = 8 : i64, sc.parallel_access}
    %dma_wait3A = arith.constant 0 : i32
    %dma_wait3A_109 = tpu.memref_slice %arg4[%dma_wait3A] : memref<32768xf32, #tpu.memory_space<vmem>> -> memref<8192xf32, #tpu.memory_space<vmem>>
    %dma_wait3A_110 = arith.constant 0 : i32
    %dma_wait3A_111 = tpu.memref_slice %arg2[%mul3A_5, %dma_wait3A_110] : memref<64x32768xf32, #tpu.memory_space<hbm>> -> memref<1x8192xf32, #tpu.memory_space<hbm>>
    %dma_wait3A_112 = tpu.memref_squeeze %dma_wait3A_111 : memref<1x8192xf32, #tpu.memory_space<hbm>> -> memref<8192xf32, #tpu.memory_space<hbm>>
    %dma_wait3A_113 = arith.constant 0 : i32
    %dma_wait3A_114 = tpu.memref_slice %arg4[%dma_wait3A_113] : memref<32768xf32, #tpu.memory_space<vmem>> -> memref<8192xf32, #tpu.memory_space<vmem>>
    %dma_wait3A_115 = arith.constant 0 : i32
    %dma_wait3A_116 = tpu.memref_slice %arg2[%mul3A_5, %dma_wait3A_115] : memref<64x32768xf32, #tpu.memory_space<hbm>> -> memref<1x8192xf32, #tpu.memory_space<hbm>>
    %dma_wait3A_117 = tpu.memref_squeeze %dma_wait3A_116 : memref<1x8192xf32, #tpu.memory_space<hbm>> -> memref<8192xf32, #tpu.memory_space<hbm>>
    tpu.wait_dma2 semaphore(%arg9 : memref<!tpu.dma_semaphore, #tpu.memory_space<semaphore_mem>>) src(%dma_wait3A_117 : memref<8192xf32, #tpu.memory_space<hbm>>) dst(%dma_wait3A_114 : memref<8192xf32, #tpu.memory_space<vmem>>)
    %dma_wait3A_118 = arith.constant 0 : i32
    %dma_wait3A_119 = tpu.memref_slice %arg5[%dma_wait3A_118] : memref<32768xf32, #tpu.memory_space<vmem>> -> memref<8192xf32, #tpu.memory_space<vmem>>
    %dma_wait3A_120 = arith.constant 0 : i32
    %dma_wait3A_121 = tpu.memref_slice %arg2[%add3A_18, %dma_wait3A_120] : memref<64x32768xf32, #tpu.memory_space<hbm>> -> memref<1x8192xf32, #tpu.memory_space<hbm>>
    %dma_wait3A_122 = tpu.memref_squeeze %dma_wait3A_121 : memref<1x8192xf32, #tpu.memory_space<hbm>> -> memref<8192xf32, #tpu.memory_space<hbm>>
    %dma_wait3A_123 = arith.constant 0 : i32
    %dma_wait3A_124 = tpu.memref_slice %arg5[%dma_wait3A_123] : memref<32768xf32, #tpu.memory_space<vmem>> -> memref<8192xf32, #tpu.memory_space<vmem>>
    %dma_wait3A_125 = arith.constant 0 : i32
    %dma_wait3A_126 = tpu.memref_slice %arg2[%add3A_18, %dma_wait3A_125] : memref<64x32768xf32, #tpu.memory_space<hbm>> -> memref<1x8192xf32, #tpu.memory_space<hbm>>
    %dma_wait3A_127 = tpu.memref_squeeze %dma_wait3A_126 : memref<1x8192xf32, #tpu.memory_space<hbm>> -> memref<8192xf32, #tpu.memory_space<hbm>>
    tpu.wait_dma2 semaphore(%arg9 : memref<!tpu.dma_semaphore, #tpu.memory_space<semaphore_mem>>) src(%dma_wait3A_127 : memref<8192xf32, #tpu.memory_space<hbm>>) dst(%dma_wait3A_124 : memref<8192xf32, #tpu.memory_space<vmem>>)
    %parallel_loop3A_128 = arith.constant 0 : i32
    %parallel_loop3A_129 = arith.constant 512 : i32
    %parallel_loop3A_130 = arith.constant 1 : i32
    scf.for %parallel_loop3A_1503 = %parallel_loop3A_128 to %parallel_loop3A_129 step %parallel_loop3A_130  : i32 {
      %parallel_loop3A_1504 = arith.constant 16 : i32
      %parallel_loop3A_1505 = arith.muli %parallel_loop3A_1503, %parallel_loop3A_1504 : i32
      %parallel_loop3A_1506 = arith.index_cast %parallel_loop3A_1505 : i32 to index
      %parallel_loop3A_1507 = tpu.vector_load %arg4[%parallel_loop3A_1506] {strides = array<i32>} : memref<32768xf32, #tpu.memory_space<vmem>>, vector<16xf32>,
      %parallel_loop3A_1508 = vector.bitcast %parallel_loop3A_1507 : vector<16xf32> to vector<16xi32>
      %parallel_loop3A_1509 = arith.constant 16 : i32
      %parallel_loop3A_1510 = arith.muli %parallel_loop3A_1503, %parallel_loop3A_1509 : i32
      %parallel_loop3A_1511 = arith.index_cast %parallel_loop3A_1510 : i32 to index
      %parallel_loop3A_1512 = tpu.vector_load %arg5[%parallel_loop3A_1511] {strides = array<i32>} : memref<32768xf32, #tpu.memory_space<vmem>>, vector<16xf32>,
      %parallel_loop3A_1513 = vector.bitcast %parallel_loop3A_1512 : vector<16xf32> to vector<16xi32>
      %parallel_loop3A_1514 = arith.constant 19 : i32
      %parallel_loop3A_1515 = vector.broadcast %parallel_loop3A_1514 : i32 to vector<16xi32>
      %parallel_loop3A_1516 = arith.shrsi %parallel_loop3A_1508, %parallel_loop3A_1515 : vector<16xi32>
      %parallel_loop3A_1517 = arith.constant 4080 : i32
      %parallel_loop3A_1518 = vector.broadcast %parallel_loop3A_1517 : i32 to vector<16xi32>
      %parallel_loop3A_1519 = arith.andi %parallel_loop3A_1516, %parallel_loop3A_1518 : vector<16xi32>
      %parallel_loop3A_1520 = arith.addi %parallel_loop3A_1519, %iota3A : vector<16xi32>
      %parallel_loop3A_1521 = arith.constant 19 : i32
      %parallel_loop3A_1522 = vector.broadcast %parallel_loop3A_1521 : i32 to vector<16xi32>
      %parallel_loop3A_1523 = arith.shrsi %parallel_loop3A_1513, %parallel_loop3A_1522 : vector<16xi32>
      %parallel_loop3A_1524 = arith.constant 4080 : i32
      %parallel_loop3A_1525 = vector.broadcast %parallel_loop3A_1524 : i32 to vector<16xi32>
      %parallel_loop3A_1526 = arith.andi %parallel_loop3A_1523, %parallel_loop3A_1525 : vector<16xi32>
      %parallel_loop3A_1527 = arith.addi %parallel_loop3A_1526, %iota3A : vector<16xi32>
      tpu.vector_store_idx %arg6[%parallel_loop3A_1520], %broadcast_in_dim3A_0 {add = true} : memref<4096xi32, #tpu.memory_space<vmem>>[vector<16xi32>], vector<16xi32>,
      tpu.vector_store_idx %arg7[%parallel_loop3A_1527], %broadcast_in_dim3A_0 {add = true} : memref<4096xi32, #tpu.memory_space<vmem>>[vector<16xi32>], vector<16xi32>,
    } {sc.loop_unroll_factor = 8 : i64, sc.parallel_access}
    %dma_wait3A_131 = arith.constant 8192 : i32
    %dma_wait3A_132 = tpu.memref_slice %arg4[%dma_wait3A_131] : memref<32768xf32, #tpu.memory_space<vmem>> -> memref<8192xf32, #tpu.memory_space<vmem>>
    %dma_wait3A_133 = arith.constant 8192 : i32
    %dma_wait3A_134 = tpu.memref_slice %arg2[%mul3A_30, %dma_wait3A_133] : memref<64x32768xf32, #tpu.memory_space<hbm>> -> memref<1x8192xf32, #tpu.memory_space<hbm>>
    %dma_wait3A_135 = tpu.memref_squeeze %dma_wait3A_134 : memref<1x8192xf32, #tpu.memory_space<hbm>> -> memref<8192xf32, #tpu.memory_space<hbm>>
    %dma_wait3A_136 = arith.constant 8192 : i32
    %dma_wait3A_137 = tpu.memref_slice %arg4[%dma_wait3A_136] : memref<32768xf32, #tpu.memory_space<vmem>> -> memref<8192xf32, #tpu.memory_space<vmem>>
    %dma_wait3A_138 = arith.constant 8192 : i32
    %dma_wait3A_139 = tpu.memref_slice %arg2[%mul3A_30, %dma_wait3A_138] : memref<64x32768xf32, #tpu.memory_space<hbm>> -> memref<1x8192xf32, #tpu.memory_space<hbm>>
    %dma_wait3A_140 = tpu.memref_squeeze %dma_wait3A_139 : memref<1x8192xf32, #tpu.memory_space<hbm>> -> memref<8192xf32, #tpu.memory_space<hbm>>
    tpu.wait_dma2 semaphore(%arg10 : memref<!tpu.dma_semaphore, #tpu.memory_space<semaphore_mem>>) src(%dma_wait3A_140 : memref<8192xf32, #tpu.memory_space<hbm>>) dst(%dma_wait3A_137 : memref<8192xf32, #tpu.memory_space<vmem>>)
    %dma_wait3A_141 = arith.constant 8192 : i32
    %dma_wait3A_142 = tpu.memref_slice %arg5[%dma_wait3A_141] : memref<32768xf32, #tpu.memory_space<vmem>> -> memref<8192xf32, #tpu.memory_space<vmem>>
    %dma_wait3A_143 = arith.constant 8192 : i32
    %dma_wait3A_144 = tpu.memref_slice %arg2[%add3A_44, %dma_wait3A_143] : memref<64x32768xf32, #tpu.memory_space<hbm>> -> memref<1x8192xf32, #tpu.memory_space<hbm>>
    %dma_wait3A_145 = tpu.memref_squeeze %dma_wait3A_144 : memref<1x8192xf32, #tpu.memory_space<hbm>> -> memref<8192xf32, #tpu.memory_space<hbm>>
    %dma_wait3A_146 = arith.constant 8192 : i32
    %dma_wait3A_147 = tpu.memref_slice %arg5[%dma_wait3A_146] : memref<32768xf32, #tpu.memory_space<vmem>> -> memref<8192xf32, #tpu.memory_space<vmem>>
    %dma_wait3A_148 = arith.constant 8192 : i32
    %dma_wait3A_149 = tpu.memref_slice %arg2[%add3A_44, %dma_wait3A_148] : memref<64x32768xf32, #tpu.memory_space<hbm>> -> memref<1x8192xf32, #tpu.memory_space<hbm>>
    %dma_wait3A_150 = tpu.memref_squeeze %dma_wait3A_149 : memref<1x8192xf32, #tpu.memory_space<hbm>> -> memref<8192xf32, #tpu.memory_space<hbm>>
    tpu.wait_dma2 semaphore(%arg10 : memref<!tpu.dma_semaphore, #tpu.memory_space<semaphore_mem>>) src(%dma_wait3A_150 : memref<8192xf32, #tpu.memory_space<hbm>>) dst(%dma_wait3A_147 : memref<8192xf32, #tpu.memory_space<vmem>>)
    %parallel_loop3A_151 = arith.constant 512 : i32
    %parallel_loop3A_152 = arith.constant 1024 : i32
    %parallel_loop3A_153 = arith.constant 1 : i32
    scf.for %parallel_loop3A_1503 = %parallel_loop3A_151 to %parallel_loop3A_152 step %parallel_loop3A_153  : i32 {
      %parallel_loop3A_1504 = arith.constant 16 : i32
      %parallel_loop3A_1505 = arith.muli %parallel_loop3A_1503, %parallel_loop3A_1504 : i32
      %parallel_loop3A_1506 = arith.index_cast %parallel_loop3A_1505 : i32 to index
      %parallel_loop3A_1507 = tpu.vector_load %arg4[%parallel_loop3A_1506] {strides = array<i32>} : memref<32768xf32, #tpu.memory_space<vmem>>, vector<16xf32>,
      %parallel_loop3A_1508 = vector.bitcast %parallel_loop3A_1507 : vector<16xf32> to vector<16xi32>
      %parallel_loop3A_1509 = arith.constant 16 : i32
      %parallel_loop3A_1510 = arith.muli %parallel_loop3A_1503, %parallel_loop3A_1509 : i32
      %parallel_loop3A_1511 = arith.index_cast %parallel_loop3A_1510 : i32 to index
      %parallel_loop3A_1512 = tpu.vector_load %arg5[%parallel_loop3A_1511] {strides = array<i32>} : memref<32768xf32, #tpu.memory_space<vmem>>, vector<16xf32>,
      %parallel_loop3A_1513 = vector.bitcast %parallel_loop3A_1512 : vector<16xf32> to vector<16xi32>
      %parallel_loop3A_1514 = arith.constant 19 : i32
      %parallel_loop3A_1515 = vector.broadcast %parallel_loop3A_1514 : i32 to vector<16xi32>
      %parallel_loop3A_1516 = arith.shrsi %parallel_loop3A_1508, %parallel_loop3A_1515 : vector<16xi32>
      %parallel_loop3A_1517 = arith.constant 4080 : i32
      %parallel_loop3A_1518 = vector.broadcast %parallel_loop3A_1517 : i32 to vector<16xi32>
      %parallel_loop3A_1519 = arith.andi %parallel_loop3A_1516, %parallel_loop3A_1518 : vector<16xi32>
      %parallel_loop3A_1520 = arith.addi %parallel_loop3A_1519, %iota3A : vector<16xi32>
      %parallel_loop3A_1521 = arith.constant 19 : i32
      %parallel_loop3A_1522 = vector.broadcast %parallel_loop3A_1521 : i32 to vector<16xi32>
      %parallel_loop3A_1523 = arith.shrsi %parallel_loop3A_1513, %parallel_loop3A_1522 : vector<16xi32>
      %parallel_loop3A_1524 = arith.constant 4080 : i32
      %parallel_loop3A_1525 = vector.broadcast %parallel_loop3A_1524 : i32 to vector<16xi32>
      %parallel_loop3A_1526 = arith.andi %parallel_loop3A_1523, %parallel_loop3A_1525 : vector<16xi32>
      %parallel_loop3A_1527 = arith.addi %parallel_loop3A_1526, %iota3A : vector<16xi32>
      tpu.vector_store_idx %arg6[%parallel_loop3A_1520], %broadcast_in_dim3A_0 {add = true} : memref<4096xi32, #tpu.memory_space<vmem>>[vector<16xi32>], vector<16xi32>,
      tpu.vector_store_idx %arg7[%parallel_loop3A_1527], %broadcast_in_dim3A_0 {add = true} : memref<4096xi32, #tpu.memory_space<vmem>>[vector<16xi32>], vector<16xi32>,
    } {sc.loop_unroll_factor = 8 : i64, sc.parallel_access}
    %dma_wait3A_154 = arith.constant 16384 : i32
    %dma_wait3A_155 = tpu.memref_slice %arg4[%dma_wait3A_154] : memref<32768xf32, #tpu.memory_space<vmem>> -> memref<8192xf32, #tpu.memory_space<vmem>>
    %dma_wait3A_156 = arith.constant 16384 : i32
    %dma_wait3A_157 = tpu.memref_slice %arg2[%mul3A_56, %dma_wait3A_156] : memref<64x32768xf32, #tpu.memory_space<hbm>> -> memref<1x8192xf32, #tpu.memory_space<hbm>>
    %dma_wait3A_158 = tpu.memref_squeeze %dma_wait3A_157 : memref<1x8192xf32, #tpu.memory_space<hbm>> -> memref<8192xf32, #tpu.memory_space<hbm>>
    %dma_wait3A_159 = arith.constant 16384 : i32
    %dma_wait3A_160 = tpu.memref_slice %arg4[%dma_wait3A_159] : memref<32768xf32, #tpu.memory_space<vmem>> -> memref<8192xf32, #tpu.memory_space<vmem>>
    %dma_wait3A_161 = arith.constant 16384 : i32
    %dma_wait3A_162 = tpu.memref_slice %arg2[%mul3A_56, %dma_wait3A_161] : memref<64x32768xf32, #tpu.memory_space<hbm>> -> memref<1x8192xf32, #tpu.memory_space<hbm>>
    %dma_wait3A_163 = tpu.memref_squeeze %dma_wait3A_162 : memref<1x8192xf32, #tpu.memory_space<hbm>> -> memref<8192xf32, #tpu.memory_space<hbm>>
    tpu.wait_dma2 semaphore(%arg11 : memref<!tpu.dma_semaphore, #tpu.memory_space<semaphore_mem>>) src(%dma_wait3A_163 : memref<8192xf32, #tpu.memory_space<hbm>>) dst(%dma_wait3A_160 : memref<8192xf32, #tpu.memory_space<vmem>>)
    %dma_wait3A_164 = arith.constant 16384 : i32
    %dma_wait3A_165 = tpu.memref_slice %arg5[%dma_wait3A_164] : memref<32768xf32, #tpu.memory_space<vmem>> -> memref<8192xf32, #tpu.memory_space<vmem>>
    %dma_wait3A_166 = arith.constant 16384 : i32
    %dma_wait3A_167 = tpu.memref_slice %arg2[%add3A_70, %dma_wait3A_166] : memref<64x32768xf32, #tpu.memory_space<hbm>> -> memref<1x8192xf32, #tpu.memory_space<hbm>>
    %dma_wait3A_168 = tpu.memref_squeeze %dma_wait3A_167 : memref<1x8192xf32, #tpu.memory_space<hbm>> -> memref<8192xf32, #tpu.memory_space<hbm>>
    %dma_wait3A_169 = arith.constant 16384 : i32
    %dma_wait3A_170 = tpu.memref_slice %arg5[%dma_wait3A_169] : memref<32768xf32, #tpu.memory_space<vmem>> -> memref<8192xf32, #tpu.memory_space<vmem>>
    %dma_wait3A_171 = arith.constant 16384 : i32
    %dma_wait3A_172 = tpu.memref_slice %arg2[%add3A_70, %dma_wait3A_171] : memref<64x32768xf32, #tpu.memory_space<hbm>> -> memref<1x8192xf32, #tpu.memory_space<hbm>>
    %dma_wait3A_173 = tpu.memref_squeeze %dma_wait3A_172 : memref<1x8192xf32, #tpu.memory_space<hbm>> -> memref<8192xf32, #tpu.memory_space<hbm>>
    tpu.wait_dma2 semaphore(%arg11 : memref<!tpu.dma_semaphore, #tpu.memory_space<semaphore_mem>>) src(%dma_wait3A_173 : memref<8192xf32, #tpu.memory_space<hbm>>) dst(%dma_wait3A_170 : memref<8192xf32, #tpu.memory_space<vmem>>)
    %parallel_loop3A_174 = arith.constant 1024 : i32
    %parallel_loop3A_175 = arith.constant 1536 : i32
    %parallel_loop3A_176 = arith.constant 1 : i32
    scf.for %parallel_loop3A_1503 = %parallel_loop3A_174 to %parallel_loop3A_175 step %parallel_loop3A_176  : i32 {
      %parallel_loop3A_1504 = arith.constant 16 : i32
      %parallel_loop3A_1505 = arith.muli %parallel_loop3A_1503, %parallel_loop3A_1504 : i32
      %parallel_loop3A_1506 = arith.index_cast %parallel_loop3A_1505 : i32 to index
      %parallel_loop3A_1507 = tpu.vector_load %arg4[%parallel_loop3A_1506] {strides = array<i32>} : memref<32768xf32, #tpu.memory_space<vmem>>, vector<16xf32>,
      %parallel_loop3A_1508 = vector.bitcast %parallel_loop3A_1507 : vector<16xf32> to vector<16xi32>
      %parallel_loop3A_1509 = arith.constant 16 : i32
      %parallel_loop3A_1510 = arith.muli %parallel_loop3A_1503, %parallel_loop3A_1509 : i32
      %parallel_loop3A_1511 = arith.index_cast %parallel_loop3A_1510 : i32 to index
      %parallel_loop3A_1512 = tpu.vector_load %arg5[%parallel_loop3A_1511] {strides = array<i32>} : memref<32768xf32, #tpu.memory_space<vmem>>, vector<16xf32>,
      %parallel_loop3A_1513 = vector.bitcast %parallel_loop3A_1512 : vector<16xf32> to vector<16xi32>
      %parallel_loop3A_1514 = arith.constant 19 : i32
      %parallel_loop3A_1515 = vector.broadcast %parallel_loop3A_1514 : i32 to vector<16xi32>
      %parallel_loop3A_1516 = arith.shrsi %parallel_loop3A_1508, %parallel_loop3A_1515 : vector<16xi32>
      %parallel_loop3A_1517 = arith.constant 4080 : i32
      %parallel_loop3A_1518 = vector.broadcast %parallel_loop3A_1517 : i32 to vector<16xi32>
      %parallel_loop3A_1519 = arith.andi %parallel_loop3A_1516, %parallel_loop3A_1518 : vector<16xi32>
      %parallel_loop3A_1520 = arith.addi %parallel_loop3A_1519, %iota3A : vector<16xi32>
      %parallel_loop3A_1521 = arith.constant 19 : i32
      %parallel_loop3A_1522 = vector.broadcast %parallel_loop3A_1521 : i32 to vector<16xi32>
      %parallel_loop3A_1523 = arith.shrsi %parallel_loop3A_1513, %parallel_loop3A_1522 : vector<16xi32>
      %parallel_loop3A_1524 = arith.constant 4080 : i32
      %parallel_loop3A_1525 = vector.broadcast %parallel_loop3A_1524 : i32 to vector<16xi32>
      %parallel_loop3A_1526 = arith.andi %parallel_loop3A_1523, %parallel_loop3A_1525 : vector<16xi32>
      %parallel_loop3A_1527 = arith.addi %parallel_loop3A_1526, %iota3A : vector<16xi32>
      tpu.vector_store_idx %arg6[%parallel_loop3A_1520], %broadcast_in_dim3A_0 {add = true} : memref<4096xi32, #tpu.memory_space<vmem>>[vector<16xi32>], vector<16xi32>,
      tpu.vector_store_idx %arg7[%parallel_loop3A_1527], %broadcast_in_dim3A_0 {add = true} : memref<4096xi32, #tpu.memory_space<vmem>>[vector<16xi32>], vector<16xi32>,
    } {sc.loop_unroll_factor = 8 : i64, sc.parallel_access}
    %dma_wait3A_177 = arith.constant 24576 : i32
    %dma_wait3A_178 = tpu.memref_slice %arg4[%dma_wait3A_177] : memref<32768xf32, #tpu.memory_space<vmem>> -> memref<8192xf32, #tpu.memory_space<vmem>>
    %dma_wait3A_179 = arith.constant 24576 : i32
    %dma_wait3A_180 = tpu.memref_slice %arg2[%mul3A_82, %dma_wait3A_179] : memref<64x32768xf32, #tpu.memory_space<hbm>> -> memref<1x8192xf32, #tpu.memory_space<hbm>>
    %dma_wait3A_181 = tpu.memref_squeeze %dma_wait3A_180 : memref<1x8192xf32, #tpu.memory_space<hbm>> -> memref<8192xf32, #tpu.memory_space<hbm>>
    %dma_wait3A_182 = arith.constant 24576 : i32
    %dma_wait3A_183 = tpu.memref_slice %arg4[%dma_wait3A_182] : memref<32768xf32, #tpu.memory_space<vmem>> -> memref<8192xf32, #tpu.memory_space<vmem>>
    %dma_wait3A_184 = arith.constant 24576 : i32
    %dma_wait3A_185 = tpu.memref_slice %arg2[%mul3A_82, %dma_wait3A_184] : memref<64x32768xf32, #tpu.memory_space<hbm>> -> memref<1x8192xf32, #tpu.memory_space<hbm>>
    %dma_wait3A_186 = tpu.memref_squeeze %dma_wait3A_185 : memref<1x8192xf32, #tpu.memory_space<hbm>> -> memref<8192xf32, #tpu.memory_space<hbm>>
    tpu.wait_dma2 semaphore(%arg12 : memref<!tpu.dma_semaphore, #tpu.memory_space<semaphore_mem>>) src(%dma_wait3A_186 : memref<8192xf32, #tpu.memory_space<hbm>>) dst(%dma_wait3A_183 : memref<8192xf32, #tpu.memory_space<vmem>>)
    %dma_wait3A_187 = arith.constant 24576 : i32
    %dma_wait3A_188 = tpu.memref_slice %arg5[%dma_wait3A_187] : memref<32768xf32, #tpu.memory_space<vmem>> -> memref<8192xf32, #tpu.memory_space<vmem>>
    %dma_wait3A_189 = arith.constant 24576 : i32
    %dma_wait3A_190 = tpu.memref_slice %arg2[%add3A_96, %dma_wait3A_189] : memref<64x32768xf32, #tpu.memory_space<hbm>> -> memref<1x8192xf32, #tpu.memory_space<hbm>>
    %dma_wait3A_191 = tpu.memref_squeeze %dma_wait3A_190 : memref<1x8192xf32, #tpu.memory_space<hbm>> -> memref<8192xf32, #tpu.memory_space<hbm>>
    %dma_wait3A_192 = arith.constant 24576 : i32
    %dma_wait3A_193 = tpu.memref_slice %arg5[%dma_wait3A_192] : memref<32768xf32, #tpu.memory_space<vmem>> -> memref<8192xf32, #tpu.memory_space<vmem>>
    %dma_wait3A_194 = arith.constant 24576 : i32
    %dma_wait3A_195 = tpu.memref_slice %arg2[%add3A_96, %dma_wait3A_194] : memref<64x32768xf32, #tpu.memory_space<hbm>> -> memref<1x8192xf32, #tpu.memory_space<hbm>>
    %dma_wait3A_196 = tpu.memref_squeeze %dma_wait3A_195 : memref<1x8192xf32, #tpu.memory_space<hbm>> -> memref<8192xf32, #tpu.memory_space<hbm>>
    tpu.wait_dma2 semaphore(%arg12 : memref<!tpu.dma_semaphore, #tpu.memory_space<semaphore_mem>>) src(%dma_wait3A_196 : memref<8192xf32, #tpu.memory_space<hbm>>) dst(%dma_wait3A_193 : memref<8192xf32, #tpu.memory_space<vmem>>)
    %parallel_loop3A_197 = arith.constant 1536 : i32
    %parallel_loop3A_198 = arith.constant 2048 : i32
    %parallel_loop3A_199 = arith.constant 1 : i32
    scf.for %parallel_loop3A_1503 = %parallel_loop3A_197 to %parallel_loop3A_198 step %parallel_loop3A_199  : i32 {
      %parallel_loop3A_1504 = arith.constant 16 : i32
      %parallel_loop3A_1505 = arith.muli %parallel_loop3A_1503, %parallel_loop3A_1504 : i32
      %parallel_loop3A_1506 = arith.index_cast %parallel_loop3A_1505 : i32 to index
      %parallel_loop3A_1507 = tpu.vector_load %arg4[%parallel_loop3A_1506] {strides = array<i32>} : memref<32768xf32, #tpu.memory_space<vmem>>, vector<16xf32>,
      %parallel_loop3A_1508 = vector.bitcast %parallel_loop3A_1507 : vector<16xf32> to vector<16xi32>
      %parallel_loop3A_1509 = arith.constant 16 : i32
      %parallel_loop3A_1510 = arith.muli %parallel_loop3A_1503, %parallel_loop3A_1509 : i32
      %parallel_loop3A_1511 = arith.index_cast %parallel_loop3A_1510 : i32 to index
      %parallel_loop3A_1512 = tpu.vector_load %arg5[%parallel_loop3A_1511] {strides = array<i32>} : memref<32768xf32, #tpu.memory_space<vmem>>, vector<16xf32>,
      %parallel_loop3A_1513 = vector.bitcast %parallel_loop3A_1512 : vector<16xf32> to vector<16xi32>
      %parallel_loop3A_1514 = arith.constant 19 : i32
      %parallel_loop3A_1515 = vector.broadcast %parallel_loop3A_1514 : i32 to vector<16xi32>
      %parallel_loop3A_1516 = arith.shrsi %parallel_loop3A_1508, %parallel_loop3A_1515 : vector<16xi32>
      %parallel_loop3A_1517 = arith.constant 4080 : i32
      %parallel_loop3A_1518 = vector.broadcast %parallel_loop3A_1517 : i32 to vector<16xi32>
      %parallel_loop3A_1519 = arith.andi %parallel_loop3A_1516, %parallel_loop3A_1518 : vector<16xi32>
      %parallel_loop3A_1520 = arith.addi %parallel_loop3A_1519, %iota3A : vector<16xi32>
      %parallel_loop3A_1521 = arith.constant 19 : i32
      %parallel_loop3A_1522 = vector.broadcast %parallel_loop3A_1521 : i32 to vector<16xi32>
      %parallel_loop3A_1523 = arith.shrsi %parallel_loop3A_1513, %parallel_loop3A_1522 : vector<16xi32>
      %parallel_loop3A_1524 = arith.constant 4080 : i32
      %parallel_loop3A_1525 = vector.broadcast %parallel_loop3A_1524 : i32 to vector<16xi32>
      %parallel_loop3A_1526 = arith.andi %parallel_loop3A_1523, %parallel_loop3A_1525 : vector<16xi32>
      %parallel_loop3A_1527 = arith.addi %parallel_loop3A_1526, %iota3A : vector<16xi32>
      tpu.vector_store_idx %arg6[%parallel_loop3A_1520], %broadcast_in_dim3A_0 {add = true} : memref<4096xi32, #tpu.memory_space<vmem>>[vector<16xi32>], vector<16xi32>,
      tpu.vector_store_idx %arg7[%parallel_loop3A_1527], %broadcast_in_dim3A_0 {add = true} : memref<4096xi32, #tpu.memory_space<vmem>>[vector<16xi32>], vector<16xi32>,
    } {sc.loop_unroll_factor = 8 : i64, sc.parallel_access}
    %parallel_loop3A_200 = arith.constant 0 : i32
    %parallel_loop3A_201 = arith.constant 256 : i32
    %parallel_loop3A_202 = arith.constant 1 : i32
    %parallel_loop3A_203:2 = scf.for %parallel_loop3A_1503 = %parallel_loop3A_200 to %parallel_loop3A_201 step %parallel_loop3A_202 iter_args(%parallel_loop3A_1504 = %broadcast_in_dim3A_2, %parallel_loop3A_1505 = %broadcast_in_dim3A_2) -> (vector<16xi32>, vector<16xi32>)  : i32 {
      %parallel_loop3A_1506 = arith.constant 255 : i32
      %parallel_loop3A_1507 = arith.subi %parallel_loop3A_1506, %parallel_loop3A_1503 : i32
      %parallel_loop3A_1508 = arith.constant 16 : i32
      %parallel_loop3A_1509 = arith.muli %parallel_loop3A_1507, %parallel_loop3A_1508 : i32
      %parallel_loop3A_1510 = arith.index_cast %parallel_loop3A_1509 : i32 to index
      %parallel_loop3A_1511 = tpu.vector_load %arg6[%parallel_loop3A_1510] {strides = array<i32>} : memref<4096xi32, #tpu.memory_space<vmem>>, vector<16xi32>,
      %parallel_loop3A_1512 = arith.addi %parallel_loop3A_1504, %parallel_loop3A_1511 : vector<16xi32>
      %parallel_loop3A_1513 = arith.constant 16 : i32
      %parallel_loop3A_1514 = arith.muli %parallel_loop3A_1507, %parallel_loop3A_1513 : i32
      %parallel_loop3A_1515 = arith.index_cast %parallel_loop3A_1514 : i32 to index
      %parallel_loop3A_1516 = tpu.vector_load %arg7[%parallel_loop3A_1515] {strides = array<i32>} : memref<4096xi32, #tpu.memory_space<vmem>>, vector<16xi32>,
      %parallel_loop3A_1517 = arith.addi %parallel_loop3A_1505, %parallel_loop3A_1516 : vector<16xi32>
      %parallel_loop3A_1518 = arith.constant 16 : i32
      %parallel_loop3A_1519 = arith.muli %parallel_loop3A_1507, %parallel_loop3A_1518 : i32
      %parallel_loop3A_1520 = arith.index_cast %parallel_loop3A_1519 : i32 to index
      %parallel_loop3A_1521 = tpu.vector_load %arg6[%parallel_loop3A_1520] {strides = array<i32>} : memref<4096xi32, #tpu.memory_space<vmem>>, vector<16xi32>,
      tpu.vector_store %arg6[%parallel_loop3A_1520], %parallel_loop3A_1512 {strides = array<i32>} : memref<4096xi32, #tpu.memory_space<vmem>>, vector<16xi32>,
      %parallel_loop3A_1522 = arith.constant 16 : i32
      %parallel_loop3A_1523 = arith.muli %parallel_loop3A_1507, %parallel_loop3A_1522 : i32
      %parallel_loop3A_1524 = arith.index_cast %parallel_loop3A_1523 : i32 to index
      %parallel_loop3A_1525 = tpu.vector_load %arg7[%parallel_loop3A_1524] {strides = array<i32>} : memref<4096xi32, #tpu.memory_space<vmem>>, vector<16xi32>,
      tpu.vector_store %arg7[%parallel_loop3A_1524], %parallel_loop3A_1517 {strides = array<i32>} : memref<4096xi32, #tpu.memory_space<vmem>>, vector<16xi32>,
      scf.yield %parallel_loop3A_1512, %parallel_loop3A_1517 : vector<16xi32>, vector<16xi32>
    } {sc.loop_unroll_factor = 4 : i64, sc.parallel_access}
    %add3A_204 = arith.constant 0 : i32
    %add3A_205 = arith.constant 128 : i32
    %add3A_206 = arith.addi %add3A_204, %add3A_205 : i32
    %add3A_207 = arith.constant 0 : i32
    %add3A_208 = arith.constant 128 : i32
    %add3A_209 = arith.addi %add3A_207, %add3A_208 : i32
    %min3A = arith.constant 255 : i32
    %min3A_210 = arith.minsi %add3A_206, %min3A : i32
    %mul3A_211 = arith.constant 16 : i32
    %mul3A_212 = arith.muli %min3A_210, %mul3A_211 : i32
    %get3A = arith.index_cast %mul3A_212 : i32 to index
    %get3A_213 = tpu.vector_load %arg6[%get3A] {strides = array<i32>} : memref<4096xi32, #tpu.memory_space<vmem>>, vector<16xi32>,
    %reduce_sum3A = arith.constant true
    %reduce_sum3A_214 = vector.broadcast %reduce_sum3A : i1 to vector<16xi1>
    %reduce_sum3A_215 = tpu.scan <sum>, %get3A_213 masked %reduce_sum3A_214 : vector<16xi32>, vector<16xi1> -> vector<16xi32>
    %reduce_sum3A_216 = vector.extract %reduce_sum3A_215[15] : i32 from vector<16xi32>
    %min3A_217 = arith.constant 255 : i32
    %min3A_218 = arith.minsi %add3A_209, %min3A_217 : i32
    %mul3A_219 = arith.constant 16 : i32
    %mul3A_220 = arith.muli %min3A_218, %mul3A_219 : i32
    %get3A_221 = arith.index_cast %mul3A_220 : i32 to index
    %get3A_222 = tpu.vector_load %arg7[%get3A_221] {strides = array<i32>} : memref<4096xi32, #tpu.memory_space<vmem>>, vector<16xi32>,
    %reduce_sum3A_223 = arith.constant true
    %reduce_sum3A_224 = vector.broadcast %reduce_sum3A_223 : i1 to vector<16xi1>
    %reduce_sum3A_225 = tpu.scan <sum>, %get3A_222 masked %reduce_sum3A_224 : vector<16xi32>, vector<16xi1> -> vector<16xi32>
    %reduce_sum3A_226 = vector.extract %reduce_sum3A_225[15] : i32 from vector<16xi32>
    %le3A = arith.constant 255 : i32
    %le3A_227 = arith.cmpi sle, %add3A_206, %le3A : i32
    %ge3A = arith.constant 3276 : i32
    %ge3A_228 = arith.cmpi sge, %reduce_sum3A_216, %ge3A : i32
    %and3A = arith.andi %le3A_227, %ge3A_228 : i1
    %jit3A = arith.constant 0 : i32
    %select_n3A = arith.select %and3A, %add3A_206, %jit3A : i32
    %le3A_229 = arith.constant 255 : i32
    %le3A_230 = arith.cmpi sle, %add3A_209, %le3A_229 : i32
    %ge3A_231 = arith.constant 3276 : i32
    %ge3A_232 = arith.cmpi sge, %reduce_sum3A_226, %ge3A_231 : i32
    %and3A_233 = arith.andi %le3A_230, %ge3A_232 : i1
    %jit3A_234 = arith.constant 0 : i32
    %select_n3A_235 = arith.select %and3A_233, %add3A_209, %jit3A_234 : i32
    %add3A_236 = arith.constant 64 : i32
    %add3A_237 = arith.addi %select_n3A, %add3A_236 : i32
    %add3A_238 = arith.constant 64 : i32
    %add3A_239 = arith.addi %select_n3A_235, %add3A_238 : i32
    %min3A_240 = arith.constant 255 : i32
    %min3A_241 = arith.minsi %add3A_237, %min3A_240 : i32
    %mul3A_242 = arith.constant 16 : i32
    %mul3A_243 = arith.muli %min3A_241, %mul3A_242 : i32
    %get3A_244 = arith.index_cast %mul3A_243 : i32 to index
    %get3A_245 = tpu.vector_load %arg6[%get3A_244] {strides = array<i32>} : memref<4096xi32, #tpu.memory_space<vmem>>, vector<16xi32>,
    %reduce_sum3A_246 = arith.constant true
    %reduce_sum3A_247 = vector.broadcast %reduce_sum3A_246 : i1 to vector<16xi1>
    %reduce_sum3A_248 = tpu.scan <sum>, %get3A_245 masked %reduce_sum3A_247 : vector<16xi32>, vector<16xi1> -> vector<16xi32>
    %reduce_sum3A_249 = vector.extract %reduce_sum3A_248[15] : i32 from vector<16xi32>
    %min3A_250 = arith.constant 255 : i32
    %min3A_251 = arith.minsi %add3A_239, %min3A_250 : i32
    %mul3A_252 = arith.constant 16 : i32
    %mul3A_253 = arith.muli %min3A_251, %mul3A_252 : i32
    %get3A_254 = arith.index_cast %mul3A_253 : i32 to index
    %get3A_255 = tpu.vector_load %arg7[%get3A_254] {strides = array<i32>} : memref<4096xi32, #tpu.memory_space<vmem>>, vector<16xi32>,
    %reduce_sum3A_256 = arith.constant true
    %reduce_sum3A_257 = vector.broadcast %reduce_sum3A_256 : i1 to vector<16xi1>
    %reduce_sum3A_258 = tpu.scan <sum>, %get3A_255 masked %reduce_sum3A_257 : vector<16xi32>, vector<16xi1> -> vector<16xi32>
    %reduce_sum3A_259 = vector.extract %reduce_sum3A_258[15] : i32 from vector<16xi32>
    %le3A_260 = arith.constant 255 : i32
    %le3A_261 = arith.cmpi sle, %add3A_237, %le3A_260 : i32
    %ge3A_262 = arith.constant 3276 : i32
    %ge3A_263 = arith.cmpi sge, %reduce_sum3A_249, %ge3A_262 : i32
    %and3A_264 = arith.andi %le3A_261, %ge3A_263 : i1
    %select_n3A_265 = arith.select %and3A_264, %add3A_237, %select_n3A : i32
    %le3A_266 = arith.constant 255 : i32
    %le3A_267 = arith.cmpi sle, %add3A_239, %le3A_266 : i32
    %ge3A_268 = arith.constant 3276 : i32
    %ge3A_269 = arith.cmpi sge, %reduce_sum3A_259, %ge3A_268 : i32
    %and3A_270 = arith.andi %le3A_267, %ge3A_269 : i1
    %select_n3A_271 = arith.select %and3A_270, %add3A_239, %select_n3A_235 : i32
    %add3A_272 = arith.constant 32 : i32
    %add3A_273 = arith.addi %select_n3A_265, %add3A_272 : i32
    %add3A_274 = arith.constant 32 : i32
    %add3A_275 = arith.addi %select_n3A_271, %add3A_274 : i32
    %min3A_276 = arith.constant 255 : i32
    %min3A_277 = arith.minsi %add3A_273, %min3A_276 : i32
    %mul3A_278 = arith.constant 16 : i32
    %mul3A_279 = arith.muli %min3A_277, %mul3A_278 : i32
    %get3A_280 = arith.index_cast %mul3A_279 : i32 to index
    %get3A_281 = tpu.vector_load %arg6[%get3A_280] {strides = array<i32>} : memref<4096xi32, #tpu.memory_space<vmem>>, vector<16xi32>,
    %reduce_sum3A_282 = arith.constant true
    %reduce_sum3A_283 = vector.broadcast %reduce_sum3A_282 : i1 to vector<16xi1>
    %reduce_sum3A_284 = tpu.scan <sum>, %get3A_281 masked %reduce_sum3A_283 : vector<16xi32>, vector<16xi1> -> vector<16xi32>
    %reduce_sum3A_285 = vector.extract %reduce_sum3A_284[15] : i32 from vector<16xi32>
    %min3A_286 = arith.constant 255 : i32
    %min3A_287 = arith.minsi %add3A_275, %min3A_286 : i32
    %mul3A_288 = arith.constant 16 : i32
    %mul3A_289 = arith.muli %min3A_287, %mul3A_288 : i32
    %get3A_290 = arith.index_cast %mul3A_289 : i32 to index
    %get3A_291 = tpu.vector_load %arg7[%get3A_290] {strides = array<i32>} : memref<4096xi32, #tpu.memory_space<vmem>>, vector<16xi32>,
    %reduce_sum3A_292 = arith.constant true
    %reduce_sum3A_293 = vector.broadcast %reduce_sum3A_292 : i1 to vector<16xi1>
    %reduce_sum3A_294 = tpu.scan <sum>, %get3A_291 masked %reduce_sum3A_293 : vector<16xi32>, vector<16xi1> -> vector<16xi32>
    %reduce_sum3A_295 = vector.extract %reduce_sum3A_294[15] : i32 from vector<16xi32>
    %le3A_296 = arith.constant 255 : i32
    %le3A_297 = arith.cmpi sle, %add3A_273, %le3A_296 : i32
    %ge3A_298 = arith.constant 3276 : i32
    %ge3A_299 = arith.cmpi sge, %reduce_sum3A_285, %ge3A_298 : i32
    %and3A_300 = arith.andi %le3A_297, %ge3A_299 : i1
    %select_n3A_301 = arith.select %and3A_300, %add3A_273, %select_n3A_265 : i32
    %le3A_302 = arith.constant 255 : i32
    %le3A_303 = arith.cmpi sle, %add3A_275, %le3A_302 : i32
    %ge3A_304 = arith.constant 3276 : i32
    %ge3A_305 = arith.cmpi sge, %reduce_sum3A_295, %ge3A_304 : i32
    %and3A_306 = arith.andi %le3A_303, %ge3A_305 : i1
    %select_n3A_307 = arith.select %and3A_306, %add3A_275, %select_n3A_271 : i32
    %add3A_308 = arith.constant 16 : i32
    %add3A_309 = arith.addi %select_n3A_301, %add3A_308 : i32
    %add3A_310 = arith.constant 16 : i32
    %add3A_311 = arith.addi %select_n3A_307, %add3A_310 : i32
    %min3A_312 = arith.constant 255 : i32
    %min3A_313 = arith.minsi %add3A_309, %min3A_312 : i32
    %mul3A_314 = arith.constant 16 : i32
    %mul3A_315 = arith.muli %min3A_313, %mul3A_314 : i32
    %get3A_316 = arith.index_cast %mul3A_315 : i32 to index
    %get3A_317 = tpu.vector_load %arg6[%get3A_316] {strides = array<i32>} : memref<4096xi32, #tpu.memory_space<vmem>>, vector<16xi32>,
    %reduce_sum3A_318 = arith.constant true
    %reduce_sum3A_319 = vector.broadcast %reduce_sum3A_318 : i1 to vector<16xi1>
    %reduce_sum3A_320 = tpu.scan <sum>, %get3A_317 masked %reduce_sum3A_319 : vector<16xi32>, vector<16xi1> -> vector<16xi32>
    %reduce_sum3A_321 = vector.extract %reduce_sum3A_320[15] : i32 from vector<16xi32>
    %min3A_322 = arith.constant 255 : i32
    %min3A_323 = arith.minsi %add3A_311, %min3A_322 : i32
    %mul3A_324 = arith.constant 16 : i32
    %mul3A_325 = arith.muli %min3A_323, %mul3A_324 : i32
    %get3A_326 = arith.index_cast %mul3A_325 : i32 to index
    %get3A_327 = tpu.vector_load %arg7[%get3A_326] {strides = array<i32>} : memref<4096xi32, #tpu.memory_space<vmem>>, vector<16xi32>,
    %reduce_sum3A_328 = arith.constant true
    %reduce_sum3A_329 = vector.broadcast %reduce_sum3A_328 : i1 to vector<16xi1>
    %reduce_sum3A_330 = tpu.scan <sum>, %get3A_327 masked %reduce_sum3A_329 : vector<16xi32>, vector<16xi1> -> vector<16xi32>
    %reduce_sum3A_331 = vector.extract %reduce_sum3A_330[15] : i32 from vector<16xi32>
    %le3A_332 = arith.constant 255 : i32
    %le3A_333 = arith.cmpi sle, %add3A_309, %le3A_332 : i32
    %ge3A_334 = arith.constant 3276 : i32
    %ge3A_335 = arith.cmpi sge, %reduce_sum3A_321, %ge3A_334 : i32
    %and3A_336 = arith.andi %le3A_333, %ge3A_335 : i1
    %select_n3A_337 = arith.select %and3A_336, %add3A_309, %select_n3A_301 : i32
    %le3A_338 = arith.constant 255 : i32
    %le3A_339 = arith.cmpi sle, %add3A_311, %le3A_338 : i32
    %ge3A_340 = arith.constant 3276 : i32
    %ge3A_341 = arith.cmpi sge, %reduce_sum3A_331, %ge3A_340 : i32
    %and3A_342 = arith.andi %le3A_339, %ge3A_341 : i1
    %select_n3A_343 = arith.select %and3A_342, %add3A_311, %select_n3A_307 : i32
    %add3A_344 = arith.constant 8 : i32
    %add3A_345 = arith.addi %select_n3A_337, %add3A_344 : i32
    %add3A_346 = arith.constant 8 : i32
    %add3A_347 = arith.addi %select_n3A_343, %add3A_346 : i32
    %min3A_348 = arith.constant 255 : i32
    %min3A_349 = arith.minsi %add3A_345, %min3A_348 : i32
    %mul3A_350 = arith.constant 16 : i32
    %mul3A_351 = arith.muli %min3A_349, %mul3A_350 : i32
    %get3A_352 = arith.index_cast %mul3A_351 : i32 to index
    %get3A_353 = tpu.vector_load %arg6[%get3A_352] {strides = array<i32>} : memref<4096xi32, #tpu.memory_space<vmem>>, vector<16xi32>,
    %reduce_sum3A_354 = arith.constant true
    %reduce_sum3A_355 = vector.broadcast %reduce_sum3A_354 : i1 to vector<16xi1>
    %reduce_sum3A_356 = tpu.scan <sum>, %get3A_353 masked %reduce_sum3A_355 : vector<16xi32>, vector<16xi1> -> vector<16xi32>
    %reduce_sum3A_357 = vector.extract %reduce_sum3A_356[15] : i32 from vector<16xi32>
    %min3A_358 = arith.constant 255 : i32
    %min3A_359 = arith.minsi %add3A_347, %min3A_358 : i32
    %mul3A_360 = arith.constant 16 : i32
    %mul3A_361 = arith.muli %min3A_359, %mul3A_360 : i32
    %get3A_362 = arith.index_cast %mul3A_361 : i32 to index
    %get3A_363 = tpu.vector_load %arg7[%get3A_362] {strides = array<i32>} : memref<4096xi32, #tpu.memory_space<vmem>>, vector<16xi32>,
    %reduce_sum3A_364 = arith.constant true
    %reduce_sum3A_365 = vector.broadcast %reduce_sum3A_364 : i1 to vector<16xi1>
    %reduce_sum3A_366 = tpu.scan <sum>, %get3A_363 masked %reduce_sum3A_365 : vector<16xi32>, vector<16xi1> -> vector<16xi32>
    %reduce_sum3A_367 = vector.extract %reduce_sum3A_366[15] : i32 from vector<16xi32>
    %le3A_368 = arith.constant 255 : i32
    %le3A_369 = arith.cmpi sle, %add3A_345, %le3A_368 : i32
    %ge3A_370 = arith.constant 3276 : i32
    %ge3A_371 = arith.cmpi sge, %reduce_sum3A_357, %ge3A_370 : i32
    %and3A_372 = arith.andi %le3A_369, %ge3A_371 : i1
    %select_n3A_373 = arith.select %and3A_372, %add3A_345, %select_n3A_337 : i32
    %le3A_374 = arith.constant 255 : i32
    %le3A_375 = arith.cmpi sle, %add3A_347, %le3A_374 : i32
    %ge3A_376 = arith.constant 3276 : i32
    %ge3A_377 = arith.cmpi sge, %reduce_sum3A_367, %ge3A_376 : i32
    %and3A_378 = arith.andi %le3A_375, %ge3A_377 : i1
    %select_n3A_379 = arith.select %and3A_378, %add3A_347, %select_n3A_343 : i32
    %add3A_380 = arith.constant 4 : i32
    %add3A_381 = arith.addi %select_n3A_373, %add3A_380 : i32
    %add3A_382 = arith.constant 4 : i32
    %add3A_383 = arith.addi %select_n3A_379, %add3A_382 : i32
    %min3A_384 = arith.constant 255 : i32
    %min3A_385 = arith.minsi %add3A_381, %min3A_384 : i32
    %mul3A_386 = arith.constant 16 : i32
    %mul3A_387 = arith.muli %min3A_385, %mul3A_386 : i32
    %get3A_388 = arith.index_cast %mul3A_387 : i32 to index
    %get3A_389 = tpu.vector_load %arg6[%get3A_388] {strides = array<i32>} : memref<4096xi32, #tpu.memory_space<vmem>>, vector<16xi32>,
    %reduce_sum3A_390 = arith.constant true
    %reduce_sum3A_391 = vector.broadcast %reduce_sum3A_390 : i1 to vector<16xi1>
    %reduce_sum3A_392 = tpu.scan <sum>, %get3A_389 masked %reduce_sum3A_391 : vector<16xi32>, vector<16xi1> -> vector<16xi32>
    %reduce_sum3A_393 = vector.extract %reduce_sum3A_392[15] : i32 from vector<16xi32>
    %min3A_394 = arith.constant 255 : i32
    %min3A_395 = arith.minsi %add3A_383, %min3A_394 : i32
    %mul3A_396 = arith.constant 16 : i32
    %mul3A_397 = arith.muli %min3A_395, %mul3A_396 : i32
    %get3A_398 = arith.index_cast %mul3A_397 : i32 to index
    %get3A_399 = tpu.vector_load %arg7[%get3A_398] {strides = array<i32>} : memref<4096xi32, #tpu.memory_space<vmem>>, vector<16xi32>,
    %reduce_sum3A_400 = arith.constant true
    %reduce_sum3A_401 = vector.broadcast %reduce_sum3A_400 : i1 to vector<16xi1>
    %reduce_sum3A_402 = tpu.scan <sum>, %get3A_399 masked %reduce_sum3A_401 : vector<16xi32>, vector<16xi1> -> vector<16xi32>
    %reduce_sum3A_403 = vector.extract %reduce_sum3A_402[15] : i32 from vector<16xi32>
    %le3A_404 = arith.constant 255 : i32
    %le3A_405 = arith.cmpi sle, %add3A_381, %le3A_404 : i32
    %ge3A_406 = arith.constant 3276 : i32
    %ge3A_407 = arith.cmpi sge, %reduce_sum3A_393, %ge3A_406 : i32
    %and3A_408 = arith.andi %le3A_405, %ge3A_407 : i1
    %select_n3A_409 = arith.select %and3A_408, %add3A_381, %select_n3A_373 : i32
    %le3A_410 = arith.constant 255 : i32
    %le3A_411 = arith.cmpi sle, %add3A_383, %le3A_410 : i32
    %ge3A_412 = arith.constant 3276 : i32
    %ge3A_413 = arith.cmpi sge, %reduce_sum3A_403, %ge3A_412 : i32
    %and3A_414 = arith.andi %le3A_411, %ge3A_413 : i1
    %select_n3A_415 = arith.select %and3A_414, %add3A_383, %select_n3A_379 : i32
    %add3A_416 = arith.constant 2 : i32
    %add3A_417 = arith.addi %select_n3A_409, %add3A_416 : i32
    %add3A_418 = arith.constant 2 : i32
    %add3A_419 = arith.addi %select_n3A_415, %add3A_418 : i32
    %min3A_420 = arith.constant 255 : i32
    %min3A_421 = arith.minsi %add3A_417, %min3A_420 : i32
    %mul3A_422 = arith.constant 16 : i32
    %mul3A_423 = arith.muli %min3A_421, %mul3A_422 : i32
    %get3A_424 = arith.index_cast %mul3A_423 : i32 to index
    %get3A_425 = tpu.vector_load %arg6[%get3A_424] {strides = array<i32>} : memref<4096xi32, #tpu.memory_space<vmem>>, vector<16xi32>,
    %reduce_sum3A_426 = arith.constant true
    %reduce_sum3A_427 = vector.broadcast %reduce_sum3A_426 : i1 to vector<16xi1>
    %reduce_sum3A_428 = tpu.scan <sum>, %get3A_425 masked %reduce_sum3A_427 : vector<16xi32>, vector<16xi1> -> vector<16xi32>
    %reduce_sum3A_429 = vector.extract %reduce_sum3A_428[15] : i32 from vector<16xi32>
    %min3A_430 = arith.constant 255 : i32
    %min3A_431 = arith.minsi %add3A_419, %min3A_430 : i32
    %mul3A_432 = arith.constant 16 : i32
    %mul3A_433 = arith.muli %min3A_431, %mul3A_432 : i32
    %get3A_434 = arith.index_cast %mul3A_433 : i32 to index
    %get3A_435 = tpu.vector_load %arg7[%get3A_434] {strides = array<i32>} : memref<4096xi32, #tpu.memory_space<vmem>>, vector<16xi32>,
    %reduce_sum3A_436 = arith.constant true
    %reduce_sum3A_437 = vector.broadcast %reduce_sum3A_436 : i1 to vector<16xi1>
    %reduce_sum3A_438 = tpu.scan <sum>, %get3A_435 masked %reduce_sum3A_437 : vector<16xi32>, vector<16xi1> -> vector<16xi32>
    %reduce_sum3A_439 = vector.extract %reduce_sum3A_438[15] : i32 from vector<16xi32>
    %le3A_440 = arith.constant 255 : i32
    %le3A_441 = arith.cmpi sle, %add3A_417, %le3A_440 : i32
    %ge3A_442 = arith.constant 3276 : i32
    %ge3A_443 = arith.cmpi sge, %reduce_sum3A_429, %ge3A_442 : i32
    %and3A_444 = arith.andi %le3A_441, %ge3A_443 : i1
    %select_n3A_445 = arith.select %and3A_444, %add3A_417, %select_n3A_409 : i32
    %le3A_446 = arith.constant 255 : i32
    %le3A_447 = arith.cmpi sle, %add3A_419, %le3A_446 : i32
    %ge3A_448 = arith.constant 3276 : i32
    %ge3A_449 = arith.cmpi sge, %reduce_sum3A_439, %ge3A_448 : i32
    %and3A_450 = arith.andi %le3A_447, %ge3A_449 : i1
    %select_n3A_451 = arith.select %and3A_450, %add3A_419, %select_n3A_415 : i32
    %add3A_452 = arith.constant 1 : i32
    %add3A_453 = arith.addi %select_n3A_445, %add3A_452 : i32
    %add3A_454 = arith.constant 1 : i32
    %add3A_455 = arith.addi %select_n3A_451, %add3A_454 : i32
    %min3A_456 = arith.constant 255 : i32
    %min3A_457 = arith.minsi %add3A_453, %min3A_456 : i32
    %mul3A_458 = arith.constant 16 : i32
    %mul3A_459 = arith.muli %min3A_457, %mul3A_458 : i32
    %get3A_460 = arith.index_cast %mul3A_459 : i32 to index
    %get3A_461 = tpu.vector_load %arg6[%get3A_460] {strides = array<i32>} : memref<4096xi32, #tpu.memory_space<vmem>>, vector<16xi32>,
    %reduce_sum3A_462 = arith.constant true
    %reduce_sum3A_463 = vector.broadcast %reduce_sum3A_462 : i1 to vector<16xi1>
    %reduce_sum3A_464 = tpu.scan <sum>, %get3A_461 masked %reduce_sum3A_463 : vector<16xi32>, vector<16xi1> -> vector<16xi32>
    %reduce_sum3A_465 = vector.extract %reduce_sum3A_464[15] : i32 from vector<16xi32>
    %min3A_466 = arith.constant 255 : i32
    %min3A_467 = arith.minsi %add3A_455, %min3A_466 : i32
    %mul3A_468 = arith.constant 16 : i32
    %mul3A_469 = arith.muli %min3A_467, %mul3A_468 : i32
    %get3A_470 = arith.index_cast %mul3A_469 : i32 to index
    %get3A_471 = tpu.vector_load %arg7[%get3A_470] {strides = array<i32>} : memref<4096xi32, #tpu.memory_space<vmem>>, vector<16xi32>,
    %reduce_sum3A_472 = arith.constant true
    %reduce_sum3A_473 = vector.broadcast %reduce_sum3A_472 : i1 to vector<16xi1>
    %reduce_sum3A_474 = tpu.scan <sum>, %get3A_471 masked %reduce_sum3A_473 : vector<16xi32>, vector<16xi1> -> vector<16xi32>
    %reduce_sum3A_475 = vector.extract %reduce_sum3A_474[15] : i32 from vector<16xi32>
    %le3A_476 = arith.constant 255 : i32
    %le3A_477 = arith.cmpi sle, %add3A_453, %le3A_476 : i32
    %ge3A_478 = arith.constant 3276 : i32
    %ge3A_479 = arith.cmpi sge, %reduce_sum3A_465, %ge3A_478 : i32
    %and3A_480 = arith.andi %le3A_477, %ge3A_479 : i1
    %select_n3A_481 = arith.select %and3A_480, %add3A_453, %select_n3A_445 : i32
    %le3A_482 = arith.constant 255 : i32
    %le3A_483 = arith.cmpi sle, %add3A_455, %le3A_482 : i32
    %ge3A_484 = arith.constant 3276 : i32
    %ge3A_485 = arith.cmpi sge, %reduce_sum3A_475, %ge3A_484 : i32
    %and3A_486 = arith.andi %le3A_483, %ge3A_485 : i1
    %select_n3A_487 = arith.select %and3A_486, %add3A_455, %select_n3A_451 : i32
    %add3A_488 = arith.constant 1 : i32
    %add3A_489 = arith.addi %select_n3A_481, %add3A_488 : i32
    %min3A_490 = arith.constant 255 : i32
    %min3A_491 = arith.minsi %add3A_489, %min3A_490 : i32
    %mul3A_492 = arith.constant 16 : i32
    %mul3A_493 = arith.muli %min3A_491, %mul3A_492 : i32
    %get3A_494 = arith.index_cast %mul3A_493 : i32 to index
    %get3A_495 = tpu.vector_load %arg6[%get3A_494] {strides = array<i32>} : memref<4096xi32, #tpu.memory_space<vmem>>, vector<16xi32>,
    %reduce_sum3A_496 = arith.constant true
    %reduce_sum3A_497 = vector.broadcast %reduce_sum3A_496 : i1 to vector<16xi1>
    %reduce_sum3A_498 = tpu.scan <sum>, %get3A_495 masked %reduce_sum3A_497 : vector<16xi32>, vector<16xi1> -> vector<16xi32>
    %reduce_sum3A_499 = vector.extract %reduce_sum3A_498[15] : i32 from vector<16xi32>
    %add3A_500 = arith.constant 1 : i32
    %add3A_501 = arith.addi %select_n3A_487, %add3A_500 : i32
    %min3A_502 = arith.constant 255 : i32
    %min3A_503 = arith.minsi %add3A_501, %min3A_502 : i32
    %mul3A_504 = arith.constant 16 : i32
    %mul3A_505 = arith.muli %min3A_503, %mul3A_504 : i32
    %get3A_506 = arith.index_cast %mul3A_505 : i32 to index
    %get3A_507 = tpu.vector_load %arg7[%get3A_506] {strides = array<i32>} : memref<4096xi32, #tpu.memory_space<vmem>>, vector<16xi32>,
    %reduce_sum3A_508 = arith.constant true
    %reduce_sum3A_509 = vector.broadcast %reduce_sum3A_508 : i1 to vector<16xi1>
    %reduce_sum3A_510 = tpu.scan <sum>, %get3A_507 masked %reduce_sum3A_509 : vector<16xi32>, vector<16xi1> -> vector<16xi32>
    %reduce_sum3A_511 = vector.extract %reduce_sum3A_510[15] : i32 from vector<16xi32>
    %add3A_512 = arith.constant 1 : i32
    %add3A_513 = arith.addi %select_n3A_481, %add3A_512 : i32
    %le3A_514 = arith.constant 255 : i32
    %le3A_515 = arith.cmpi sle, %add3A_513, %le3A_514 : i32
    %jit3A_516 = arith.constant 0 : i32
    %select_n3A_517 = arith.select %le3A_515, %reduce_sum3A_499, %jit3A_516 : i32
    %sub3A = arith.constant 3276 : i32
    %sub3A_518 = arith.subi %sub3A, %select_n3A_517 : i32
    %add3A_519 = arith.constant 1 : i32
    %add3A_520 = arith.addi %select_n3A_487, %add3A_519 : i32
    %le3A_521 = arith.constant 255 : i32
    %le3A_522 = arith.cmpi sle, %add3A_520, %le3A_521 : i32
    %jit3A_523 = arith.constant 0 : i32
    %select_n3A_524 = arith.select %le3A_522, %reduce_sum3A_511, %jit3A_523 : i32
    %sub3A_525 = arith.constant 3276 : i32
    %sub3A_526 = arith.subi %sub3A_525, %select_n3A_524 : i32
    %shift_left3A = arith.constant 0 : i32
    %shift_left3A_527 = arith.constant 8 : i32
    %shift_left3A_528 = arith.shli %shift_left3A, %shift_left3A_527 : i32
    %or3A = arith.ori %shift_left3A_528, %select_n3A_481 : i32
    %shift_left3A_529 = arith.constant 0 : i32
    %shift_left3A_530 = arith.constant 8 : i32
    %shift_left3A_531 = arith.shli %shift_left3A_529, %shift_left3A_530 : i32
    %or3A_532 = arith.ori %shift_left3A_531, %select_n3A_487 : i32
    %parallel_loop3A_533 = arith.constant 0 : i32
    %parallel_loop3A_534 = arith.constant 256 : i32
    %parallel_loop3A_535 = arith.constant 1 : i32
    scf.for %parallel_loop3A_1503 = %parallel_loop3A_533 to %parallel_loop3A_534 step %parallel_loop3A_535  : i32 {
      %parallel_loop3A_1504 = arith.constant 16 : i32
      %parallel_loop3A_1505 = arith.muli %parallel_loop3A_1503, %parallel_loop3A_1504 : i32
      %parallel_loop3A_1506 = arith.index_cast %parallel_loop3A_1505 : i32 to index
      %parallel_loop3A_1507 = tpu.vector_load %arg6[%parallel_loop3A_1506] {strides = array<i32>} : memref<4096xi32, #tpu.memory_space<vmem>>, vector<16xi32>,
      tpu.vector_store %arg6[%parallel_loop3A_1506], %broadcast_in_dim3A_2 {strides = array<i32>} : memref<4096xi32, #tpu.memory_space<vmem>>, vector<16xi32>,
      %parallel_loop3A_1508 = arith.constant 16 : i32
      %parallel_loop3A_1509 = arith.muli %parallel_loop3A_1503, %parallel_loop3A_1508 : i32
      %parallel_loop3A_1510 = arith.index_cast %parallel_loop3A_1509 : i32 to index
      %parallel_loop3A_1511 = tpu.vector_load %arg7[%parallel_loop3A_1510] {strides = array<i32>} : memref<4096xi32, #tpu.memory_space<vmem>>, vector<16xi32>,
      tpu.vector_store %arg7[%parallel_loop3A_1510], %broadcast_in_dim3A_2 {strides = array<i32>} : memref<4096xi32, #tpu.memory_space<vmem>>, vector<16xi32>,
    } {sc.loop_unroll_factor = 8 : i64, sc.parallel_access}
    %parallel_loop3A_536 = arith.constant 0 : i32
    %parallel_loop3A_537 = arith.constant 2048 : i32
    %parallel_loop3A_538 = arith.constant 1 : i32
    %parallel_loop3A_539 = arith.constant 255 : i32
    scf.for %parallel_loop3A_1503 = %parallel_loop3A_536 to %parallel_loop3A_537 step %parallel_loop3A_538  : i32 {
      %parallel_loop3A_1504 = arith.constant 16 : i32
      %parallel_loop3A_1505 = arith.muli %parallel_loop3A_1503, %parallel_loop3A_1504 : i32
      %parallel_loop3A_1506 = arith.index_cast %parallel_loop3A_1505 : i32 to index
      %parallel_loop3A_1507 = tpu.vector_load %arg4[%parallel_loop3A_1506] {strides = array<i32>} : memref<32768xf32, #tpu.memory_space<vmem>>, vector<16xf32>,
      %parallel_loop3A_1508 = vector.bitcast %parallel_loop3A_1507 : vector<16xf32> to vector<16xi32>
      %parallel_loop3A_1509 = arith.constant 16 : i32
      %parallel_loop3A_1510 = arith.muli %parallel_loop3A_1503, %parallel_loop3A_1509 : i32
      %parallel_loop3A_1511 = arith.index_cast %parallel_loop3A_1510 : i32 to index
      %parallel_loop3A_1512 = tpu.vector_load %arg5[%parallel_loop3A_1511] {strides = array<i32>} : memref<32768xf32, #tpu.memory_space<vmem>>, vector<16xf32>,
      %parallel_loop3A_1513 = vector.bitcast %parallel_loop3A_1512 : vector<16xf32> to vector<16xi32>
      %parallel_loop3A_1514 = arith.constant 11 : i32
      %parallel_loop3A_1515 = vector.broadcast %parallel_loop3A_1514 : i32 to vector<16xi32>
      %parallel_loop3A_1516 = arith.shrsi %parallel_loop3A_1508, %parallel_loop3A_1515 : vector<16xi32>
      %parallel_loop3A_1517 = arith.constant 4080 : i32
      %parallel_loop3A_1518 = vector.broadcast %parallel_loop3A_1517 : i32 to vector<16xi32>
      %parallel_loop3A_1519 = arith.andi %parallel_loop3A_1516, %parallel_loop3A_1518 : vector<16xi32>
      %parallel_loop3A_1520 = arith.addi %parallel_loop3A_1519, %iota3A : vector<16xi32>
      %parallel_loop3A_1521 = arith.constant 11 : i32
      %parallel_loop3A_1522 = vector.broadcast %parallel_loop3A_1521 : i32 to vector<16xi32>
      %parallel_loop3A_1523 = arith.shrsi %parallel_loop3A_1513, %parallel_loop3A_1522 : vector<16xi32>
      %parallel_loop3A_1524 = arith.constant 4080 : i32
      %parallel_loop3A_1525 = vector.broadcast %parallel_loop3A_1524 : i32 to vector<16xi32>
      %parallel_loop3A_1526 = arith.andi %parallel_loop3A_1523, %parallel_loop3A_1525 : vector<16xi32>
      %parallel_loop3A_1527 = arith.addi %parallel_loop3A_1526, %iota3A : vector<16xi32>
      %parallel_loop3A_1528 = arith.constant 23 : i32
      %parallel_loop3A_1529 = vector.broadcast %parallel_loop3A_1528 : i32 to vector<16xi32>
      %parallel_loop3A_1530 = arith.shrsi %parallel_loop3A_1508, %parallel_loop3A_1529 : vector<16xi32>
      %parallel_loop3A_1531 = vector.broadcast %parallel_loop3A_539 : i32 to vector<16xi32>
      %parallel_loop3A_1532 = arith.andi %parallel_loop3A_1530, %parallel_loop3A_1531 : vector<16xi32>
      %parallel_loop3A_1533 = vector.broadcast %or3A : i32 to vector<16xi32>
      %parallel_loop3A_1534 = arith.cmpi eq, %parallel_loop3A_1532, %parallel_loop3A_1533 : vector<16xi32>
      %parallel_loop3A_1535 = arith.constant 23 : i32
      %parallel_loop3A_1536 = vector.broadcast %parallel_loop3A_1535 : i32 to vector<16xi32>
      %parallel_loop3A_1537 = arith.shrsi %parallel_loop3A_1513, %parallel_loop3A_1536 : vector<16xi32>
      %parallel_loop3A_1538 = vector.broadcast %parallel_loop3A_539 : i32 to vector<16xi32>
      %parallel_loop3A_1539 = arith.andi %parallel_loop3A_1537, %parallel_loop3A_1538 : vector<16xi32>
      %parallel_loop3A_1540 = vector.broadcast %or3A_532 : i32 to vector<16xi32>
      %parallel_loop3A_1541 = arith.cmpi eq, %parallel_loop3A_1539, %parallel_loop3A_1540 : vector<16xi32>
      tpu.vector_store_idx %arg6[%parallel_loop3A_1520], %broadcast_in_dim3A_0 masked %parallel_loop3A_1534 {add = true} : memref<4096xi32, #tpu.memory_space<vmem>>[vector<16xi32>], vector<16xi32>, vector<16xi1>
      tpu.vector_store_idx %arg7[%parallel_loop3A_1527], %broadcast_in_dim3A_0 masked %parallel_loop3A_1541 {add = true} : memref<4096xi32, #tpu.memory_space<vmem>>[vector<16xi32>], vector<16xi32>, vector<16xi1>
    } {sc.loop_unroll_factor = 8 : i64, sc.parallel_access}
    %parallel_loop3A_540 = arith.constant 0 : i32
    %parallel_loop3A_541 = arith.constant 256 : i32
    %parallel_loop3A_542 = arith.constant 1 : i32
    %parallel_loop3A_543:2 = scf.for %parallel_loop3A_1503 = %parallel_loop3A_540 to %parallel_loop3A_541 step %parallel_loop3A_542 iter_args(%parallel_loop3A_1504 = %broadcast_in_dim3A_2, %parallel_loop3A_1505 = %broadcast_in_dim3A_2) -> (vector<16xi32>, vector<16xi32>)  : i32 {
      %parallel_loop3A_1506 = arith.constant 255 : i32
      %parallel_loop3A_1507 = arith.subi %parallel_loop3A_1506, %parallel_loop3A_1503 : i32
      %parallel_loop3A_1508 = arith.constant 16 : i32
      %parallel_loop3A_1509 = arith.muli %parallel_loop3A_1507, %parallel_loop3A_1508 : i32
      %parallel_loop3A_1510 = arith.index_cast %parallel_loop3A_1509 : i32 to index
      %parallel_loop3A_1511 = tpu.vector_load %arg6[%parallel_loop3A_1510] {strides = array<i32>} : memref<4096xi32, #tpu.memory_space<vmem>>, vector<16xi32>,
      %parallel_loop3A_1512 = arith.addi %parallel_loop3A_1504, %parallel_loop3A_1511 : vector<16xi32>
      %parallel_loop3A_1513 = arith.constant 16 : i32
      %parallel_loop3A_1514 = arith.muli %parallel_loop3A_1507, %parallel_loop3A_1513 : i32
      %parallel_loop3A_1515 = arith.index_cast %parallel_loop3A_1514 : i32 to index
      %parallel_loop3A_1516 = tpu.vector_load %arg7[%parallel_loop3A_1515] {strides = array<i32>} : memref<4096xi32, #tpu.memory_space<vmem>>, vector<16xi32>,
      %parallel_loop3A_1517 = arith.addi %parallel_loop3A_1505, %parallel_loop3A_1516 : vector<16xi32>
      %parallel_loop3A_1518 = arith.constant 16 : i32
      %parallel_loop3A_1519 = arith.muli %parallel_loop3A_1507, %parallel_loop3A_1518 : i32
      %parallel_loop3A_1520 = arith.index_cast %parallel_loop3A_1519 : i32 to index
      %parallel_loop3A_1521 = tpu.vector_load %arg6[%parallel_loop3A_1520] {strides = array<i32>} : memref<4096xi32, #tpu.memory_space<vmem>>, vector<16xi32>,
      tpu.vector_store %arg6[%parallel_loop3A_1520], %parallel_loop3A_1512 {strides = array<i32>} : memref<4096xi32, #tpu.memory_space<vmem>>, vector<16xi32>,
      %parallel_loop3A_1522 = arith.constant 16 : i32
      %parallel_loop3A_1523 = arith.muli %parallel_loop3A_1507, %parallel_loop3A_1522 : i32
      %parallel_loop3A_1524 = arith.index_cast %parallel_loop3A_1523 : i32 to index
      %parallel_loop3A_1525 = tpu.vector_load %arg7[%parallel_loop3A_1524] {strides = array<i32>} : memref<4096xi32, #tpu.memory_space<vmem>>, vector<16xi32>,
      tpu.vector_store %arg7[%parallel_loop3A_1524], %parallel_loop3A_1517 {strides = array<i32>} : memref<4096xi32, #tpu.memory_space<vmem>>, vector<16xi32>,
      scf.yield %parallel_loop3A_1512, %parallel_loop3A_1517 : vector<16xi32>, vector<16xi32>
    } {sc.loop_unroll_factor = 4 : i64, sc.parallel_access}
    %add3A_544 = arith.constant 0 : i32
    %add3A_545 = arith.constant 128 : i32
    %add3A_546 = arith.addi %add3A_544, %add3A_545 : i32
    %add3A_547 = arith.constant 0 : i32
    %add3A_548 = arith.constant 128 : i32
    %add3A_549 = arith.addi %add3A_547, %add3A_548 : i32
    %min3A_550 = arith.constant 255 : i32
    %min3A_551 = arith.minsi %add3A_546, %min3A_550 : i32
    %mul3A_552 = arith.constant 16 : i32
    %mul3A_553 = arith.muli %min3A_551, %mul3A_552 : i32
    %get3A_554 = arith.index_cast %mul3A_553 : i32 to index
    %get3A_555 = tpu.vector_load %arg6[%get3A_554] {strides = array<i32>} : memref<4096xi32, #tpu.memory_space<vmem>>, vector<16xi32>,
    %reduce_sum3A_556 = arith.constant true
    %reduce_sum3A_557 = vector.broadcast %reduce_sum3A_556 : i1 to vector<16xi1>
    %reduce_sum3A_558 = tpu.scan <sum>, %get3A_555 masked %reduce_sum3A_557 : vector<16xi32>, vector<16xi1> -> vector<16xi32>
    %reduce_sum3A_559 = vector.extract %reduce_sum3A_558[15] : i32 from vector<16xi32>
    %min3A_560 = arith.constant 255 : i32
    %min3A_561 = arith.minsi %add3A_549, %min3A_560 : i32
    %mul3A_562 = arith.constant 16 : i32
    %mul3A_563 = arith.muli %min3A_561, %mul3A_562 : i32
    %get3A_564 = arith.index_cast %mul3A_563 : i32 to index
    %get3A_565 = tpu.vector_load %arg7[%get3A_564] {strides = array<i32>} : memref<4096xi32, #tpu.memory_space<vmem>>, vector<16xi32>,
    %reduce_sum3A_566 = arith.constant true
    %reduce_sum3A_567 = vector.broadcast %reduce_sum3A_566 : i1 to vector<16xi1>
    %reduce_sum3A_568 = tpu.scan <sum>, %get3A_565 masked %reduce_sum3A_567 : vector<16xi32>, vector<16xi1> -> vector<16xi32>
    %reduce_sum3A_569 = vector.extract %reduce_sum3A_568[15] : i32 from vector<16xi32>
    %le3A_570 = arith.constant 255 : i32
    %le3A_571 = arith.cmpi sle, %add3A_546, %le3A_570 : i32
    %ge3A_572 = arith.cmpi sge, %reduce_sum3A_559, %sub3A_518 : i32
    %and3A_573 = arith.andi %le3A_571, %ge3A_572 : i1
    %jit3A_574 = arith.constant 0 : i32
    %select_n3A_575 = arith.select %and3A_573, %add3A_546, %jit3A_574 : i32
    %le3A_576 = arith.constant 255 : i32
    %le3A_577 = arith.cmpi sle, %add3A_549, %le3A_576 : i32
    %ge3A_578 = arith.cmpi sge, %reduce_sum3A_569, %sub3A_526 : i32
    %and3A_579 = arith.andi %le3A_577, %ge3A_578 : i1
    %jit3A_580 = arith.constant 0 : i32
    %select_n3A_581 = arith.select %and3A_579, %add3A_549, %jit3A_580 : i32
    %add3A_582 = arith.constant 64 : i32
    %add3A_583 = arith.addi %select_n3A_575, %add3A_582 : i32
    %add3A_584 = arith.constant 64 : i32
    %add3A_585 = arith.addi %select_n3A_581, %add3A_584 : i32
    %min3A_586 = arith.constant 255 : i32
    %min3A_587 = arith.minsi %add3A_583, %min3A_586 : i32
    %mul3A_588 = arith.constant 16 : i32
    %mul3A_589 = arith.muli %min3A_587, %mul3A_588 : i32
    %get3A_590 = arith.index_cast %mul3A_589 : i32 to index
    %get3A_591 = tpu.vector_load %arg6[%get3A_590] {strides = array<i32>} : memref<4096xi32, #tpu.memory_space<vmem>>, vector<16xi32>,
    %reduce_sum3A_592 = arith.constant true
    %reduce_sum3A_593 = vector.broadcast %reduce_sum3A_592 : i1 to vector<16xi1>
    %reduce_sum3A_594 = tpu.scan <sum>, %get3A_591 masked %reduce_sum3A_593 : vector<16xi32>, vector<16xi1> -> vector<16xi32>
    %reduce_sum3A_595 = vector.extract %reduce_sum3A_594[15] : i32 from vector<16xi32>
    %min3A_596 = arith.constant 255 : i32
    %min3A_597 = arith.minsi %add3A_585, %min3A_596 : i32
    %mul3A_598 = arith.constant 16 : i32
    %mul3A_599 = arith.muli %min3A_597, %mul3A_598 : i32
    %get3A_600 = arith.index_cast %mul3A_599 : i32 to index
    %get3A_601 = tpu.vector_load %arg7[%get3A_600] {strides = array<i32>} : memref<4096xi32, #tpu.memory_space<vmem>>, vector<16xi32>,
    %reduce_sum3A_602 = arith.constant true
    %reduce_sum3A_603 = vector.broadcast %reduce_sum3A_602 : i1 to vector<16xi1>
    %reduce_sum3A_604 = tpu.scan <sum>, %get3A_601 masked %reduce_sum3A_603 : vector<16xi32>, vector<16xi1> -> vector<16xi32>
    %reduce_sum3A_605 = vector.extract %reduce_sum3A_604[15] : i32 from vector<16xi32>
    %le3A_606 = arith.constant 255 : i32
    %le3A_607 = arith.cmpi sle, %add3A_583, %le3A_606 : i32
    %ge3A_608 = arith.cmpi sge, %reduce_sum3A_595, %sub3A_518 : i32
    %and3A_609 = arith.andi %le3A_607, %ge3A_608 : i1
    %select_n3A_610 = arith.select %and3A_609, %add3A_583, %select_n3A_575 : i32
    %le3A_611 = arith.constant 255 : i32
    %le3A_612 = arith.cmpi sle, %add3A_585, %le3A_611 : i32
    %ge3A_613 = arith.cmpi sge, %reduce_sum3A_605, %sub3A_526 : i32
    %and3A_614 = arith.andi %le3A_612, %ge3A_613 : i1
    %select_n3A_615 = arith.select %and3A_614, %add3A_585, %select_n3A_581 : i32
    %add3A_616 = arith.constant 32 : i32
    %add3A_617 = arith.addi %select_n3A_610, %add3A_616 : i32
    %add3A_618 = arith.constant 32 : i32
    %add3A_619 = arith.addi %select_n3A_615, %add3A_618 : i32
    %min3A_620 = arith.constant 255 : i32
    %min3A_621 = arith.minsi %add3A_617, %min3A_620 : i32
    %mul3A_622 = arith.constant 16 : i32
    %mul3A_623 = arith.muli %min3A_621, %mul3A_622 : i32
    %get3A_624 = arith.index_cast %mul3A_623 : i32 to index
    %get3A_625 = tpu.vector_load %arg6[%get3A_624] {strides = array<i32>} : memref<4096xi32, #tpu.memory_space<vmem>>, vector<16xi32>,
    %reduce_sum3A_626 = arith.constant true
    %reduce_sum3A_627 = vector.broadcast %reduce_sum3A_626 : i1 to vector<16xi1>
    %reduce_sum3A_628 = tpu.scan <sum>, %get3A_625 masked %reduce_sum3A_627 : vector<16xi32>, vector<16xi1> -> vector<16xi32>
    %reduce_sum3A_629 = vector.extract %reduce_sum3A_628[15] : i32 from vector<16xi32>
    %min3A_630 = arith.constant 255 : i32
    %min3A_631 = arith.minsi %add3A_619, %min3A_630 : i32
    %mul3A_632 = arith.constant 16 : i32
    %mul3A_633 = arith.muli %min3A_631, %mul3A_632 : i32
    %get3A_634 = arith.index_cast %mul3A_633 : i32 to index
    %get3A_635 = tpu.vector_load %arg7[%get3A_634] {strides = array<i32>} : memref<4096xi32, #tpu.memory_space<vmem>>, vector<16xi32>,
    %reduce_sum3A_636 = arith.constant true
    %reduce_sum3A_637 = vector.broadcast %reduce_sum3A_636 : i1 to vector<16xi1>
    %reduce_sum3A_638 = tpu.scan <sum>, %get3A_635 masked %reduce_sum3A_637 : vector<16xi32>, vector<16xi1> -> vector<16xi32>
    %reduce_sum3A_639 = vector.extract %reduce_sum3A_638[15] : i32 from vector<16xi32>
    %le3A_640 = arith.constant 255 : i32
    %le3A_641 = arith.cmpi sle, %add3A_617, %le3A_640 : i32
    %ge3A_642 = arith.cmpi sge, %reduce_sum3A_629, %sub3A_518 : i32
    %and3A_643 = arith.andi %le3A_641, %ge3A_642 : i1
    %select_n3A_644 = arith.select %and3A_643, %add3A_617, %select_n3A_610 : i32
    %le3A_645 = arith.constant 255 : i32
    %le3A_646 = arith.cmpi sle, %add3A_619, %le3A_645 : i32
    %ge3A_647 = arith.cmpi sge, %reduce_sum3A_639, %sub3A_526 : i32
    %and3A_648 = arith.andi %le3A_646, %ge3A_647 : i1
    %select_n3A_649 = arith.select %and3A_648, %add3A_619, %select_n3A_615 : i32
    %add3A_650 = arith.constant 16 : i32
    %add3A_651 = arith.addi %select_n3A_644, %add3A_650 : i32
    %add3A_652 = arith.constant 16 : i32
    %add3A_653 = arith.addi %select_n3A_649, %add3A_652 : i32
    %min3A_654 = arith.constant 255 : i32
    %min3A_655 = arith.minsi %add3A_651, %min3A_654 : i32
    %mul3A_656 = arith.constant 16 : i32
    %mul3A_657 = arith.muli %min3A_655, %mul3A_656 : i32
    %get3A_658 = arith.index_cast %mul3A_657 : i32 to index
    %get3A_659 = tpu.vector_load %arg6[%get3A_658] {strides = array<i32>} : memref<4096xi32, #tpu.memory_space<vmem>>, vector<16xi32>,
    %reduce_sum3A_660 = arith.constant true
    %reduce_sum3A_661 = vector.broadcast %reduce_sum3A_660 : i1 to vector<16xi1>
    %reduce_sum3A_662 = tpu.scan <sum>, %get3A_659 masked %reduce_sum3A_661 : vector<16xi32>, vector<16xi1> -> vector<16xi32>
    %reduce_sum3A_663 = vector.extract %reduce_sum3A_662[15] : i32 from vector<16xi32>
    %min3A_664 = arith.constant 255 : i32
    %min3A_665 = arith.minsi %add3A_653, %min3A_664 : i32
    %mul3A_666 = arith.constant 16 : i32
    %mul3A_667 = arith.muli %min3A_665, %mul3A_666 : i32
    %get3A_668 = arith.index_cast %mul3A_667 : i32 to index
    %get3A_669 = tpu.vector_load %arg7[%get3A_668] {strides = array<i32>} : memref<4096xi32, #tpu.memory_space<vmem>>, vector<16xi32>,
    %reduce_sum3A_670 = arith.constant true
    %reduce_sum3A_671 = vector.broadcast %reduce_sum3A_670 : i1 to vector<16xi1>
    %reduce_sum3A_672 = tpu.scan <sum>, %get3A_669 masked %reduce_sum3A_671 : vector<16xi32>, vector<16xi1> -> vector<16xi32>
    %reduce_sum3A_673 = vector.extract %reduce_sum3A_672[15] : i32 from vector<16xi32>
    %le3A_674 = arith.constant 255 : i32
    %le3A_675 = arith.cmpi sle, %add3A_651, %le3A_674 : i32
    %ge3A_676 = arith.cmpi sge, %reduce_sum3A_663, %sub3A_518 : i32
    %and3A_677 = arith.andi %le3A_675, %ge3A_676 : i1
    %select_n3A_678 = arith.select %and3A_677, %add3A_651, %select_n3A_644 : i32
    %le3A_679 = arith.constant 255 : i32
    %le3A_680 = arith.cmpi sle, %add3A_653, %le3A_679 : i32
    %ge3A_681 = arith.cmpi sge, %reduce_sum3A_673, %sub3A_526 : i32
    %and3A_682 = arith.andi %le3A_680, %ge3A_681 : i1
    %select_n3A_683 = arith.select %and3A_682, %add3A_653, %select_n3A_649 : i32
    %add3A_684 = arith.constant 8 : i32
    %add3A_685 = arith.addi %select_n3A_678, %add3A_684 : i32
    %add3A_686 = arith.constant 8 : i32
    %add3A_687 = arith.addi %select_n3A_683, %add3A_686 : i32
    %min3A_688 = arith.constant 255 : i32
    %min3A_689 = arith.minsi %add3A_685, %min3A_688 : i32
    %mul3A_690 = arith.constant 16 : i32
    %mul3A_691 = arith.muli %min3A_689, %mul3A_690 : i32
    %get3A_692 = arith.index_cast %mul3A_691 : i32 to index
    %get3A_693 = tpu.vector_load %arg6[%get3A_692] {strides = array<i32>} : memref<4096xi32, #tpu.memory_space<vmem>>, vector<16xi32>,
    %reduce_sum3A_694 = arith.constant true
    %reduce_sum3A_695 = vector.broadcast %reduce_sum3A_694 : i1 to vector<16xi1>
    %reduce_sum3A_696 = tpu.scan <sum>, %get3A_693 masked %reduce_sum3A_695 : vector<16xi32>, vector<16xi1> -> vector<16xi32>
    %reduce_sum3A_697 = vector.extract %reduce_sum3A_696[15] : i32 from vector<16xi32>
    %min3A_698 = arith.constant 255 : i32
    %min3A_699 = arith.minsi %add3A_687, %min3A_698 : i32
    %mul3A_700 = arith.constant 16 : i32
    %mul3A_701 = arith.muli %min3A_699, %mul3A_700 : i32
    %get3A_702 = arith.index_cast %mul3A_701 : i32 to index
    %get3A_703 = tpu.vector_load %arg7[%get3A_702] {strides = array<i32>} : memref<4096xi32, #tpu.memory_space<vmem>>, vector<16xi32>,
    %reduce_sum3A_704 = arith.constant true
    %reduce_sum3A_705 = vector.broadcast %reduce_sum3A_704 : i1 to vector<16xi1>
    %reduce_sum3A_706 = tpu.scan <sum>, %get3A_703 masked %reduce_sum3A_705 : vector<16xi32>, vector<16xi1> -> vector<16xi32>
    %reduce_sum3A_707 = vector.extract %reduce_sum3A_706[15] : i32 from vector<16xi32>
    %le3A_708 = arith.constant 255 : i32
    %le3A_709 = arith.cmpi sle, %add3A_685, %le3A_708 : i32
    %ge3A_710 = arith.cmpi sge, %reduce_sum3A_697, %sub3A_518 : i32
    %and3A_711 = arith.andi %le3A_709, %ge3A_710 : i1
    %select_n3A_712 = arith.select %and3A_711, %add3A_685, %select_n3A_678 : i32
    %le3A_713 = arith.constant 255 : i32
    %le3A_714 = arith.cmpi sle, %add3A_687, %le3A_713 : i32
    %ge3A_715 = arith.cmpi sge, %reduce_sum3A_707, %sub3A_526 : i32
    %and3A_716 = arith.andi %le3A_714, %ge3A_715 : i1
    %select_n3A_717 = arith.select %and3A_716, %add3A_687, %select_n3A_683 : i32
    %add3A_718 = arith.constant 4 : i32
    %add3A_719 = arith.addi %select_n3A_712, %add3A_718 : i32
    %add3A_720 = arith.constant 4 : i32
    %add3A_721 = arith.addi %select_n3A_717, %add3A_720 : i32
    %min3A_722 = arith.constant 255 : i32
    %min3A_723 = arith.minsi %add3A_719, %min3A_722 : i32
    %mul3A_724 = arith.constant 16 : i32
    %mul3A_725 = arith.muli %min3A_723, %mul3A_724 : i32
    %get3A_726 = arith.index_cast %mul3A_725 : i32 to index
    %get3A_727 = tpu.vector_load %arg6[%get3A_726] {strides = array<i32>} : memref<4096xi32, #tpu.memory_space<vmem>>, vector<16xi32>,
    %reduce_sum3A_728 = arith.constant true
    %reduce_sum3A_729 = vector.broadcast %reduce_sum3A_728 : i1 to vector<16xi1>
    %reduce_sum3A_730 = tpu.scan <sum>, %get3A_727 masked %reduce_sum3A_729 : vector<16xi32>, vector<16xi1> -> vector<16xi32>
    %reduce_sum3A_731 = vector.extract %reduce_sum3A_730[15] : i32 from vector<16xi32>
    %min3A_732 = arith.constant 255 : i32
    %min3A_733 = arith.minsi %add3A_721, %min3A_732 : i32
    %mul3A_734 = arith.constant 16 : i32
    %mul3A_735 = arith.muli %min3A_733, %mul3A_734 : i32
    %get3A_736 = arith.index_cast %mul3A_735 : i32 to index
    %get3A_737 = tpu.vector_load %arg7[%get3A_736] {strides = array<i32>} : memref<4096xi32, #tpu.memory_space<vmem>>, vector<16xi32>,
    %reduce_sum3A_738 = arith.constant true
    %reduce_sum3A_739 = vector.broadcast %reduce_sum3A_738 : i1 to vector<16xi1>
    %reduce_sum3A_740 = tpu.scan <sum>, %get3A_737 masked %reduce_sum3A_739 : vector<16xi32>, vector<16xi1> -> vector<16xi32>
    %reduce_sum3A_741 = vector.extract %reduce_sum3A_740[15] : i32 from vector<16xi32>
    %le3A_742 = arith.constant 255 : i32
    %le3A_743 = arith.cmpi sle, %add3A_719, %le3A_742 : i32
    %ge3A_744 = arith.cmpi sge, %reduce_sum3A_731, %sub3A_518 : i32
    %and3A_745 = arith.andi %le3A_743, %ge3A_744 : i1
    %select_n3A_746 = arith.select %and3A_745, %add3A_719, %select_n3A_712 : i32
    %le3A_747 = arith.constant 255 : i32
    %le3A_748 = arith.cmpi sle, %add3A_721, %le3A_747 : i32
    %ge3A_749 = arith.cmpi sge, %reduce_sum3A_741, %sub3A_526 : i32
    %and3A_750 = arith.andi %le3A_748, %ge3A_749 : i1
    %select_n3A_751 = arith.select %and3A_750, %add3A_721, %select_n3A_717 : i32
    %add3A_752 = arith.constant 2 : i32
    %add3A_753 = arith.addi %select_n3A_746, %add3A_752 : i32
    %add3A_754 = arith.constant 2 : i32
    %add3A_755 = arith.addi %select_n3A_751, %add3A_754 : i32
    %min3A_756 = arith.constant 255 : i32
    %min3A_757 = arith.minsi %add3A_753, %min3A_756 : i32
    %mul3A_758 = arith.constant 16 : i32
    %mul3A_759 = arith.muli %min3A_757, %mul3A_758 : i32
    %get3A_760 = arith.index_cast %mul3A_759 : i32 to index
    %get3A_761 = tpu.vector_load %arg6[%get3A_760] {strides = array<i32>} : memref<4096xi32, #tpu.memory_space<vmem>>, vector<16xi32>,
    %reduce_sum3A_762 = arith.constant true
    %reduce_sum3A_763 = vector.broadcast %reduce_sum3A_762 : i1 to vector<16xi1>
    %reduce_sum3A_764 = tpu.scan <sum>, %get3A_761 masked %reduce_sum3A_763 : vector<16xi32>, vector<16xi1> -> vector<16xi32>
    %reduce_sum3A_765 = vector.extract %reduce_sum3A_764[15] : i32 from vector<16xi32>
    %min3A_766 = arith.constant 255 : i32
    %min3A_767 = arith.minsi %add3A_755, %min3A_766 : i32
    %mul3A_768 = arith.constant 16 : i32
    %mul3A_769 = arith.muli %min3A_767, %mul3A_768 : i32
    %get3A_770 = arith.index_cast %mul3A_769 : i32 to index
    %get3A_771 = tpu.vector_load %arg7[%get3A_770] {strides = array<i32>} : memref<4096xi32, #tpu.memory_space<vmem>>, vector<16xi32>,
    %reduce_sum3A_772 = arith.constant true
    %reduce_sum3A_773 = vector.broadcast %reduce_sum3A_772 : i1 to vector<16xi1>
    %reduce_sum3A_774 = tpu.scan <sum>, %get3A_771 masked %reduce_sum3A_773 : vector<16xi32>, vector<16xi1> -> vector<16xi32>
    %reduce_sum3A_775 = vector.extract %reduce_sum3A_774[15] : i32 from vector<16xi32>
    %le3A_776 = arith.constant 255 : i32
    %le3A_777 = arith.cmpi sle, %add3A_753, %le3A_776 : i32
    %ge3A_778 = arith.cmpi sge, %reduce_sum3A_765, %sub3A_518 : i32
    %and3A_779 = arith.andi %le3A_777, %ge3A_778 : i1
    %select_n3A_780 = arith.select %and3A_779, %add3A_753, %select_n3A_746 : i32
    %le3A_781 = arith.constant 255 : i32
    %le3A_782 = arith.cmpi sle, %add3A_755, %le3A_781 : i32
    %ge3A_783 = arith.cmpi sge, %reduce_sum3A_775, %sub3A_526 : i32
    %and3A_784 = arith.andi %le3A_782, %ge3A_783 : i1
    %select_n3A_785 = arith.select %and3A_784, %add3A_755, %select_n3A_751 : i32
    %add3A_786 = arith.constant 1 : i32
    %add3A_787 = arith.addi %select_n3A_780, %add3A_786 : i32
    %add3A_788 = arith.constant 1 : i32
    %add3A_789 = arith.addi %select_n3A_785, %add3A_788 : i32
    %min3A_790 = arith.constant 255 : i32
    %min3A_791 = arith.minsi %add3A_787, %min3A_790 : i32
    %mul3A_792 = arith.constant 16 : i32
    %mul3A_793 = arith.muli %min3A_791, %mul3A_792 : i32
    %get3A_794 = arith.index_cast %mul3A_793 : i32 to index
    %get3A_795 = tpu.vector_load %arg6[%get3A_794] {strides = array<i32>} : memref<4096xi32, #tpu.memory_space<vmem>>, vector<16xi32>,
    %reduce_sum3A_796 = arith.constant true
    %reduce_sum3A_797 = vector.broadcast %reduce_sum3A_796 : i1 to vector<16xi1>
    %reduce_sum3A_798 = tpu.scan <sum>, %get3A_795 masked %reduce_sum3A_797 : vector<16xi32>, vector<16xi1> -> vector<16xi32>
    %reduce_sum3A_799 = vector.extract %reduce_sum3A_798[15] : i32 from vector<16xi32>
    %min3A_800 = arith.constant 255 : i32
    %min3A_801 = arith.minsi %add3A_789, %min3A_800 : i32
    %mul3A_802 = arith.constant 16 : i32
    %mul3A_803 = arith.muli %min3A_801, %mul3A_802 : i32
    %get3A_804 = arith.index_cast %mul3A_803 : i32 to index
    %get3A_805 = tpu.vector_load %arg7[%get3A_804] {strides = array<i32>} : memref<4096xi32, #tpu.memory_space<vmem>>, vector<16xi32>,
    %reduce_sum3A_806 = arith.constant true
    %reduce_sum3A_807 = vector.broadcast %reduce_sum3A_806 : i1 to vector<16xi1>
    %reduce_sum3A_808 = tpu.scan <sum>, %get3A_805 masked %reduce_sum3A_807 : vector<16xi32>, vector<16xi1> -> vector<16xi32>
    %reduce_sum3A_809 = vector.extract %reduce_sum3A_808[15] : i32 from vector<16xi32>
    %le3A_810 = arith.constant 255 : i32
    %le3A_811 = arith.cmpi sle, %add3A_787, %le3A_810 : i32
    %ge3A_812 = arith.cmpi sge, %reduce_sum3A_799, %sub3A_518 : i32
    %and3A_813 = arith.andi %le3A_811, %ge3A_812 : i1
    %select_n3A_814 = arith.select %and3A_813, %add3A_787, %select_n3A_780 : i32
    %le3A_815 = arith.constant 255 : i32
    %le3A_816 = arith.cmpi sle, %add3A_789, %le3A_815 : i32
    %ge3A_817 = arith.cmpi sge, %reduce_sum3A_809, %sub3A_526 : i32
    %and3A_818 = arith.andi %le3A_816, %ge3A_817 : i1
    %select_n3A_819 = arith.select %and3A_818, %add3A_789, %select_n3A_785 : i32
    %add3A_820 = arith.constant 1 : i32
    %add3A_821 = arith.addi %select_n3A_814, %add3A_820 : i32
    %min3A_822 = arith.constant 255 : i32
    %min3A_823 = arith.minsi %add3A_821, %min3A_822 : i32
    %mul3A_824 = arith.constant 16 : i32
    %mul3A_825 = arith.muli %min3A_823, %mul3A_824 : i32
    %get3A_826 = arith.index_cast %mul3A_825 : i32 to index
    %get3A_827 = tpu.vector_load %arg6[%get3A_826] {strides = array<i32>} : memref<4096xi32, #tpu.memory_space<vmem>>, vector<16xi32>,
    %reduce_sum3A_828 = arith.constant true
    %reduce_sum3A_829 = vector.broadcast %reduce_sum3A_828 : i1 to vector<16xi1>
    %reduce_sum3A_830 = tpu.scan <sum>, %get3A_827 masked %reduce_sum3A_829 : vector<16xi32>, vector<16xi1> -> vector<16xi32>
    %reduce_sum3A_831 = vector.extract %reduce_sum3A_830[15] : i32 from vector<16xi32>
    %add3A_832 = arith.constant 1 : i32
    %add3A_833 = arith.addi %select_n3A_819, %add3A_832 : i32
    %min3A_834 = arith.constant 255 : i32
    %min3A_835 = arith.minsi %add3A_833, %min3A_834 : i32
    %mul3A_836 = arith.constant 16 : i32
    %mul3A_837 = arith.muli %min3A_835, %mul3A_836 : i32
    %get3A_838 = arith.index_cast %mul3A_837 : i32 to index
    %get3A_839 = tpu.vector_load %arg7[%get3A_838] {strides = array<i32>} : memref<4096xi32, #tpu.memory_space<vmem>>, vector<16xi32>,
    %reduce_sum3A_840 = arith.constant true
    %reduce_sum3A_841 = vector.broadcast %reduce_sum3A_840 : i1 to vector<16xi1>
    %reduce_sum3A_842 = tpu.scan <sum>, %get3A_839 masked %reduce_sum3A_841 : vector<16xi32>, vector<16xi1> -> vector<16xi32>
    %reduce_sum3A_843 = vector.extract %reduce_sum3A_842[15] : i32 from vector<16xi32>
    %add3A_844 = arith.constant 1 : i32
    %add3A_845 = arith.addi %select_n3A_814, %add3A_844 : i32
    %le3A_846 = arith.constant 255 : i32
    %le3A_847 = arith.cmpi sle, %add3A_845, %le3A_846 : i32
    %jit3A_848 = arith.constant 0 : i32
    %select_n3A_849 = arith.select %le3A_847, %reduce_sum3A_831, %jit3A_848 : i32
    %sub3A_850 = arith.subi %sub3A_518, %select_n3A_849 : i32
    %add3A_851 = arith.constant 1 : i32
    %add3A_852 = arith.addi %select_n3A_819, %add3A_851 : i32
    %le3A_853 = arith.constant 255 : i32
    %le3A_854 = arith.cmpi sle, %add3A_852, %le3A_853 : i32
    %jit3A_855 = arith.constant 0 : i32
    %select_n3A_856 = arith.select %le3A_854, %reduce_sum3A_843, %jit3A_855 : i32
    %sub3A_857 = arith.subi %sub3A_526, %select_n3A_856 : i32
    %shift_left3A_858 = arith.constant 8 : i32
    %shift_left3A_859 = arith.shli %or3A, %shift_left3A_858 : i32
    %or3A_860 = arith.ori %shift_left3A_859, %select_n3A_814 : i32
    %shift_left3A_861 = arith.constant 8 : i32
    %shift_left3A_862 = arith.shli %or3A_532, %shift_left3A_861 : i32
    %or3A_863 = arith.ori %shift_left3A_862, %select_n3A_819 : i32
    %parallel_loop3A_864 = arith.constant 0 : i32
    %parallel_loop3A_865 = arith.constant 256 : i32
    %parallel_loop3A_866 = arith.constant 1 : i32
    scf.for %parallel_loop3A_1503 = %parallel_loop3A_864 to %parallel_loop3A_865 step %parallel_loop3A_866  : i32 {
      %parallel_loop3A_1504 = arith.constant 16 : i32
      %parallel_loop3A_1505 = arith.muli %parallel_loop3A_1503, %parallel_loop3A_1504 : i32
      %parallel_loop3A_1506 = arith.index_cast %parallel_loop3A_1505 : i32 to index
      %parallel_loop3A_1507 = tpu.vector_load %arg6[%parallel_loop3A_1506] {strides = array<i32>} : memref<4096xi32, #tpu.memory_space<vmem>>, vector<16xi32>,
      tpu.vector_store %arg6[%parallel_loop3A_1506], %broadcast_in_dim3A_2 {strides = array<i32>} : memref<4096xi32, #tpu.memory_space<vmem>>, vector<16xi32>,
      %parallel_loop3A_1508 = arith.constant 16 : i32
      %parallel_loop3A_1509 = arith.muli %parallel_loop3A_1503, %parallel_loop3A_1508 : i32
      %parallel_loop3A_1510 = arith.index_cast %parallel_loop3A_1509 : i32 to index
      %parallel_loop3A_1511 = tpu.vector_load %arg7[%parallel_loop3A_1510] {strides = array<i32>} : memref<4096xi32, #tpu.memory_space<vmem>>, vector<16xi32>,
      tpu.vector_store %arg7[%parallel_loop3A_1510], %broadcast_in_dim3A_2 {strides = array<i32>} : memref<4096xi32, #tpu.memory_space<vmem>>, vector<16xi32>,
    } {sc.loop_unroll_factor = 8 : i64, sc.parallel_access}
    %parallel_loop3A_867 = arith.constant 0 : i32
    %parallel_loop3A_868 = arith.constant 2048 : i32
    %parallel_loop3A_869 = arith.constant 1 : i32
    %parallel_loop3A_870 = arith.constant 65535 : i32
    scf.for %parallel_loop3A_1503 = %parallel_loop3A_867 to %parallel_loop3A_868 step %parallel_loop3A_869  : i32 {
      %parallel_loop3A_1504 = arith.constant 16 : i32
      %parallel_loop3A_1505 = arith.muli %parallel_loop3A_1503, %parallel_loop3A_1504 : i32
      %parallel_loop3A_1506 = arith.index_cast %parallel_loop3A_1505 : i32 to index
      %parallel_loop3A_1507 = tpu.vector_load %arg4[%parallel_loop3A_1506] {strides = array<i32>} : memref<32768xf32, #tpu.memory_space<vmem>>, vector<16xf32>,
      %parallel_loop3A_1508 = vector.bitcast %parallel_loop3A_1507 : vector<16xf32> to vector<16xi32>
      %parallel_loop3A_1509 = arith.constant 16 : i32
      %parallel_loop3A_1510 = arith.muli %parallel_loop3A_1503, %parallel_loop3A_1509 : i32
      %parallel_loop3A_1511 = arith.index_cast %parallel_loop3A_1510 : i32 to index
      %parallel_loop3A_1512 = tpu.vector_load %arg5[%parallel_loop3A_1511] {strides = array<i32>} : memref<32768xf32, #tpu.memory_space<vmem>>, vector<16xf32>,
      %parallel_loop3A_1513 = vector.bitcast %parallel_loop3A_1512 : vector<16xf32> to vector<16xi32>
      %parallel_loop3A_1514 = arith.constant 3 : i32
      %parallel_loop3A_1515 = vector.broadcast %parallel_loop3A_1514 : i32 to vector<16xi32>
      %parallel_loop3A_1516 = arith.shrsi %parallel_loop3A_1508, %parallel_loop3A_1515 : vector<16xi32>
      %parallel_loop3A_1517 = arith.constant 4080 : i32
      %parallel_loop3A_1518 = vector.broadcast %parallel_loop3A_1517 : i32 to vector<16xi32>
      %parallel_loop3A_1519 = arith.andi %parallel_loop3A_1516, %parallel_loop3A_1518 : vector<16xi32>
      %parallel_loop3A_1520 = arith.addi %parallel_loop3A_1519, %iota3A : vector<16xi32>
      %parallel_loop3A_1521 = arith.constant 3 : i32
      %parallel_loop3A_1522 = vector.broadcast %parallel_loop3A_1521 : i32 to vector<16xi32>
      %parallel_loop3A_1523 = arith.shrsi %parallel_loop3A_1513, %parallel_loop3A_1522 : vector<16xi32>
      %parallel_loop3A_1524 = arith.constant 4080 : i32
      %parallel_loop3A_1525 = vector.broadcast %parallel_loop3A_1524 : i32 to vector<16xi32>
      %parallel_loop3A_1526 = arith.andi %parallel_loop3A_1523, %parallel_loop3A_1525 : vector<16xi32>
      %parallel_loop3A_1527 = arith.addi %parallel_loop3A_1526, %iota3A : vector<16xi32>
      %parallel_loop3A_1528 = arith.constant 15 : i32
      %parallel_loop3A_1529 = vector.broadcast %parallel_loop3A_1528 : i32 to vector<16xi32>
      %parallel_loop3A_1530 = arith.shrsi %parallel_loop3A_1508, %parallel_loop3A_1529 : vector<16xi32>
      %parallel_loop3A_1531 = vector.broadcast %parallel_loop3A_870 : i32 to vector<16xi32>
      %parallel_loop3A_1532 = arith.andi %parallel_loop3A_1530, %parallel_loop3A_1531 : vector<16xi32>
      %parallel_loop3A_1533 = vector.broadcast %or3A_860 : i32 to vector<16xi32>
      %parallel_loop3A_1534 = arith.cmpi eq, %parallel_loop3A_1532, %parallel_loop3A_1533 : vector<16xi32>
      %parallel_loop3A_1535 = arith.constant 15 : i32
      %parallel_loop3A_1536 = vector.broadcast %parallel_loop3A_1535 : i32 to vector<16xi32>
      %parallel_loop3A_1537 = arith.shrsi %parallel_loop3A_1513, %parallel_loop3A_1536 : vector<16xi32>
      %parallel_loop3A_1538 = vector.broadcast %parallel_loop3A_870 : i32 to vector<16xi32>
      %parallel_loop3A_1539 = arith.andi %parallel_loop3A_1537, %parallel_loop3A_1538 : vector<16xi32>
      %parallel_loop3A_1540 = vector.broadcast %or3A_863 : i32 to vector<16xi32>
      %parallel_loop3A_1541 = arith.cmpi eq, %parallel_loop3A_1539, %parallel_loop3A_1540 : vector<16xi32>
      tpu.vector_store_idx %arg6[%parallel_loop3A_1520], %broadcast_in_dim3A_0 masked %parallel_loop3A_1534 {add = true} : memref<4096xi32, #tpu.memory_space<vmem>>[vector<16xi32>], vector<16xi32>, vector<16xi1>
      tpu.vector_store_idx %arg7[%parallel_loop3A_1527], %broadcast_in_dim3A_0 masked %parallel_loop3A_1541 {add = true} : memref<4096xi32, #tpu.memory_space<vmem>>[vector<16xi32>], vector<16xi32>, vector<16xi1>
    } {sc.loop_unroll_factor = 8 : i64, sc.parallel_access}
    %parallel_loop3A_871 = arith.constant 0 : i32
    %parallel_loop3A_872 = arith.constant 256 : i32
    %parallel_loop3A_873 = arith.constant 1 : i32
    %parallel_loop3A_874:2 = scf.for %parallel_loop3A_1503 = %parallel_loop3A_871 to %parallel_loop3A_872 step %parallel_loop3A_873 iter_args(%parallel_loop3A_1504 = %broadcast_in_dim3A_2, %parallel_loop3A_1505 = %broadcast_in_dim3A_2) -> (vector<16xi32>, vector<16xi32>)  : i32 {
      %parallel_loop3A_1506 = arith.constant 255 : i32
      %parallel_loop3A_1507 = arith.subi %parallel_loop3A_1506, %parallel_loop3A_1503 : i32
      %parallel_loop3A_1508 = arith.constant 16 : i32
      %parallel_loop3A_1509 = arith.muli %parallel_loop3A_1507, %parallel_loop3A_1508 : i32
      %parallel_loop3A_1510 = arith.index_cast %parallel_loop3A_1509 : i32 to index
      %parallel_loop3A_1511 = tpu.vector_load %arg6[%parallel_loop3A_1510] {strides = array<i32>} : memref<4096xi32, #tpu.memory_space<vmem>>, vector<16xi32>,
      %parallel_loop3A_1512 = arith.addi %parallel_loop3A_1504, %parallel_loop3A_1511 : vector<16xi32>
      %parallel_loop3A_1513 = arith.constant 16 : i32
      %parallel_loop3A_1514 = arith.muli %parallel_loop3A_1507, %parallel_loop3A_1513 : i32
      %parallel_loop3A_1515 = arith.index_cast %parallel_loop3A_1514 : i32 to index
      %parallel_loop3A_1516 = tpu.vector_load %arg7[%parallel_loop3A_1515] {strides = array<i32>} : memref<4096xi32, #tpu.memory_space<vmem>>, vector<16xi32>,
      %parallel_loop3A_1517 = arith.addi %parallel_loop3A_1505, %parallel_loop3A_1516 : vector<16xi32>
      %parallel_loop3A_1518 = arith.constant 16 : i32
      %parallel_loop3A_1519 = arith.muli %parallel_loop3A_1507, %parallel_loop3A_1518 : i32
      %parallel_loop3A_1520 = arith.index_cast %parallel_loop3A_1519 : i32 to index
      %parallel_loop3A_1521 = tpu.vector_load %arg6[%parallel_loop3A_1520] {strides = array<i32>} : memref<4096xi32, #tpu.memory_space<vmem>>, vector<16xi32>,
      tpu.vector_store %arg6[%parallel_loop3A_1520], %parallel_loop3A_1512 {strides = array<i32>} : memref<4096xi32, #tpu.memory_space<vmem>>, vector<16xi32>,
      %parallel_loop3A_1522 = arith.constant 16 : i32
      %parallel_loop3A_1523 = arith.muli %parallel_loop3A_1507, %parallel_loop3A_1522 : i32
      %parallel_loop3A_1524 = arith.index_cast %parallel_loop3A_1523 : i32 to index
      %parallel_loop3A_1525 = tpu.vector_load %arg7[%parallel_loop3A_1524] {strides = array<i32>} : memref<4096xi32, #tpu.memory_space<vmem>>, vector<16xi32>,
      tpu.vector_store %arg7[%parallel_loop3A_1524], %parallel_loop3A_1517 {strides = array<i32>} : memref<4096xi32, #tpu.memory_space<vmem>>, vector<16xi32>,
      scf.yield %parallel_loop3A_1512, %parallel_loop3A_1517 : vector<16xi32>, vector<16xi32>
    } {sc.loop_unroll_factor = 4 : i64, sc.parallel_access}
    %add3A_875 = arith.constant 0 : i32
    %add3A_876 = arith.constant 128 : i32
    %add3A_877 = arith.addi %add3A_875, %add3A_876 : i32
    %add3A_878 = arith.constant 0 : i32
    %add3A_879 = arith.constant 128 : i32
    %add3A_880 = arith.addi %add3A_878, %add3A_879 : i32
    %min3A_881 = arith.constant 255 : i32
    %min3A_882 = arith.minsi %add3A_877, %min3A_881 : i32
    %mul3A_883 = arith.constant 16 : i32
    %mul3A_884 = arith.muli %min3A_882, %mul3A_883 : i32
    %get3A_885 = arith.index_cast %mul3A_884 : i32 to index
    %get3A_886 = tpu.vector_load %arg6[%get3A_885] {strides = array<i32>} : memref<4096xi32, #tpu.memory_space<vmem>>, vector<16xi32>,
    %reduce_sum3A_887 = arith.constant true
    %reduce_sum3A_888 = vector.broadcast %reduce_sum3A_887 : i1 to vector<16xi1>
    %reduce_sum3A_889 = tpu.scan <sum>, %get3A_886 masked %reduce_sum3A_888 : vector<16xi32>, vector<16xi1> -> vector<16xi32>
    %reduce_sum3A_890 = vector.extract %reduce_sum3A_889[15] : i32 from vector<16xi32>
    %min3A_891 = arith.constant 255 : i32
    %min3A_892 = arith.minsi %add3A_880, %min3A_891 : i32
    %mul3A_893 = arith.constant 16 : i32
    %mul3A_894 = arith.muli %min3A_892, %mul3A_893 : i32
    %get3A_895 = arith.index_cast %mul3A_894 : i32 to index
    %get3A_896 = tpu.vector_load %arg7[%get3A_895] {strides = array<i32>} : memref<4096xi32, #tpu.memory_space<vmem>>, vector<16xi32>,
    %reduce_sum3A_897 = arith.constant true
    %reduce_sum3A_898 = vector.broadcast %reduce_sum3A_897 : i1 to vector<16xi1>
    %reduce_sum3A_899 = tpu.scan <sum>, %get3A_896 masked %reduce_sum3A_898 : vector<16xi32>, vector<16xi1> -> vector<16xi32>
    %reduce_sum3A_900 = vector.extract %reduce_sum3A_899[15] : i32 from vector<16xi32>
    %le3A_901 = arith.constant 255 : i32
    %le3A_902 = arith.cmpi sle, %add3A_877, %le3A_901 : i32
    %ge3A_903 = arith.cmpi sge, %reduce_sum3A_890, %sub3A_850 : i32
    %and3A_904 = arith.andi %le3A_902, %ge3A_903 : i1
    %jit3A_905 = arith.constant 0 : i32
    %select_n3A_906 = arith.select %and3A_904, %add3A_877, %jit3A_905 : i32
    %le3A_907 = arith.constant 255 : i32
    %le3A_908 = arith.cmpi sle, %add3A_880, %le3A_907 : i32
    %ge3A_909 = arith.cmpi sge, %reduce_sum3A_900, %sub3A_857 : i32
    %and3A_910 = arith.andi %le3A_908, %ge3A_909 : i1
    %jit3A_911 = arith.constant 0 : i32
    %select_n3A_912 = arith.select %and3A_910, %add3A_880, %jit3A_911 : i32
    %add3A_913 = arith.constant 64 : i32
    %add3A_914 = arith.addi %select_n3A_906, %add3A_913 : i32
    %add3A_915 = arith.constant 64 : i32
    %add3A_916 = arith.addi %select_n3A_912, %add3A_915 : i32
    %min3A_917 = arith.constant 255 : i32
    %min3A_918 = arith.minsi %add3A_914, %min3A_917 : i32
    %mul3A_919 = arith.constant 16 : i32
    %mul3A_920 = arith.muli %min3A_918, %mul3A_919 : i32
    %get3A_921 = arith.index_cast %mul3A_920 : i32 to index
    %get3A_922 = tpu.vector_load %arg6[%get3A_921] {strides = array<i32>} : memref<4096xi32, #tpu.memory_space<vmem>>, vector<16xi32>,
    %reduce_sum3A_923 = arith.constant true
    %reduce_sum3A_924 = vector.broadcast %reduce_sum3A_923 : i1 to vector<16xi1>
    %reduce_sum3A_925 = tpu.scan <sum>, %get3A_922 masked %reduce_sum3A_924 : vector<16xi32>, vector<16xi1> -> vector<16xi32>
    %reduce_sum3A_926 = vector.extract %reduce_sum3A_925[15] : i32 from vector<16xi32>
    %min3A_927 = arith.constant 255 : i32
    %min3A_928 = arith.minsi %add3A_916, %min3A_927 : i32
    %mul3A_929 = arith.constant 16 : i32
    %mul3A_930 = arith.muli %min3A_928, %mul3A_929 : i32
    %get3A_931 = arith.index_cast %mul3A_930 : i32 to index
    %get3A_932 = tpu.vector_load %arg7[%get3A_931] {strides = array<i32>} : memref<4096xi32, #tpu.memory_space<vmem>>, vector<16xi32>,
    %reduce_sum3A_933 = arith.constant true
    %reduce_sum3A_934 = vector.broadcast %reduce_sum3A_933 : i1 to vector<16xi1>
    %reduce_sum3A_935 = tpu.scan <sum>, %get3A_932 masked %reduce_sum3A_934 : vector<16xi32>, vector<16xi1> -> vector<16xi32>
    %reduce_sum3A_936 = vector.extract %reduce_sum3A_935[15] : i32 from vector<16xi32>
    %le3A_937 = arith.constant 255 : i32
    %le3A_938 = arith.cmpi sle, %add3A_914, %le3A_937 : i32
    %ge3A_939 = arith.cmpi sge, %reduce_sum3A_926, %sub3A_850 : i32
    %and3A_940 = arith.andi %le3A_938, %ge3A_939 : i1
    %select_n3A_941 = arith.select %and3A_940, %add3A_914, %select_n3A_906 : i32
    %le3A_942 = arith.constant 255 : i32
    %le3A_943 = arith.cmpi sle, %add3A_916, %le3A_942 : i32
    %ge3A_944 = arith.cmpi sge, %reduce_sum3A_936, %sub3A_857 : i32
    %and3A_945 = arith.andi %le3A_943, %ge3A_944 : i1
    %select_n3A_946 = arith.select %and3A_945, %add3A_916, %select_n3A_912 : i32
    %add3A_947 = arith.constant 32 : i32
    %add3A_948 = arith.addi %select_n3A_941, %add3A_947 : i32
    %add3A_949 = arith.constant 32 : i32
    %add3A_950 = arith.addi %select_n3A_946, %add3A_949 : i32
    %min3A_951 = arith.constant 255 : i32
    %min3A_952 = arith.minsi %add3A_948, %min3A_951 : i32
    %mul3A_953 = arith.constant 16 : i32
    %mul3A_954 = arith.muli %min3A_952, %mul3A_953 : i32
    %get3A_955 = arith.index_cast %mul3A_954 : i32 to index
    %get3A_956 = tpu.vector_load %arg6[%get3A_955] {strides = array<i32>} : memref<4096xi32, #tpu.memory_space<vmem>>, vector<16xi32>,
    %reduce_sum3A_957 = arith.constant true
    %reduce_sum3A_958 = vector.broadcast %reduce_sum3A_957 : i1 to vector<16xi1>
    %reduce_sum3A_959 = tpu.scan <sum>, %get3A_956 masked %reduce_sum3A_958 : vector<16xi32>, vector<16xi1> -> vector<16xi32>
    %reduce_sum3A_960 = vector.extract %reduce_sum3A_959[15] : i32 from vector<16xi32>
    %min3A_961 = arith.constant 255 : i32
    %min3A_962 = arith.minsi %add3A_950, %min3A_961 : i32
    %mul3A_963 = arith.constant 16 : i32
    %mul3A_964 = arith.muli %min3A_962, %mul3A_963 : i32
    %get3A_965 = arith.index_cast %mul3A_964 : i32 to index
    %get3A_966 = tpu.vector_load %arg7[%get3A_965] {strides = array<i32>} : memref<4096xi32, #tpu.memory_space<vmem>>, vector<16xi32>,
    %reduce_sum3A_967 = arith.constant true
    %reduce_sum3A_968 = vector.broadcast %reduce_sum3A_967 : i1 to vector<16xi1>
    %reduce_sum3A_969 = tpu.scan <sum>, %get3A_966 masked %reduce_sum3A_968 : vector<16xi32>, vector<16xi1> -> vector<16xi32>
    %reduce_sum3A_970 = vector.extract %reduce_sum3A_969[15] : i32 from vector<16xi32>
    %le3A_971 = arith.constant 255 : i32
    %le3A_972 = arith.cmpi sle, %add3A_948, %le3A_971 : i32
    %ge3A_973 = arith.cmpi sge, %reduce_sum3A_960, %sub3A_850 : i32
    %and3A_974 = arith.andi %le3A_972, %ge3A_973 : i1
    %select_n3A_975 = arith.select %and3A_974, %add3A_948, %select_n3A_941 : i32
    %le3A_976 = arith.constant 255 : i32
    %le3A_977 = arith.cmpi sle, %add3A_950, %le3A_976 : i32
    %ge3A_978 = arith.cmpi sge, %reduce_sum3A_970, %sub3A_857 : i32
    %and3A_979 = arith.andi %le3A_977, %ge3A_978 : i1
    %select_n3A_980 = arith.select %and3A_979, %add3A_950, %select_n3A_946 : i32
    %add3A_981 = arith.constant 16 : i32
    %add3A_982 = arith.addi %select_n3A_975, %add3A_981 : i32
    %add3A_983 = arith.constant 16 : i32
    %add3A_984 = arith.addi %select_n3A_980, %add3A_983 : i32
    %min3A_985 = arith.constant 255 : i32
    %min3A_986 = arith.minsi %add3A_982, %min3A_985 : i32
    %mul3A_987 = arith.constant 16 : i32
    %mul3A_988 = arith.muli %min3A_986, %mul3A_987 : i32
    %get3A_989 = arith.index_cast %mul3A_988 : i32 to index
    %get3A_990 = tpu.vector_load %arg6[%get3A_989] {strides = array<i32>} : memref<4096xi32, #tpu.memory_space<vmem>>, vector<16xi32>,
    %reduce_sum3A_991 = arith.constant true
    %reduce_sum3A_992 = vector.broadcast %reduce_sum3A_991 : i1 to vector<16xi1>
    %reduce_sum3A_993 = tpu.scan <sum>, %get3A_990 masked %reduce_sum3A_992 : vector<16xi32>, vector<16xi1> -> vector<16xi32>
    %reduce_sum3A_994 = vector.extract %reduce_sum3A_993[15] : i32 from vector<16xi32>
    %min3A_995 = arith.constant 255 : i32
    %min3A_996 = arith.minsi %add3A_984, %min3A_995 : i32
    %mul3A_997 = arith.constant 16 : i32
    %mul3A_998 = arith.muli %min3A_996, %mul3A_997 : i32
    %get3A_999 = arith.index_cast %mul3A_998 : i32 to index
    %get3A_1000 = tpu.vector_load %arg7[%get3A_999] {strides = array<i32>} : memref<4096xi32, #tpu.memory_space<vmem>>, vector<16xi32>,
    %reduce_sum3A_1001 = arith.constant true
    %reduce_sum3A_1002 = vector.broadcast %reduce_sum3A_1001 : i1 to vector<16xi1>
    %reduce_sum3A_1003 = tpu.scan <sum>, %get3A_1000 masked %reduce_sum3A_1002 : vector<16xi32>, vector<16xi1> -> vector<16xi32>
    %reduce_sum3A_1004 = vector.extract %reduce_sum3A_1003[15] : i32 from vector<16xi32>
    %le3A_1005 = arith.constant 255 : i32
    %le3A_1006 = arith.cmpi sle, %add3A_982, %le3A_1005 : i32
    %ge3A_1007 = arith.cmpi sge, %reduce_sum3A_994, %sub3A_850 : i32
    %and3A_1008 = arith.andi %le3A_1006, %ge3A_1007 : i1
    %select_n3A_1009 = arith.select %and3A_1008, %add3A_982, %select_n3A_975 : i32
    %le3A_1010 = arith.constant 255 : i32
    %le3A_1011 = arith.cmpi sle, %add3A_984, %le3A_1010 : i32
    %ge3A_1012 = arith.cmpi sge, %reduce_sum3A_1004, %sub3A_857 : i32
    %and3A_1013 = arith.andi %le3A_1011, %ge3A_1012 : i1
    %select_n3A_1014 = arith.select %and3A_1013, %add3A_984, %select_n3A_980 : i32
    %add3A_1015 = arith.constant 8 : i32
    %add3A_1016 = arith.addi %select_n3A_1009, %add3A_1015 : i32
    %add3A_1017 = arith.constant 8 : i32
    %add3A_1018 = arith.addi %select_n3A_1014, %add3A_1017 : i32
    %min3A_1019 = arith.constant 255 : i32
    %min3A_1020 = arith.minsi %add3A_1016, %min3A_1019 : i32
    %mul3A_1021 = arith.constant 16 : i32
    %mul3A_1022 = arith.muli %min3A_1020, %mul3A_1021 : i32
    %get3A_1023 = arith.index_cast %mul3A_1022 : i32 to index
    %get3A_1024 = tpu.vector_load %arg6[%get3A_1023] {strides = array<i32>} : memref<4096xi32, #tpu.memory_space<vmem>>, vector<16xi32>,
    %reduce_sum3A_1025 = arith.constant true
    %reduce_sum3A_1026 = vector.broadcast %reduce_sum3A_1025 : i1 to vector<16xi1>
    %reduce_sum3A_1027 = tpu.scan <sum>, %get3A_1024 masked %reduce_sum3A_1026 : vector<16xi32>, vector<16xi1> -> vector<16xi32>
    %reduce_sum3A_1028 = vector.extract %reduce_sum3A_1027[15] : i32 from vector<16xi32>
    %min3A_1029 = arith.constant 255 : i32
    %min3A_1030 = arith.minsi %add3A_1018, %min3A_1029 : i32
    %mul3A_1031 = arith.constant 16 : i32
    %mul3A_1032 = arith.muli %min3A_1030, %mul3A_1031 : i32
    %get3A_1033 = arith.index_cast %mul3A_1032 : i32 to index
    %get3A_1034 = tpu.vector_load %arg7[%get3A_1033] {strides = array<i32>} : memref<4096xi32, #tpu.memory_space<vmem>>, vector<16xi32>,
    %reduce_sum3A_1035 = arith.constant true
    %reduce_sum3A_1036 = vector.broadcast %reduce_sum3A_1035 : i1 to vector<16xi1>
    %reduce_sum3A_1037 = tpu.scan <sum>, %get3A_1034 masked %reduce_sum3A_1036 : vector<16xi32>, vector<16xi1> -> vector<16xi32>
    %reduce_sum3A_1038 = vector.extract %reduce_sum3A_1037[15] : i32 from vector<16xi32>
    %le3A_1039 = arith.constant 255 : i32
    %le3A_1040 = arith.cmpi sle, %add3A_1016, %le3A_1039 : i32
    %ge3A_1041 = arith.cmpi sge, %reduce_sum3A_1028, %sub3A_850 : i32
    %and3A_1042 = arith.andi %le3A_1040, %ge3A_1041 : i1
    %select_n3A_1043 = arith.select %and3A_1042, %add3A_1016, %select_n3A_1009 : i32
    %le3A_1044 = arith.constant 255 : i32
    %le3A_1045 = arith.cmpi sle, %add3A_1018, %le3A_1044 : i32
    %ge3A_1046 = arith.cmpi sge, %reduce_sum3A_1038, %sub3A_857 : i32
    %and3A_1047 = arith.andi %le3A_1045, %ge3A_1046 : i1
    %select_n3A_1048 = arith.select %and3A_1047, %add3A_1018, %select_n3A_1014 : i32
    %add3A_1049 = arith.constant 4 : i32
    %add3A_1050 = arith.addi %select_n3A_1043, %add3A_1049 : i32
    %add3A_1051 = arith.constant 4 : i32
    %add3A_1052 = arith.addi %select_n3A_1048, %add3A_1051 : i32
    %min3A_1053 = arith.constant 255 : i32
    %min3A_1054 = arith.minsi %add3A_1050, %min3A_1053 : i32
    %mul3A_1055 = arith.constant 16 : i32
    %mul3A_1056 = arith.muli %min3A_1054, %mul3A_1055 : i32
    %get3A_1057 = arith.index_cast %mul3A_1056 : i32 to index
    %get3A_1058 = tpu.vector_load %arg6[%get3A_1057] {strides = array<i32>} : memref<4096xi32, #tpu.memory_space<vmem>>, vector<16xi32>,
    %reduce_sum3A_1059 = arith.constant true
    %reduce_sum3A_1060 = vector.broadcast %reduce_sum3A_1059 : i1 to vector<16xi1>
    %reduce_sum3A_1061 = tpu.scan <sum>, %get3A_1058 masked %reduce_sum3A_1060 : vector<16xi32>, vector<16xi1> -> vector<16xi32>
    %reduce_sum3A_1062 = vector.extract %reduce_sum3A_1061[15] : i32 from vector<16xi32>
    %min3A_1063 = arith.constant 255 : i32
    %min3A_1064 = arith.minsi %add3A_1052, %min3A_1063 : i32
    %mul3A_1065 = arith.constant 16 : i32
    %mul3A_1066 = arith.muli %min3A_1064, %mul3A_1065 : i32
    %get3A_1067 = arith.index_cast %mul3A_1066 : i32 to index
    %get3A_1068 = tpu.vector_load %arg7[%get3A_1067] {strides = array<i32>} : memref<4096xi32, #tpu.memory_space<vmem>>, vector<16xi32>,
    %reduce_sum3A_1069 = arith.constant true
    %reduce_sum3A_1070 = vector.broadcast %reduce_sum3A_1069 : i1 to vector<16xi1>
    %reduce_sum3A_1071 = tpu.scan <sum>, %get3A_1068 masked %reduce_sum3A_1070 : vector<16xi32>, vector<16xi1> -> vector<16xi32>
    %reduce_sum3A_1072 = vector.extract %reduce_sum3A_1071[15] : i32 from vector<16xi32>
    %le3A_1073 = arith.constant 255 : i32
    %le3A_1074 = arith.cmpi sle, %add3A_1050, %le3A_1073 : i32
    %ge3A_1075 = arith.cmpi sge, %reduce_sum3A_1062, %sub3A_850 : i32
    %and3A_1076 = arith.andi %le3A_1074, %ge3A_1075 : i1
    %select_n3A_1077 = arith.select %and3A_1076, %add3A_1050, %select_n3A_1043 : i32
    %le3A_1078 = arith.constant 255 : i32
    %le3A_1079 = arith.cmpi sle, %add3A_1052, %le3A_1078 : i32
    %ge3A_1080 = arith.cmpi sge, %reduce_sum3A_1072, %sub3A_857 : i32
    %and3A_1081 = arith.andi %le3A_1079, %ge3A_1080 : i1
    %select_n3A_1082 = arith.select %and3A_1081, %add3A_1052, %select_n3A_1048 : i32
    %add3A_1083 = arith.constant 2 : i32
    %add3A_1084 = arith.addi %select_n3A_1077, %add3A_1083 : i32
    %add3A_1085 = arith.constant 2 : i32
    %add3A_1086 = arith.addi %select_n3A_1082, %add3A_1085 : i32
    %min3A_1087 = arith.constant 255 : i32
    %min3A_1088 = arith.minsi %add3A_1084, %min3A_1087 : i32
    %mul3A_1089 = arith.constant 16 : i32
    %mul3A_1090 = arith.muli %min3A_1088, %mul3A_1089 : i32
    %get3A_1091 = arith.index_cast %mul3A_1090 : i32 to index
    %get3A_1092 = tpu.vector_load %arg6[%get3A_1091] {strides = array<i32>} : memref<4096xi32, #tpu.memory_space<vmem>>, vector<16xi32>,
    %reduce_sum3A_1093 = arith.constant true
    %reduce_sum3A_1094 = vector.broadcast %reduce_sum3A_1093 : i1 to vector<16xi1>
    %reduce_sum3A_1095 = tpu.scan <sum>, %get3A_1092 masked %reduce_sum3A_1094 : vector<16xi32>, vector<16xi1> -> vector<16xi32>
    %reduce_sum3A_1096 = vector.extract %reduce_sum3A_1095[15] : i32 from vector<16xi32>
    %min3A_1097 = arith.constant 255 : i32
    %min3A_1098 = arith.minsi %add3A_1086, %min3A_1097 : i32
    %mul3A_1099 = arith.constant 16 : i32
    %mul3A_1100 = arith.muli %min3A_1098, %mul3A_1099 : i32
    %get3A_1101 = arith.index_cast %mul3A_1100 : i32 to index
    %get3A_1102 = tpu.vector_load %arg7[%get3A_1101] {strides = array<i32>} : memref<4096xi32, #tpu.memory_space<vmem>>, vector<16xi32>,
    %reduce_sum3A_1103 = arith.constant true
    %reduce_sum3A_1104 = vector.broadcast %reduce_sum3A_1103 : i1 to vector<16xi1>
    %reduce_sum3A_1105 = tpu.scan <sum>, %get3A_1102 masked %reduce_sum3A_1104 : vector<16xi32>, vector<16xi1> -> vector<16xi32>
    %reduce_sum3A_1106 = vector.extract %reduce_sum3A_1105[15] : i32 from vector<16xi32>
    %le3A_1107 = arith.constant 255 : i32
    %le3A_1108 = arith.cmpi sle, %add3A_1084, %le3A_1107 : i32
    %ge3A_1109 = arith.cmpi sge, %reduce_sum3A_1096, %sub3A_850 : i32
    %and3A_1110 = arith.andi %le3A_1108, %ge3A_1109 : i1
    %select_n3A_1111 = arith.select %and3A_1110, %add3A_1084, %select_n3A_1077 : i32
    %le3A_1112 = arith.constant 255 : i32
    %le3A_1113 = arith.cmpi sle, %add3A_1086, %le3A_1112 : i32
    %ge3A_1114 = arith.cmpi sge, %reduce_sum3A_1106, %sub3A_857 : i32
    %and3A_1115 = arith.andi %le3A_1113, %ge3A_1114 : i1
    %select_n3A_1116 = arith.select %and3A_1115, %add3A_1086, %select_n3A_1082 : i32
    %add3A_1117 = arith.constant 1 : i32
    %add3A_1118 = arith.addi %select_n3A_1111, %add3A_1117 : i32
    %add3A_1119 = arith.constant 1 : i32
    %add3A_1120 = arith.addi %select_n3A_1116, %add3A_1119 : i32
    %min3A_1121 = arith.constant 255 : i32
    %min3A_1122 = arith.minsi %add3A_1118, %min3A_1121 : i32
    %mul3A_1123 = arith.constant 16 : i32
    %mul3A_1124 = arith.muli %min3A_1122, %mul3A_1123 : i32
    %get3A_1125 = arith.index_cast %mul3A_1124 : i32 to index
    %get3A_1126 = tpu.vector_load %arg6[%get3A_1125] {strides = array<i32>} : memref<4096xi32, #tpu.memory_space<vmem>>, vector<16xi32>,
    %reduce_sum3A_1127 = arith.constant true
    %reduce_sum3A_1128 = vector.broadcast %reduce_sum3A_1127 : i1 to vector<16xi1>
    %reduce_sum3A_1129 = tpu.scan <sum>, %get3A_1126 masked %reduce_sum3A_1128 : vector<16xi32>, vector<16xi1> -> vector<16xi32>
    %reduce_sum3A_1130 = vector.extract %reduce_sum3A_1129[15] : i32 from vector<16xi32>
    %min3A_1131 = arith.constant 255 : i32
    %min3A_1132 = arith.minsi %add3A_1120, %min3A_1131 : i32
    %mul3A_1133 = arith.constant 16 : i32
    %mul3A_1134 = arith.muli %min3A_1132, %mul3A_1133 : i32
    %get3A_1135 = arith.index_cast %mul3A_1134 : i32 to index
    %get3A_1136 = tpu.vector_load %arg7[%get3A_1135] {strides = array<i32>} : memref<4096xi32, #tpu.memory_space<vmem>>, vector<16xi32>,
    %reduce_sum3A_1137 = arith.constant true
    %reduce_sum3A_1138 = vector.broadcast %reduce_sum3A_1137 : i1 to vector<16xi1>
    %reduce_sum3A_1139 = tpu.scan <sum>, %get3A_1136 masked %reduce_sum3A_1138 : vector<16xi32>, vector<16xi1> -> vector<16xi32>
    %reduce_sum3A_1140 = vector.extract %reduce_sum3A_1139[15] : i32 from vector<16xi32>
    %le3A_1141 = arith.constant 255 : i32
    %le3A_1142 = arith.cmpi sle, %add3A_1118, %le3A_1141 : i32
    %ge3A_1143 = arith.cmpi sge, %reduce_sum3A_1130, %sub3A_850 : i32
    %and3A_1144 = arith.andi %le3A_1142, %ge3A_1143 : i1
    %select_n3A_1145 = arith.select %and3A_1144, %add3A_1118, %select_n3A_1111 : i32
    %le3A_1146 = arith.constant 255 : i32
    %le3A_1147 = arith.cmpi sle, %add3A_1120, %le3A_1146 : i32
    %ge3A_1148 = arith.cmpi sge, %reduce_sum3A_1140, %sub3A_857 : i32
    %and3A_1149 = arith.andi %le3A_1147, %ge3A_1148 : i1
    %select_n3A_1150 = arith.select %and3A_1149, %add3A_1120, %select_n3A_1116 : i32
    %add3A_1151 = arith.constant 1 : i32
    %add3A_1152 = arith.addi %select_n3A_1145, %add3A_1151 : i32
    %min3A_1153 = arith.constant 255 : i32
    %min3A_1154 = arith.minsi %add3A_1152, %min3A_1153 : i32
    %mul3A_1155 = arith.constant 16 : i32
    %mul3A_1156 = arith.muli %min3A_1154, %mul3A_1155 : i32
    %get3A_1157 = arith.index_cast %mul3A_1156 : i32 to index
    %get3A_1158 = tpu.vector_load %arg6[%get3A_1157] {strides = array<i32>} : memref<4096xi32, #tpu.memory_space<vmem>>, vector<16xi32>,
    %reduce_sum3A_1159 = arith.constant true
    %reduce_sum3A_1160 = vector.broadcast %reduce_sum3A_1159 : i1 to vector<16xi1>
    %reduce_sum3A_1161 = tpu.scan <sum>, %get3A_1158 masked %reduce_sum3A_1160 : vector<16xi32>, vector<16xi1> -> vector<16xi32>
    %reduce_sum3A_1162 = vector.extract %reduce_sum3A_1161[15] : i32 from vector<16xi32>
    %add3A_1163 = arith.constant 1 : i32
    %add3A_1164 = arith.addi %select_n3A_1150, %add3A_1163 : i32
    %min3A_1165 = arith.constant 255 : i32
    %min3A_1166 = arith.minsi %add3A_1164, %min3A_1165 : i32
    %mul3A_1167 = arith.constant 16 : i32
    %mul3A_1168 = arith.muli %min3A_1166, %mul3A_1167 : i32
    %get3A_1169 = arith.index_cast %mul3A_1168 : i32 to index
    %get3A_1170 = tpu.vector_load %arg7[%get3A_1169] {strides = array<i32>} : memref<4096xi32, #tpu.memory_space<vmem>>, vector<16xi32>,
    %reduce_sum3A_1171 = arith.constant true
    %reduce_sum3A_1172 = vector.broadcast %reduce_sum3A_1171 : i1 to vector<16xi1>
    %reduce_sum3A_1173 = tpu.scan <sum>, %get3A_1170 masked %reduce_sum3A_1172 : vector<16xi32>, vector<16xi1> -> vector<16xi32>
    %reduce_sum3A_1174 = vector.extract %reduce_sum3A_1173[15] : i32 from vector<16xi32>
    %add3A_1175 = arith.constant 1 : i32
    %add3A_1176 = arith.addi %select_n3A_1145, %add3A_1175 : i32
    %le3A_1177 = arith.constant 255 : i32
    %le3A_1178 = arith.cmpi sle, %add3A_1176, %le3A_1177 : i32
    %jit3A_1179 = arith.constant 0 : i32
    %select_n3A_1180 = arith.select %le3A_1178, %reduce_sum3A_1162, %jit3A_1179 : i32
    %sub3A_1181 = arith.subi %sub3A_850, %select_n3A_1180 : i32
    %add3A_1182 = arith.constant 1 : i32
    %add3A_1183 = arith.addi %select_n3A_1150, %add3A_1182 : i32
    %le3A_1184 = arith.constant 255 : i32
    %le3A_1185 = arith.cmpi sle, %add3A_1183, %le3A_1184 : i32
    %jit3A_1186 = arith.constant 0 : i32
    %select_n3A_1187 = arith.select %le3A_1185, %reduce_sum3A_1174, %jit3A_1186 : i32
    %sub3A_1188 = arith.subi %sub3A_857, %select_n3A_1187 : i32
    %shift_left3A_1189 = arith.constant 8 : i32
    %shift_left3A_1190 = arith.shli %or3A_860, %shift_left3A_1189 : i32
    %or3A_1191 = arith.ori %shift_left3A_1190, %select_n3A_1145 : i32
    %shift_left3A_1192 = arith.constant 8 : i32
    %shift_left3A_1193 = arith.shli %or3A_863, %shift_left3A_1192 : i32
    %or3A_1194 = arith.ori %shift_left3A_1193, %select_n3A_1150 : i32
    %parallel_loop3A_1195 = arith.constant 0 : i32
    %parallel_loop3A_1196 = arith.constant 128 : i32
    %parallel_loop3A_1197 = arith.constant 1 : i32
    scf.for %parallel_loop3A_1503 = %parallel_loop3A_1195 to %parallel_loop3A_1196 step %parallel_loop3A_1197  : i32 {
      %parallel_loop3A_1504 = arith.constant 16 : i32
      %parallel_loop3A_1505 = arith.muli %parallel_loop3A_1503, %parallel_loop3A_1504 : i32
      %parallel_loop3A_1506 = arith.index_cast %parallel_loop3A_1505 : i32 to index
      %parallel_loop3A_1507 = tpu.vector_load %arg6[%parallel_loop3A_1506] {strides = array<i32>} : memref<4096xi32, #tpu.memory_space<vmem>>, vector<16xi32>,
      tpu.vector_store %arg6[%parallel_loop3A_1506], %broadcast_in_dim3A_2 {strides = array<i32>} : memref<4096xi32, #tpu.memory_space<vmem>>, vector<16xi32>,
      %parallel_loop3A_1508 = arith.constant 16 : i32
      %parallel_loop3A_1509 = arith.muli %parallel_loop3A_1503, %parallel_loop3A_1508 : i32
      %parallel_loop3A_1510 = arith.index_cast %parallel_loop3A_1509 : i32 to index
      %parallel_loop3A_1511 = tpu.vector_load %arg7[%parallel_loop3A_1510] {strides = array<i32>} : memref<4096xi32, #tpu.memory_space<vmem>>, vector<16xi32>,
      tpu.vector_store %arg7[%parallel_loop3A_1510], %broadcast_in_dim3A_2 {strides = array<i32>} : memref<4096xi32, #tpu.memory_space<vmem>>, vector<16xi32>,
    } {sc.loop_unroll_factor = 8 : i64, sc.parallel_access}
    %parallel_loop3A_1198 = arith.constant 0 : i32
    %parallel_loop3A_1199 = arith.constant 2048 : i32
    %parallel_loop3A_1200 = arith.constant 1 : i32
    %parallel_loop3A_1201 = arith.constant 16777215 : i32
    scf.for %parallel_loop3A_1503 = %parallel_loop3A_1198 to %parallel_loop3A_1199 step %parallel_loop3A_1200  : i32 {
      %parallel_loop3A_1504 = arith.constant 16 : i32
      %parallel_loop3A_1505 = arith.muli %parallel_loop3A_1503, %parallel_loop3A_1504 : i32
      %parallel_loop3A_1506 = arith.index_cast %parallel_loop3A_1505 : i32 to index
      %parallel_loop3A_1507 = tpu.vector_load %arg4[%parallel_loop3A_1506] {strides = array<i32>} : memref<32768xf32, #tpu.memory_space<vmem>>, vector<16xf32>,
      %parallel_loop3A_1508 = vector.bitcast %parallel_loop3A_1507 : vector<16xf32> to vector<16xi32>
      %parallel_loop3A_1509 = arith.constant 16 : i32
      %parallel_loop3A_1510 = arith.muli %parallel_loop3A_1503, %parallel_loop3A_1509 : i32
      %parallel_loop3A_1511 = arith.index_cast %parallel_loop3A_1510 : i32 to index
      %parallel_loop3A_1512 = tpu.vector_load %arg5[%parallel_loop3A_1511] {strides = array<i32>} : memref<32768xf32, #tpu.memory_space<vmem>>, vector<16xf32>,
      %parallel_loop3A_1513 = vector.bitcast %parallel_loop3A_1512 : vector<16xf32> to vector<16xi32>
      %parallel_loop3A_1514 = arith.constant 4 : i32
      %parallel_loop3A_1515 = vector.broadcast %parallel_loop3A_1514 : i32 to vector<16xi32>
      %parallel_loop3A_1516 = arith.shli %parallel_loop3A_1508, %parallel_loop3A_1515 : vector<16xi32>
      %parallel_loop3A_1517 = arith.constant 2032 : i32
      %parallel_loop3A_1518 = vector.broadcast %parallel_loop3A_1517 : i32 to vector<16xi32>
      %parallel_loop3A_1519 = arith.andi %parallel_loop3A_1516, %parallel_loop3A_1518 : vector<16xi32>
      %parallel_loop3A_1520 = arith.addi %parallel_loop3A_1519, %iota3A : vector<16xi32>
      %parallel_loop3A_1521 = arith.constant 4 : i32
      %parallel_loop3A_1522 = vector.broadcast %parallel_loop3A_1521 : i32 to vector<16xi32>
      %parallel_loop3A_1523 = arith.shli %parallel_loop3A_1513, %parallel_loop3A_1522 : vector<16xi32>
      %parallel_loop3A_1524 = arith.constant 2032 : i32
      %parallel_loop3A_1525 = vector.broadcast %parallel_loop3A_1524 : i32 to vector<16xi32>
      %parallel_loop3A_1526 = arith.andi %parallel_loop3A_1523, %parallel_loop3A_1525 : vector<16xi32>
      %parallel_loop3A_1527 = arith.addi %parallel_loop3A_1526, %iota3A : vector<16xi32>
      %parallel_loop3A_1528 = arith.constant 7 : i32
      %parallel_loop3A_1529 = vector.broadcast %parallel_loop3A_1528 : i32 to vector<16xi32>
      %parallel_loop3A_1530 = arith.shrsi %parallel_loop3A_1508, %parallel_loop3A_1529 : vector<16xi32>
      %parallel_loop3A_1531 = vector.broadcast %parallel_loop3A_1201 : i32 to vector<16xi32>
      %parallel_loop3A_1532 = arith.andi %parallel_loop3A_1530, %parallel_loop3A_1531 : vector<16xi32>
      %parallel_loop3A_1533 = vector.broadcast %or3A_1191 : i32 to vector<16xi32>
      %parallel_loop3A_1534 = arith.cmpi eq, %parallel_loop3A_1532, %parallel_loop3A_1533 : vector<16xi32>
      %parallel_loop3A_1535 = arith.constant 7 : i32
      %parallel_loop3A_1536 = vector.broadcast %parallel_loop3A_1535 : i32 to vector<16xi32>
      %parallel_loop3A_1537 = arith.shrsi %parallel_loop3A_1513, %parallel_loop3A_1536 : vector<16xi32>
      %parallel_loop3A_1538 = vector.broadcast %parallel_loop3A_1201 : i32 to vector<16xi32>
      %parallel_loop3A_1539 = arith.andi %parallel_loop3A_1537, %parallel_loop3A_1538 : vector<16xi32>
      %parallel_loop3A_1540 = vector.broadcast %or3A_1194 : i32 to vector<16xi32>
      %parallel_loop3A_1541 = arith.cmpi eq, %parallel_loop3A_1539, %parallel_loop3A_1540 : vector<16xi32>
      tpu.vector_store_idx %arg6[%parallel_loop3A_1520], %broadcast_in_dim3A_0 masked %parallel_loop3A_1534 {add = true} : memref<4096xi32, #tpu.memory_space<vmem>>[vector<16xi32>], vector<16xi32>, vector<16xi1>
      tpu.vector_store_idx %arg7[%parallel_loop3A_1527], %broadcast_in_dim3A_0 masked %parallel_loop3A_1541 {add = true} : memref<4096xi32, #tpu.memory_space<vmem>>[vector<16xi32>], vector<16xi32>, vector<16xi1>
    } {sc.loop_unroll_factor = 8 : i64, sc.parallel_access}
    %parallel_loop3A_1202 = arith.constant 0 : i32
    %parallel_loop3A_1203 = arith.constant 128 : i32
    %parallel_loop3A_1204 = arith.constant 1 : i32
    %parallel_loop3A_1205:2 = scf.for %parallel_loop3A_1503 = %parallel_loop3A_1202 to %parallel_loop3A_1203 step %parallel_loop3A_1204 iter_args(%parallel_loop3A_1504 = %broadcast_in_dim3A_2, %parallel_loop3A_1505 = %broadcast_in_dim3A_2) -> (vector<16xi32>, vector<16xi32>)  : i32 {
      %parallel_loop3A_1506 = arith.constant 127 : i32
      %parallel_loop3A_1507 = arith.subi %parallel_loop3A_1506, %parallel_loop3A_1503 : i32
      %parallel_loop3A_1508 = arith.constant 16 : i32
      %parallel_loop3A_1509 = arith.muli %parallel_loop3A_1507, %parallel_loop3A_1508 : i32
      %parallel_loop3A_1510 = arith.index_cast %parallel_loop3A_1509 : i32 to index
      %parallel_loop3A_1511 = tpu.vector_load %arg6[%parallel_loop3A_1510] {strides = array<i32>} : memref<4096xi32, #tpu.memory_space<vmem>>, vector<16xi32>,
      %parallel_loop3A_1512 = arith.addi %parallel_loop3A_1504, %parallel_loop3A_1511 : vector<16xi32>
      %parallel_loop3A_1513 = arith.constant 16 : i32
      %parallel_loop3A_1514 = arith.muli %parallel_loop3A_1507, %parallel_loop3A_1513 : i32
      %parallel_loop3A_1515 = arith.index_cast %parallel_loop3A_1514 : i32 to index
      %parallel_loop3A_1516 = tpu.vector_load %arg7[%parallel_loop3A_1515] {strides = array<i32>} : memref<4096xi32, #tpu.memory_space<vmem>>, vector<16xi32>,
      %parallel_loop3A_1517 = arith.addi %parallel_loop3A_1505, %parallel_loop3A_1516 : vector<16xi32>
      %parallel_loop3A_1518 = arith.constant 16 : i32
      %parallel_loop3A_1519 = arith.muli %parallel_loop3A_1507, %parallel_loop3A_1518 : i32
      %parallel_loop3A_1520 = arith.index_cast %parallel_loop3A_1519 : i32 to index
      %parallel_loop3A_1521 = tpu.vector_load %arg6[%parallel_loop3A_1520] {strides = array<i32>} : memref<4096xi32, #tpu.memory_space<vmem>>, vector<16xi32>,
      tpu.vector_store %arg6[%parallel_loop3A_1520], %parallel_loop3A_1512 {strides = array<i32>} : memref<4096xi32, #tpu.memory_space<vmem>>, vector<16xi32>,
      %parallel_loop3A_1522 = arith.constant 16 : i32
      %parallel_loop3A_1523 = arith.muli %parallel_loop3A_1507, %parallel_loop3A_1522 : i32
      %parallel_loop3A_1524 = arith.index_cast %parallel_loop3A_1523 : i32 to index
      %parallel_loop3A_1525 = tpu.vector_load %arg7[%parallel_loop3A_1524] {strides = array<i32>} : memref<4096xi32, #tpu.memory_space<vmem>>, vector<16xi32>,
      tpu.vector_store %arg7[%parallel_loop3A_1524], %parallel_loop3A_1517 {strides = array<i32>} : memref<4096xi32, #tpu.memory_space<vmem>>, vector<16xi32>,
      scf.yield %parallel_loop3A_1512, %parallel_loop3A_1517 : vector<16xi32>, vector<16xi32>
    } {sc.loop_unroll_factor = 4 : i64, sc.parallel_access}
    %add3A_1206 = arith.constant 0 : i32
    %add3A_1207 = arith.constant 64 : i32
    %add3A_1208 = arith.addi %add3A_1206, %add3A_1207 : i32
    %add3A_1209 = arith.constant 0 : i32
    %add3A_1210 = arith.constant 64 : i32
    %add3A_1211 = arith.addi %add3A_1209, %add3A_1210 : i32
    %min3A_1212 = arith.constant 127 : i32
    %min3A_1213 = arith.minsi %add3A_1208, %min3A_1212 : i32
    %mul3A_1214 = arith.constant 16 : i32
    %mul3A_1215 = arith.muli %min3A_1213, %mul3A_1214 : i32
    %get3A_1216 = arith.index_cast %mul3A_1215 : i32 to index
    %get3A_1217 = tpu.vector_load %arg6[%get3A_1216] {strides = array<i32>} : memref<4096xi32, #tpu.memory_space<vmem>>, vector<16xi32>,
    %reduce_sum3A_1218 = arith.constant true
    %reduce_sum3A_1219 = vector.broadcast %reduce_sum3A_1218 : i1 to vector<16xi1>
    %reduce_sum3A_1220 = tpu.scan <sum>, %get3A_1217 masked %reduce_sum3A_1219 : vector<16xi32>, vector<16xi1> -> vector<16xi32>
    %reduce_sum3A_1221 = vector.extract %reduce_sum3A_1220[15] : i32 from vector<16xi32>
    %min3A_1222 = arith.constant 127 : i32
    %min3A_1223 = arith.minsi %add3A_1211, %min3A_1222 : i32
    %mul3A_1224 = arith.constant 16 : i32
    %mul3A_1225 = arith.muli %min3A_1223, %mul3A_1224 : i32
    %get3A_1226 = arith.index_cast %mul3A_1225 : i32 to index
    %get3A_1227 = tpu.vector_load %arg7[%get3A_1226] {strides = array<i32>} : memref<4096xi32, #tpu.memory_space<vmem>>, vector<16xi32>,
    %reduce_sum3A_1228 = arith.constant true
    %reduce_sum3A_1229 = vector.broadcast %reduce_sum3A_1228 : i1 to vector<16xi1>
    %reduce_sum3A_1230 = tpu.scan <sum>, %get3A_1227 masked %reduce_sum3A_1229 : vector<16xi32>, vector<16xi1> -> vector<16xi32>
    %reduce_sum3A_1231 = vector.extract %reduce_sum3A_1230[15] : i32 from vector<16xi32>
    %le3A_1232 = arith.constant 127 : i32
    %le3A_1233 = arith.cmpi sle, %add3A_1208, %le3A_1232 : i32
    %ge3A_1234 = arith.cmpi sge, %reduce_sum3A_1221, %sub3A_1181 : i32
    %and3A_1235 = arith.andi %le3A_1233, %ge3A_1234 : i1
    %jit3A_1236 = arith.constant 0 : i32
    %select_n3A_1237 = arith.select %and3A_1235, %add3A_1208, %jit3A_1236 : i32
    %le3A_1238 = arith.constant 127 : i32
    %le3A_1239 = arith.cmpi sle, %add3A_1211, %le3A_1238 : i32
    %ge3A_1240 = arith.cmpi sge, %reduce_sum3A_1231, %sub3A_1188 : i32
    %and3A_1241 = arith.andi %le3A_1239, %ge3A_1240 : i1
    %jit3A_1242 = arith.constant 0 : i32
    %select_n3A_1243 = arith.select %and3A_1241, %add3A_1211, %jit3A_1242 : i32
    %add3A_1244 = arith.constant 32 : i32
    %add3A_1245 = arith.addi %select_n3A_1237, %add3A_1244 : i32
    %add3A_1246 = arith.constant 32 : i32
    %add3A_1247 = arith.addi %select_n3A_1243, %add3A_1246 : i32
    %min3A_1248 = arith.constant 127 : i32
    %min3A_1249 = arith.minsi %add3A_1245, %min3A_1248 : i32
    %mul3A_1250 = arith.constant 16 : i32
    %mul3A_1251 = arith.muli %min3A_1249, %mul3A_1250 : i32
    %get3A_1252 = arith.index_cast %mul3A_1251 : i32 to index
    %get3A_1253 = tpu.vector_load %arg6[%get3A_1252] {strides = array<i32>} : memref<4096xi32, #tpu.memory_space<vmem>>, vector<16xi32>,
    %reduce_sum3A_1254 = arith.constant true
    %reduce_sum3A_1255 = vector.broadcast %reduce_sum3A_1254 : i1 to vector<16xi1>
    %reduce_sum3A_1256 = tpu.scan <sum>, %get3A_1253 masked %reduce_sum3A_1255 : vector<16xi32>, vector<16xi1> -> vector<16xi32>
    %reduce_sum3A_1257 = vector.extract %reduce_sum3A_1256[15] : i32 from vector<16xi32>
    %min3A_1258 = arith.constant 127 : i32
    %min3A_1259 = arith.minsi %add3A_1247, %min3A_1258 : i32
    %mul3A_1260 = arith.constant 16 : i32
    %mul3A_1261 = arith.muli %min3A_1259, %mul3A_1260 : i32
    %get3A_1262 = arith.index_cast %mul3A_1261 : i32 to index
    %get3A_1263 = tpu.vector_load %arg7[%get3A_1262] {strides = array<i32>} : memref<4096xi32, #tpu.memory_space<vmem>>, vector<16xi32>,
    %reduce_sum3A_1264 = arith.constant true
    %reduce_sum3A_1265 = vector.broadcast %reduce_sum3A_1264 : i1 to vector<16xi1>
    %reduce_sum3A_1266 = tpu.scan <sum>, %get3A_1263 masked %reduce_sum3A_1265 : vector<16xi32>, vector<16xi1> -> vector<16xi32>
    %reduce_sum3A_1267 = vector.extract %reduce_sum3A_1266[15] : i32 from vector<16xi32>
    %le3A_1268 = arith.constant 127 : i32
    %le3A_1269 = arith.cmpi sle, %add3A_1245, %le3A_1268 : i32
    %ge3A_1270 = arith.cmpi sge, %reduce_sum3A_1257, %sub3A_1181 : i32
    %and3A_1271 = arith.andi %le3A_1269, %ge3A_1270 : i1
    %select_n3A_1272 = arith.select %and3A_1271, %add3A_1245, %select_n3A_1237 : i32
    %le3A_1273 = arith.constant 127 : i32
    %le3A_1274 = arith.cmpi sle, %add3A_1247, %le3A_1273 : i32
    %ge3A_1275 = arith.cmpi sge, %reduce_sum3A_1267, %sub3A_1188 : i32
    %and3A_1276 = arith.andi %le3A_1274, %ge3A_1275 : i1
    %select_n3A_1277 = arith.select %and3A_1276, %add3A_1247, %select_n3A_1243 : i32
    %add3A_1278 = arith.constant 16 : i32
    %add3A_1279 = arith.addi %select_n3A_1272, %add3A_1278 : i32
    %add3A_1280 = arith.constant 16 : i32
    %add3A_1281 = arith.addi %select_n3A_1277, %add3A_1280 : i32
    %min3A_1282 = arith.constant 127 : i32
    %min3A_1283 = arith.minsi %add3A_1279, %min3A_1282 : i32
    %mul3A_1284 = arith.constant 16 : i32
    %mul3A_1285 = arith.muli %min3A_1283, %mul3A_1284 : i32
    %get3A_1286 = arith.index_cast %mul3A_1285 : i32 to index
    %get3A_1287 = tpu.vector_load %arg6[%get3A_1286] {strides = array<i32>} : memref<4096xi32, #tpu.memory_space<vmem>>, vector<16xi32>,
    %reduce_sum3A_1288 = arith.constant true
    %reduce_sum3A_1289 = vector.broadcast %reduce_sum3A_1288 : i1 to vector<16xi1>
    %reduce_sum3A_1290 = tpu.scan <sum>, %get3A_1287 masked %reduce_sum3A_1289 : vector<16xi32>, vector<16xi1> -> vector<16xi32>
    %reduce_sum3A_1291 = vector.extract %reduce_sum3A_1290[15] : i32 from vector<16xi32>
    %min3A_1292 = arith.constant 127 : i32
    %min3A_1293 = arith.minsi %add3A_1281, %min3A_1292 : i32
    %mul3A_1294 = arith.constant 16 : i32
    %mul3A_1295 = arith.muli %min3A_1293, %mul3A_1294 : i32
    %get3A_1296 = arith.index_cast %mul3A_1295 : i32 to index
    %get3A_1297 = tpu.vector_load %arg7[%get3A_1296] {strides = array<i32>} : memref<4096xi32, #tpu.memory_space<vmem>>, vector<16xi32>,
    %reduce_sum3A_1298 = arith.constant true
    %reduce_sum3A_1299 = vector.broadcast %reduce_sum3A_1298 : i1 to vector<16xi1>
    %reduce_sum3A_1300 = tpu.scan <sum>, %get3A_1297 masked %reduce_sum3A_1299 : vector<16xi32>, vector<16xi1> -> vector<16xi32>
    %reduce_sum3A_1301 = vector.extract %reduce_sum3A_1300[15] : i32 from vector<16xi32>
    %le3A_1302 = arith.constant 127 : i32
    %le3A_1303 = arith.cmpi sle, %add3A_1279, %le3A_1302 : i32
    %ge3A_1304 = arith.cmpi sge, %reduce_sum3A_1291, %sub3A_1181 : i32
    %and3A_1305 = arith.andi %le3A_1303, %ge3A_1304 : i1
    %select_n3A_1306 = arith.select %and3A_1305, %add3A_1279, %select_n3A_1272 : i32
    %le3A_1307 = arith.constant 127 : i32
    %le3A_1308 = arith.cmpi sle, %add3A_1281, %le3A_1307 : i32
    %ge3A_1309 = arith.cmpi sge, %reduce_sum3A_1301, %sub3A_1188 : i32
    %and3A_1310 = arith.andi %le3A_1308, %ge3A_1309 : i1
    %select_n3A_1311 = arith.select %and3A_1310, %add3A_1281, %select_n3A_1277 : i32
    %add3A_1312 = arith.constant 8 : i32
    %add3A_1313 = arith.addi %select_n3A_1306, %add3A_1312 : i32
    %add3A_1314 = arith.constant 8 : i32
    %add3A_1315 = arith.addi %select_n3A_1311, %add3A_1314 : i32
    %min3A_1316 = arith.constant 127 : i32
    %min3A_1317 = arith.minsi %add3A_1313, %min3A_1316 : i32
    %mul3A_1318 = arith.constant 16 : i32
    %mul3A_1319 = arith.muli %min3A_1317, %mul3A_1318 : i32
    %get3A_1320 = arith.index_cast %mul3A_1319 : i32 to index
    %get3A_1321 = tpu.vector_load %arg6[%get3A_1320] {strides = array<i32>} : memref<4096xi32, #tpu.memory_space<vmem>>, vector<16xi32>,
    %reduce_sum3A_1322 = arith.constant true
    %reduce_sum3A_1323 = vector.broadcast %reduce_sum3A_1322 : i1 to vector<16xi1>
    %reduce_sum3A_1324 = tpu.scan <sum>, %get3A_1321 masked %reduce_sum3A_1323 : vector<16xi32>, vector<16xi1> -> vector<16xi32>
    %reduce_sum3A_1325 = vector.extract %reduce_sum3A_1324[15] : i32 from vector<16xi32>
    %min3A_1326 = arith.constant 127 : i32
    %min3A_1327 = arith.minsi %add3A_1315, %min3A_1326 : i32
    %mul3A_1328 = arith.constant 16 : i32
    %mul3A_1329 = arith.muli %min3A_1327, %mul3A_1328 : i32
    %get3A_1330 = arith.index_cast %mul3A_1329 : i32 to index
    %get3A_1331 = tpu.vector_load %arg7[%get3A_1330] {strides = array<i32>} : memref<4096xi32, #tpu.memory_space<vmem>>, vector<16xi32>,
    %reduce_sum3A_1332 = arith.constant true
    %reduce_sum3A_1333 = vector.broadcast %reduce_sum3A_1332 : i1 to vector<16xi1>
    %reduce_sum3A_1334 = tpu.scan <sum>, %get3A_1331 masked %reduce_sum3A_1333 : vector<16xi32>, vector<16xi1> -> vector<16xi32>
    %reduce_sum3A_1335 = vector.extract %reduce_sum3A_1334[15] : i32 from vector<16xi32>
    %le3A_1336 = arith.constant 127 : i32
    %le3A_1337 = arith.cmpi sle, %add3A_1313, %le3A_1336 : i32
    %ge3A_1338 = arith.cmpi sge, %reduce_sum3A_1325, %sub3A_1181 : i32
    %and3A_1339 = arith.andi %le3A_1337, %ge3A_1338 : i1
    %select_n3A_1340 = arith.select %and3A_1339, %add3A_1313, %select_n3A_1306 : i32
    %le3A_1341 = arith.constant 127 : i32
    %le3A_1342 = arith.cmpi sle, %add3A_1315, %le3A_1341 : i32
    %ge3A_1343 = arith.cmpi sge, %reduce_sum3A_1335, %sub3A_1188 : i32
    %and3A_1344 = arith.andi %le3A_1342, %ge3A_1343 : i1
    %select_n3A_1345 = arith.select %and3A_1344, %add3A_1315, %select_n3A_1311 : i32
    %add3A_1346 = arith.constant 4 : i32
    %add3A_1347 = arith.addi %select_n3A_1340, %add3A_1346 : i32
    %add3A_1348 = arith.constant 4 : i32
    %add3A_1349 = arith.addi %select_n3A_1345, %add3A_1348 : i32
    %min3A_1350 = arith.constant 127 : i32
    %min3A_1351 = arith.minsi %add3A_1347, %min3A_1350 : i32
    %mul3A_1352 = arith.constant 16 : i32
    %mul3A_1353 = arith.muli %min3A_1351, %mul3A_1352 : i32
    %get3A_1354 = arith.index_cast %mul3A_1353 : i32 to index
    %get3A_1355 = tpu.vector_load %arg6[%get3A_1354] {strides = array<i32>} : memref<4096xi32, #tpu.memory_space<vmem>>, vector<16xi32>,
    %reduce_sum3A_1356 = arith.constant true
    %reduce_sum3A_1357 = vector.broadcast %reduce_sum3A_1356 : i1 to vector<16xi1>
    %reduce_sum3A_1358 = tpu.scan <sum>, %get3A_1355 masked %reduce_sum3A_1357 : vector<16xi32>, vector<16xi1> -> vector<16xi32>
    %reduce_sum3A_1359 = vector.extract %reduce_sum3A_1358[15] : i32 from vector<16xi32>
    %min3A_1360 = arith.constant 127 : i32
    %min3A_1361 = arith.minsi %add3A_1349, %min3A_1360 : i32
    %mul3A_1362 = arith.constant 16 : i32
    %mul3A_1363 = arith.muli %min3A_1361, %mul3A_1362 : i32
    %get3A_1364 = arith.index_cast %mul3A_1363 : i32 to index
    %get3A_1365 = tpu.vector_load %arg7[%get3A_1364] {strides = array<i32>} : memref<4096xi32, #tpu.memory_space<vmem>>, vector<16xi32>,
    %reduce_sum3A_1366 = arith.constant true
    %reduce_sum3A_1367 = vector.broadcast %reduce_sum3A_1366 : i1 to vector<16xi1>
    %reduce_sum3A_1368 = tpu.scan <sum>, %get3A_1365 masked %reduce_sum3A_1367 : vector<16xi32>, vector<16xi1> -> vector<16xi32>
    %reduce_sum3A_1369 = vector.extract %reduce_sum3A_1368[15] : i32 from vector<16xi32>
    %le3A_1370 = arith.constant 127 : i32
    %le3A_1371 = arith.cmpi sle, %add3A_1347, %le3A_1370 : i32
    %ge3A_1372 = arith.cmpi sge, %reduce_sum3A_1359, %sub3A_1181 : i32
    %and3A_1373 = arith.andi %le3A_1371, %ge3A_1372 : i1
    %select_n3A_1374 = arith.select %and3A_1373, %add3A_1347, %select_n3A_1340 : i32
    %le3A_1375 = arith.constant 127 : i32
    %le3A_1376 = arith.cmpi sle, %add3A_1349, %le3A_1375 : i32
    %ge3A_1377 = arith.cmpi sge, %reduce_sum3A_1369, %sub3A_1188 : i32
    %and3A_1378 = arith.andi %le3A_1376, %ge3A_1377 : i1
    %select_n3A_1379 = arith.select %and3A_1378, %add3A_1349, %select_n3A_1345 : i32
    %add3A_1380 = arith.constant 2 : i32
    %add3A_1381 = arith.addi %select_n3A_1374, %add3A_1380 : i32
    %add3A_1382 = arith.constant 2 : i32
    %add3A_1383 = arith.addi %select_n3A_1379, %add3A_1382 : i32
    %min3A_1384 = arith.constant 127 : i32
    %min3A_1385 = arith.minsi %add3A_1381, %min3A_1384 : i32
    %mul3A_1386 = arith.constant 16 : i32
    %mul3A_1387 = arith.muli %min3A_1385, %mul3A_1386 : i32
    %get3A_1388 = arith.index_cast %mul3A_1387 : i32 to index
    %get3A_1389 = tpu.vector_load %arg6[%get3A_1388] {strides = array<i32>} : memref<4096xi32, #tpu.memory_space<vmem>>, vector<16xi32>,
    %reduce_sum3A_1390 = arith.constant true
    %reduce_sum3A_1391 = vector.broadcast %reduce_sum3A_1390 : i1 to vector<16xi1>
    %reduce_sum3A_1392 = tpu.scan <sum>, %get3A_1389 masked %reduce_sum3A_1391 : vector<16xi32>, vector<16xi1> -> vector<16xi32>
    %reduce_sum3A_1393 = vector.extract %reduce_sum3A_1392[15] : i32 from vector<16xi32>
    %min3A_1394 = arith.constant 127 : i32
    %min3A_1395 = arith.minsi %add3A_1383, %min3A_1394 : i32
    %mul3A_1396 = arith.constant 16 : i32
    %mul3A_1397 = arith.muli %min3A_1395, %mul3A_1396 : i32
    %get3A_1398 = arith.index_cast %mul3A_1397 : i32 to index
    %get3A_1399 = tpu.vector_load %arg7[%get3A_1398] {strides = array<i32>} : memref<4096xi32, #tpu.memory_space<vmem>>, vector<16xi32>,
    %reduce_sum3A_1400 = arith.constant true
    %reduce_sum3A_1401 = vector.broadcast %reduce_sum3A_1400 : i1 to vector<16xi1>
    %reduce_sum3A_1402 = tpu.scan <sum>, %get3A_1399 masked %reduce_sum3A_1401 : vector<16xi32>, vector<16xi1> -> vector<16xi32>
    %reduce_sum3A_1403 = vector.extract %reduce_sum3A_1402[15] : i32 from vector<16xi32>
    %le3A_1404 = arith.constant 127 : i32
    %le3A_1405 = arith.cmpi sle, %add3A_1381, %le3A_1404 : i32
    %ge3A_1406 = arith.cmpi sge, %reduce_sum3A_1393, %sub3A_1181 : i32
    %and3A_1407 = arith.andi %le3A_1405, %ge3A_1406 : i1
    %select_n3A_1408 = arith.select %and3A_1407, %add3A_1381, %select_n3A_1374 : i32
    %le3A_1409 = arith.constant 127 : i32
    %le3A_1410 = arith.cmpi sle, %add3A_1383, %le3A_1409 : i32
    %ge3A_1411 = arith.cmpi sge, %reduce_sum3A_1403, %sub3A_1188 : i32
    %and3A_1412 = arith.andi %le3A_1410, %ge3A_1411 : i1
    %select_n3A_1413 = arith.select %and3A_1412, %add3A_1383, %select_n3A_1379 : i32
    %add3A_1414 = arith.constant 1 : i32
    %add3A_1415 = arith.addi %select_n3A_1408, %add3A_1414 : i32
    %add3A_1416 = arith.constant 1 : i32
    %add3A_1417 = arith.addi %select_n3A_1413, %add3A_1416 : i32
    %min3A_1418 = arith.constant 127 : i32
    %min3A_1419 = arith.minsi %add3A_1415, %min3A_1418 : i32
    %mul3A_1420 = arith.constant 16 : i32
    %mul3A_1421 = arith.muli %min3A_1419, %mul3A_1420 : i32
    %get3A_1422 = arith.index_cast %mul3A_1421 : i32 to index
    %get3A_1423 = tpu.vector_load %arg6[%get3A_1422] {strides = array<i32>} : memref<4096xi32, #tpu.memory_space<vmem>>, vector<16xi32>,
    %reduce_sum3A_1424 = arith.constant true
    %reduce_sum3A_1425 = vector.broadcast %reduce_sum3A_1424 : i1 to vector<16xi1>
    %reduce_sum3A_1426 = tpu.scan <sum>, %get3A_1423 masked %reduce_sum3A_1425 : vector<16xi32>, vector<16xi1> -> vector<16xi32>
    %reduce_sum3A_1427 = vector.extract %reduce_sum3A_1426[15] : i32 from vector<16xi32>
    %min3A_1428 = arith.constant 127 : i32
    %min3A_1429 = arith.minsi %add3A_1417, %min3A_1428 : i32
    %mul3A_1430 = arith.constant 16 : i32
    %mul3A_1431 = arith.muli %min3A_1429, %mul3A_1430 : i32
    %get3A_1432 = arith.index_cast %mul3A_1431 : i32 to index
    %get3A_1433 = tpu.vector_load %arg7[%get3A_1432] {strides = array<i32>} : memref<4096xi32, #tpu.memory_space<vmem>>, vector<16xi32>,
    %reduce_sum3A_1434 = arith.constant true
    %reduce_sum3A_1435 = vector.broadcast %reduce_sum3A_1434 : i1 to vector<16xi1>
    %reduce_sum3A_1436 = tpu.scan <sum>, %get3A_1433 masked %reduce_sum3A_1435 : vector<16xi32>, vector<16xi1> -> vector<16xi32>
    %reduce_sum3A_1437 = vector.extract %reduce_sum3A_1436[15] : i32 from vector<16xi32>
    %le3A_1438 = arith.constant 127 : i32
    %le3A_1439 = arith.cmpi sle, %add3A_1415, %le3A_1438 : i32
    %ge3A_1440 = arith.cmpi sge, %reduce_sum3A_1427, %sub3A_1181 : i32
    %and3A_1441 = arith.andi %le3A_1439, %ge3A_1440 : i1
    %select_n3A_1442 = arith.select %and3A_1441, %add3A_1415, %select_n3A_1408 : i32
    %le3A_1443 = arith.constant 127 : i32
    %le3A_1444 = arith.cmpi sle, %add3A_1417, %le3A_1443 : i32
    %ge3A_1445 = arith.cmpi sge, %reduce_sum3A_1437, %sub3A_1188 : i32
    %and3A_1446 = arith.andi %le3A_1444, %ge3A_1445 : i1
    %select_n3A_1447 = arith.select %and3A_1446, %add3A_1417, %select_n3A_1413 : i32
    %add3A_1448 = arith.constant 1 : i32
    %add3A_1449 = arith.addi %select_n3A_1442, %add3A_1448 : i32
    %min3A_1450 = arith.constant 127 : i32
    %min3A_1451 = arith.minsi %add3A_1449, %min3A_1450 : i32
    %mul3A_1452 = arith.constant 16 : i32
    %mul3A_1453 = arith.muli %min3A_1451, %mul3A_1452 : i32
    %get3A_1454 = arith.index_cast %mul3A_1453 : i32 to index
    %get3A_1455 = tpu.vector_load %arg6[%get3A_1454] {strides = array<i32>} : memref<4096xi32, #tpu.memory_space<vmem>>, vector<16xi32>,
    %reduce_sum3A_1456 = arith.constant true
    %reduce_sum3A_1457 = vector.broadcast %reduce_sum3A_1456 : i1 to vector<16xi1>
    %reduce_sum3A_1458 = tpu.scan <sum>, %get3A_1455 masked %reduce_sum3A_1457 : vector<16xi32>, vector<16xi1> -> vector<16xi32>
    %reduce_sum3A_1459 = vector.extract %reduce_sum3A_1458[15] : i32 from vector<16xi32>
    %add3A_1460 = arith.constant 1 : i32
    %add3A_1461 = arith.addi %select_n3A_1447, %add3A_1460 : i32
    %min3A_1462 = arith.constant 127 : i32
    %min3A_1463 = arith.minsi %add3A_1461, %min3A_1462 : i32
    %mul3A_1464 = arith.constant 16 : i32
    %mul3A_1465 = arith.muli %min3A_1463, %mul3A_1464 : i32
    %get3A_1466 = arith.index_cast %mul3A_1465 : i32 to index
    %get3A_1467 = tpu.vector_load %arg7[%get3A_1466] {strides = array<i32>} : memref<4096xi32, #tpu.memory_space<vmem>>, vector<16xi32>,
    %reduce_sum3A_1468 = arith.constant true
    %reduce_sum3A_1469 = vector.broadcast %reduce_sum3A_1468 : i1 to vector<16xi1>
    %reduce_sum3A_1470 = tpu.scan <sum>, %get3A_1467 masked %reduce_sum3A_1469 : vector<16xi32>, vector<16xi1> -> vector<16xi32>
    %reduce_sum3A_1471 = vector.extract %reduce_sum3A_1470[15] : i32 from vector<16xi32>
    %add3A_1472 = arith.constant 1 : i32
    %add3A_1473 = arith.addi %select_n3A_1442, %add3A_1472 : i32
    %le3A_1474 = arith.constant 127 : i32
    %le3A_1475 = arith.cmpi sle, %add3A_1473, %le3A_1474 : i32
    %jit3A_1476 = arith.constant 0 : i32
    %select_n3A_1477 = arith.select %le3A_1475, %reduce_sum3A_1459, %jit3A_1476 : i32
    %sub3A_1478 = arith.subi %sub3A_1181, %select_n3A_1477 : i32
    %add3A_1479 = arith.constant 1 : i32
    %add3A_1480 = arith.addi %select_n3A_1447, %add3A_1479 : i32
    %le3A_1481 = arith.constant 127 : i32
    %le3A_1482 = arith.cmpi sle, %add3A_1480, %le3A_1481 : i32
    %jit3A_1483 = arith.constant 0 : i32
    %select_n3A_1484 = arith.select %le3A_1482, %reduce_sum3A_1471, %jit3A_1483 : i32
    %sub3A_1485 = arith.subi %sub3A_1188, %select_n3A_1484 : i32
    %shift_left3A_1486 = arith.constant 7 : i32
    %shift_left3A_1487 = arith.shli %or3A_1191, %shift_left3A_1486 : i32
    %or3A_1488 = arith.ori %shift_left3A_1487, %select_n3A_1442 : i32
    %shift_left3A_1489 = arith.constant 7 : i32
    %shift_left3A_1490 = arith.shli %or3A_1194, %shift_left3A_1489 : i32
    %or3A_1491 = arith.ori %shift_left3A_1490, %select_n3A_1447 : i32
    %broadcast_in_dim3A_1492 = vector.broadcast %or3A_1488 : i32 to vector<16xi32>
    %swap3A = arith.constant 0 : index
    %swap3A_1493 = tpu.vector_load %arg8[%swap3A] {strides = array<i32>} : memref<16xi32, #tpu.memory_space<vmem>>, vector<16xi32>,
    tpu.vector_store %arg8[%swap3A], %broadcast_in_dim3A_1492 {strides = array<i32>} : memref<16xi32, #tpu.memory_space<vmem>>, vector<16xi32>,
    %mul3A_1494 = arith.constant 2 : i32
    %mul3A_1495 = arith.muli %add3A, %mul3A_1494 : i32
    "tpu.region"() ({
      %run_scoped3A = tpu.sem_alloc : memref<!tpu.dma_semaphore, #tpu.memory_space<semaphore_mem>>
      %dma_start3A_1503 = arith.constant 0 : i32
      %dma_start3A_1504 = tpu.memref_slice %arg3[%mul3A_1495, %dma_start3A_1503] : memref<64x16xi32, #tpu.memory_space<hbm>> -> memref<1x16xi32, #tpu.memory_space<hbm>>
      %dma_start3A_1505 = tpu.memref_squeeze %dma_start3A_1504 : memref<1x16xi32, #tpu.memory_space<hbm>> -> memref<16xi32, #tpu.memory_space<hbm>>
      %dma_start3A_1506 = arith.constant 0 : i32
      %dma_start3A_1507 = tpu.memref_slice %arg3[%mul3A_1495, %dma_start3A_1506] : memref<64x16xi32, #tpu.memory_space<hbm>> -> memref<1x16xi32, #tpu.memory_space<hbm>>
      %dma_start3A_1508 = tpu.memref_squeeze %dma_start3A_1507 : memref<1x16xi32, #tpu.memory_space<hbm>> -> memref<16xi32, #tpu.memory_space<hbm>>
      tpu.enqueue_dma source(%arg8 : memref<16xi32, #tpu.memory_space<vmem>>) target(%dma_start3A_1508 : memref<16xi32, #tpu.memory_space<hbm>>) target_semaphore(%run_scoped3A : memref<!tpu.dma_semaphore, #tpu.memory_space<semaphore_mem>>)
      %dma_wait3A_1509 = arith.constant 0 : i32
      %dma_wait3A_1510 = tpu.memref_slice %arg3[%mul3A_1495, %dma_wait3A_1509] : memref<64x16xi32, #tpu.memory_space<hbm>> -> memref<1x16xi32, #tpu.memory_space<hbm>>
      %dma_wait3A_1511 = tpu.memref_squeeze %dma_wait3A_1510 : memref<1x16xi32, #tpu.memory_space<hbm>> -> memref<16xi32, #tpu.memory_space<hbm>>
      %dma_wait3A_1512 = arith.constant 0 : i32
      %dma_wait3A_1513 = tpu.memref_slice %arg3[%mul3A_1495, %dma_wait3A_1512] : memref<64x16xi32, #tpu.memory_space<hbm>> -> memref<1x16xi32, #tpu.memory_space<hbm>>
      %dma_wait3A_1514 = tpu.memref_squeeze %dma_wait3A_1513 : memref<1x16xi32, #tpu.memory_space<hbm>> -> memref<16xi32, #tpu.memory_space<hbm>>
      tpu.wait_dma2 semaphore(%run_scoped3A : memref<!tpu.dma_semaphore, #tpu.memory_space<semaphore_mem>>) src(%arg8 : memref<16xi32, #tpu.memory_space<vmem>>) dst(%dma_wait3A_1514 : memref<16xi32, #tpu.memory_space<hbm>>)
      tpu.yield
    }) : () -> ()
    %broadcast_in_dim3A_1496 = vector.broadcast %or3A_1491 : i32 to vector<16xi32>
    %swap3A_1497 = arith.constant 0 : index
    %swap3A_1498 = tpu.vector_load %arg8[%swap3A_1497] {strides = array<i32>} : memref<16xi32, #tpu.memory_space<vmem>>, vector<16xi32>,
    tpu.vector_store %arg8[%swap3A_1497], %broadcast_in_dim3A_1496 {strides = array<i32>} : memref<16xi32, #tpu.memory_space<vmem>>, vector<16xi32>,
    %mul3A_1499 = arith.constant 2 : i32
    %mul3A_1500 = arith.muli %add3A, %mul3A_1499 : i32
    %add3A_1501 = arith.constant 1 : i32
    %add3A_1502 = arith.addi %mul3A_1500, %add3A_1501 : i32
    "tpu.region"() ({
      %run_scoped3A = tpu.sem_alloc : memref<!tpu.dma_semaphore, #tpu.memory_space<semaphore_mem>>
      %dma_start3A_1503 = arith.constant 0 : i32
      %dma_start3A_1504 = tpu.memref_slice %arg3[%add3A_1502, %dma_start3A_1503] : memref<64x16xi32, #tpu.memory_space<hbm>> -> memref<1x16xi32, #tpu.memory_space<hbm>>
      %dma_start3A_1505 = tpu.memref_squeeze %dma_start3A_1504 : memref<1x16xi32, #tpu.memory_space<hbm>> -> memref<16xi32, #tpu.memory_space<hbm>>
      %dma_start3A_1506 = arith.constant 0 : i32
      %dma_start3A_1507 = tpu.memref_slice %arg3[%add3A_1502, %dma_start3A_1506] : memref<64x16xi32, #tpu.memory_space<hbm>> -> memref<1x16xi32, #tpu.memory_space<hbm>>
      %dma_start3A_1508 = tpu.memref_squeeze %dma_start3A_1507 : memref<1x16xi32, #tpu.memory_space<hbm>> -> memref<16xi32, #tpu.memory_space<hbm>>
      tpu.enqueue_dma source(%arg8 : memref<16xi32, #tpu.memory_space<vmem>>) target(%dma_start3A_1508 : memref<16xi32, #tpu.memory_space<hbm>>) target_semaphore(%run_scoped3A : memref<!tpu.dma_semaphore, #tpu.memory_space<semaphore_mem>>)
      %dma_wait3A_1509 = arith.constant 0 : i32
      %dma_wait3A_1510 = tpu.memref_slice %arg3[%add3A_1502, %dma_wait3A_1509] : memref<64x16xi32, #tpu.memory_space<hbm>> -> memref<1x16xi32, #tpu.memory_space<hbm>>
      %dma_wait3A_1511 = tpu.memref_squeeze %dma_wait3A_1510 : memref<1x16xi32, #tpu.memory_space<hbm>> -> memref<16xi32, #tpu.memory_space<hbm>>
      %dma_wait3A_1512 = arith.constant 0 : i32
      %dma_wait3A_1513 = tpu.memref_slice %arg3[%add3A_1502, %dma_wait3A_1512] : memref<64x16xi32, #tpu.memory_space<hbm>> -> memref<1x16xi32, #tpu.memory_space<hbm>>
      %dma_wait3A_1514 = tpu.memref_squeeze %dma_wait3A_1513 : memref<1x16xi32, #tpu.memory_space<hbm>> -> memref<16xi32, #tpu.memory_space<hbm>>
      tpu.wait_dma2 semaphore(%run_scoped3A : memref<!tpu.dma_semaphore, #tpu.memory_space<semaphore_mem>>) src(%arg8 : memref<16xi32, #tpu.memory_space<vmem>>) dst(%dma_wait3A_1514 : memref<16xi32, #tpu.memory_space<hbm>>)
      tpu.yield
    }) : () -> ()
    return
  }
}

module attributes {stable_mosaic.version = 14 : i64} {
  func.func @_apply_body(%arg0: i32, %arg1: memref<32x16xi32, #tpu.memory_space<vmem>>, %arg2: memref<32x32768xf32, #tpu.memory_space<vmem>>, %arg3: memref<32x32768xf32, #tpu.memory_space<vmem>>, %arg4: memref<32x32768xi8, #tpu.memory_space<vmem>>) attributes {dimension_semantics = [#tpu.dimension_semantics<arbitrary>], iteration_bounds = array<i64: 2>, scalar_prefetch = 0 : i64, scratch_operands = 0 : i64, tpu.core_type = #tpu.core_type<tc>, window_params = [{transform_indices = @transform_0, window_bounds = array<i64: 32, 16>}, {transform_indices = @transform_1, window_bounds = array<i64: 32, 32768>}, {transform_indices = @transform_2, window_bounds = array<i64: 32, 32768>}, {transform_indices = @transform_3, window_bounds = array<i64: 32, 32768>}]} {
    %get3A = arith.constant 0 : index
    %get3A_0 = arith.constant 0 : index
    %get3A_1 = vector.load %arg2[%get3A, %get3A_0] : memref<32x32768xf32, #tpu.memory_space<vmem>>, vector<32x32768xf32>
    %abs3A = math.absf %get3A_1 : vector<32x32768xf32>
    %bitcast_convert_type3A = tpu.bitcast %abs3A : vector<32x32768xf32> -> vector<32x32768xi32>
    %get3A_2 = arith.constant 0 : index
    %get3A_3 = arith.constant 0 : index
    %get3A_4 = vector.load %arg1[%get3A_2, %get3A_3] : memref<32x16xi32, #tpu.memory_space<vmem>>, vector<32x1xi32>
    %ge3A = vector.broadcast %get3A_4 : vector<32x1xi32> to vector<32x32768xi32>
    %ge3A_5 = arith.cmpi sge, %bitcast_convert_type3A, %ge3A : vector<32x32768xi32>
    %convert_element_type3A = arith.extui %ge3A_5 : vector<32x32768xi1> to vector<32x32768xi8>
    %swap3A = arith.constant 0 : index
    %swap3A_6 = arith.constant 0 : index
    %swap3A_7 = vector.load %arg4[%swap3A, %swap3A_6] : memref<32x32768xi8, #tpu.memory_space<vmem>>, vector<32x32768xi8>
    tpu.vector_store %arg4[%swap3A, %swap3A_6], %convert_element_type3A {strides = array<i32>} : memref<32x32768xi8, #tpu.memory_space<vmem>>, vector<32x32768xi8>,
    %jit3A = arith.constant 0.000000e+00 : f32
    %broadcast_in_dim3A = vector.broadcast %jit3A : f32 to vector<32x32768xf32>
    %select_n3A = arith.select %ge3A_5, %get3A_1, %broadcast_in_dim3A : vector<32x32768xi1>, vector<32x32768xf32>
    %swap3A_8 = arith.constant 0 : index
    %swap3A_9 = arith.constant 0 : index
    %swap3A_10 = vector.load %arg3[%swap3A_8, %swap3A_9] : memref<32x32768xf32, #tpu.memory_space<vmem>>, vector<32x32768xf32>
    tpu.vector_store %arg3[%swap3A_8, %swap3A_9], %select_n3A {strides = array<i32>} : memref<32x32768xf32, #tpu.memory_space<vmem>>, vector<32x32768xf32>,
    return
  }
  func.func @transform_0(%arg0: i32) -> (i32, i32) {
    %c0_i32 = arith.constant 0 : i32
    %c0_i32_0 = arith.constant 0 : i32
    return %arg0, %c0_i32 : i32, i32
  }
  func.func @transform_1(%arg0: i32) -> (i32, i32) {
    %c0_i32 = arith.constant 0 : i32
    %c0_i32_0 = arith.constant 0 : i32
    return %arg0, %c0_i32 : i32, i32
  }
  func.func @transform_2(%arg0: i32) -> (i32, i32) {
    %c0_i32 = arith.constant 0 : i32
    %c0_i32_0 = arith.constant 0 : i32
    return %arg0, %c0_i32 : i32, i32
  }
  func.func @transform_3(%arg0: i32) -> (i32, i32) {
    %c0_i32 = arith.constant 0 : i32
    %c0_i32_0 = arith.constant 0 : i32
    return %arg0, %c0_i32 : i32, i32
  }
}

</mosaic_0001>

<sc_bundles>
// kernel: kernel.4.cloned.1.call-start
scs
__scs_entry_jumppad:
0x0: {  	(pc) =	sbr.rel $0x88, $3  }
0x1: {  	(tag) =	ssettag $0x0;
	lr =	simm.s32 $0x1  }
0x2: {  	[smem:$0x3FA0] =	sst lr;
	_ =	strace $0xD0000000  }
0x3: {  	_ = 	snop  }
0x4: {  	_ = 	snop  }
0x5: {  	_ = 	snop  }
0x6: {  	_ = 	snop  }
0x7: {  	_ = 	snop  }
__scs_overlays_trampoline_lowered:
0x8: {  	[smem:$0x3FAF] =	sst s0  }
0x9: {  	[smem:$0x3FB0] =	sst s1  }
0xa: {  	[smem:$0x3FB1] =	sst s2  }
0xb: {  	[smem:$0x3FB2] =	sst s3  }
0xc: {  	[smem:$0x3FB3] =	sst s4  }
0xd: {  	[smem:$0x3FB4] =	sst s5  }
0xe: {  	[smem:$0x3FB5] =	sst s6  }
0xf: {  	[smem:$0x3FB6] =	sst s7  }
0x10: {  	[smem:$0x3FB7] =	sst s8  }
0x11: {  	[smem:$0x3FB8] =	sst s9;
	s0 =	simm.s32 @!p0 $0x0  }
0x12: {  	s1 =	sld [smem:$0x3F9E];
	s0 =	simm.s32 @p0 $0x1  }
0x13: {  	[smem:$0x3FB9] =	sst s0;
	s0 =	simm.s32 @!p1 $0x0  }
0x14: {  	s2 =	sld [smem:$0x3F9D];
	s0 =	simm.s32 @p1 $0x1  }
0x15: {  	[smem:$0x3FBA] =	sst s0;
	s0 =	simm.s32 @!p2 $0x0  }
0x16: {  	s3 =	sld [smem:$0x3FDB];
	s0 =	simm.s32 @p2 $0x1  }
0x17: {  	s4 =	simm.s32 $0x1BF5;
	[smem:$0x3FBC] =	sst s0  }
0x18: {  	s0 =	sld [smem:$0x3F9F];
	_ =	swait.ge [sflag:s4], $0x0  }
0x19: {  	s7 =	sld [smem:$0x3FA0]  }
0x1a: {  	s8 =	sadd.s32 $0xFFFFE003, lr  }
0x1b: {  	s9 =	sadd.s32 $0xFFFFFEF7, lr;
	s5 =	simm.s32 $0xFFFFFFFF;
	p2 =	slt.u32 s8, $0xFFFFF086  }
0x1c: {  	p1 =	slt.u32 s9, $0xF7A;
	s5 =	simm.s32 @!p2 $0x0  }
0x1d: {  	s5 =	simm.s32 @p1 $0x1;
	p0 =	seq.s32 s7, s2  }
0x1e: {  	s7 =	smul.u32 @!p0 $0xF7A, s2;
	p2 =	seq.s32 @!p0 s5, $0x0  }
0x1f: {  	s9 =	smul.u32 $0xF7A, s1;
	s8 =	simm.s32 @!p0 $0x1BF5;
	p2 =	por !p2, p0  }
0x20: {  	[sflag:s8] =	ssyncset.s32 @!p0 $0xFFFFF086;
	s6 =	sadd.s32 @!p0 s3, s7;
	s7 =	simm.s32 @!p0 $0x108  }
0x21: {  	s3 =	sadd.s32 s3, s9;
	s6 =	sadd.s32 @!p0 $0x88, s6;
	s7 =	simm.s32 @p2 $0x1082  }
0x22: {  	[simem:s7], [sflag:s8] =	dma.local @!p0 [hbm:s6], $0xF7A  }
0x23: {  	s9 =	sor.u32 $0xD0000000, s2;
	s6 =	simm.s32 $0x108;
	_ =	swait.ge @!p0 [sflag:s8], $0x0  }
0x24: {  	s3 =	sadd.s32 $0x88, s3;
	s6 =	simm.s32 @!p1 $0x1082;
	[sflag:s4] =	ssyncset.s32 $0xFFFFF086  }
0x25: {  	[simem:s6], [sflag:s4] =	dma.local [hbm:s3], $0xF7A  }
0x26: {  	[smem:$0x3FA0] =	sst s1;
	(tag) =	ssettag s2;
	_ =	strace s9  }
0x27: {  	s1 =	sld [smem:$0x3FB0]  }
0x28: {  	s2 =	sld [smem:$0x3FB1]  }
0x29: {  	s4 =	sld [smem:$0x3FB3]  }
0x2a: {  	p0 =	seq.s32 s5, $0x0;
	s5 =	sld [smem:$0x3FB4]  }
0x2b: {  	s6 =	sld [smem:$0x3FB5]  }
0x2c: {  	s7 =	sld [smem:$0x3FB6]  }
0x2d: {  	s3 =	simm.s32 $0x108;
	s8 =	sld [smem:$0x3FB7]  }
0x2e: {  	s3 =	simm.s32 @!p0 $0x1082;
	s9 =	sld [smem:$0x3FB8]  }
0x2f: {  	lr =	sadd.s32 s0, s3;
	s0 =	sld [smem:$0x3FAF]  }
0x30: {  	s3 =	sld [smem:$0x3FB2]  }
0x31: {  	[smem:$0x3FBB] =	sst s10  }
0x32: {  	s10 =	sld [smem:$0x3FB9];
	_ =	sdelay $0x3  }
0x33: {  	p0 =	seq.s32 s10, $0x1;
	s10 =	sld [smem:$0x3FBB];
	_ =	sdelay $0x3  }
0x34: {  	[smem:$0x3FBB] =	sst s10  }
0x35: {  	s10 =	sld [smem:$0x3FBA];
	_ =	sdelay $0x3  }
0x36: {  	p1 =	seq.s32 s10, $0x1;
	s10 =	sld [smem:$0x3FBB];
	_ =	sdelay $0x3  }
0x37: {  	[smem:$0x3FBB] =	sst s10  }
0x38: {  	s10 =	sld [smem:$0x3FBC]  }
0x39: {  	_ = 	snop;
	(pc) =	sbr.ind lr, $3  }
0x3a: {  	_ = 	snop  }
0x3b: {  	_ = 	snop  }
0x3c: {  	p2 =	seq.s32 s10, $0x1;
	s10 =	sld [smem:$0x3FBB]  }
0x3d: {  	_ =	shalt  }
0x3e: {  	_ =	shalt  }
0x3f: {  	_ =	shalt  }
0x40: {  	_ =	shalt  }
0x41: {  	_ =	shalt  }
0x42: {  	_ =	shalt  }
0x43: {  	_ =	shalt  }
0x44: {  	_ =	shalt  }
0x45: {  	_ =	shalt  }
0x46: {  	_ =	shalt  }
0x47: {  	_ =	shalt  }
0x48: {  	_ =	shalt  }
0x49: {  	_ =	shalt  }
0x4a: {  	_ =	shalt  }
0x4b: {  	_ =	shalt  }
0x4c: {  	_ =	shalt  }
0x4d: {  	_ =	shalt  }
0x4e: {  	_ =	shalt  }
0x4f: {  	_ =	shalt  }
0x50: {  	_ =	shalt  }
0x51: {  	_ =	shalt  }
0x52: {  	_ =	shalt  }
0x53: {  	_ =	shalt  }
0x54: {  	_ =	shalt  }
0x55: {  	_ =	shalt  }
0x56: {  	_ =	shalt  }
0x57: {  	_ =	shalt  }
0x58: {  	_ =	shalt  }
0x59: {  	_ =	shalt  }
0x5a: {  	_ =	shalt  }
0x5b: {  	_ =	shalt  }
0x5c: {  	_ =	shalt  }
0x5d: {  	_ =	shalt  }
0x5e: {  	_ =	shalt  }
0x5f: {  	_ =	shalt  }
0x60: {  	_ =	shalt  }
0x61: {  	_ =	shalt  }
0x62: {  	_ =	shalt  }
0x63: {  	_ =	shalt  }
0x64: {  	_ =	shalt  }
0x65: {  	_ =	shalt  }
0x66: {  	_ =	shalt  }
0x67: {  	_ =	shalt  }
0x68: {  	_ =	shalt  }
0x69: {  	_ =	shalt  }
0x6a: {  	_ =	shalt  }
0x6b: {  	_ =	shalt  }
0x6c: {  	_ =	shalt  }
0x6d: {  	_ =	shalt  }
0x6e: {  	_ =	shalt  }
0x6f: {  	_ =	shalt  }
0x70: {  	_ =	shalt  }
0x71: {  	_ =	shalt  }
0x72: {  	_ =	shalt  }
0x73: {  	_ =	shalt  }
0x74: {  	_ =	shalt  }
0x75: {  	_ =	shalt  }
0x76: {  	_ =	shalt  }
0x77: {  	_ =	shalt  }
0x78: {  	_ =	shalt  }
0x79: {  	_ =	shalt  }
0x7a: {  	_ =	shalt  }
0x7b: {  	_ =	shalt  }
0x7c: {  	_ =	shalt  }
0x7d: {  	_ =	shalt  }
0x7e: {  	_ =	shalt  }
0x7f: {  	_ =	shalt  }
0x80: {  	_ =	shalt  }
0x81: {  	_ =	shalt  }
0x82: {  	_ =	shalt  }
0x83: {  	_ =	shalt  }
0x84: {  	_ =	shalt  }
0x85: {  	_ =	shalt  }
0x86: {  	_ =	shalt  }
0x87: {  	_ =	shalt  }
.Lfunc_end0:
.L_simem_size_0:
called_computation_lowered:
.L_overlay_start_0:
0x88: {  	s2 =	sld [smem:$0x3FD9]  }
0x89: {  	s3 =	sld [smem:$0x3FFE];
	_ =	sdelay $0x1  }
0x8a: {  	s1 =	srdreg.scid  }
0x8b: {  	s0 =	sand.u32 $0x1, s1  }
0x8c: {  	s15 =	sshll.u32 s0, $0xA;
	s2 =	sadd.s32 s3, s2  }
0x8d: {  	s2 =	sadd.s32 s2, s15  }
0x8e: {  	[smem:$0x3FC7] =	sst s2  }
0x8f: {  	_ = 	snop  }
0x90: {  	s2 =	sld [smem:$0x3FD0];
	_ =	sdelay $0x2  }
0x91: {  	s4 =	simm.s32 $0xA;
	s5 =	simm.s32 $0x10;
	s16 =	sld [smem:$0x3FC9]  }
0x92: {  	[smem:s5], [sflag:s4] =	dma.local [hbm:s2], $0x1  }
0x93: {  	_ =	swait.eq [sflag:s4], $0x1  }
0x94: {  	[sflag:s4] =	ssyncset.done $0x0  }
0x95: {  	[sflag:s4] =	ssyncadd.s32 $0xFFFFFFFF  }
0x96: {  	s17 =	sld [smem:$0x11];
	(tm) =	ssettm $0x1  }
0x97: {  	s18 =	sld [smem:$0x3FFB];
	_ =	sdelay $0x3  }
0x98: {  	_ =	strace s18  }
0x99: {  	s4 =	sld [smem:$0x3FFC];
	_ =	sdelay $0x3  }
0x9a: {  	_ =	strace s4  }
0x9b: {  	s4 =	sld [smem:$0x3FFD];
	_ =	sdelay $0x3  }
0x9c: {  	_ =	strace s4  }
0x9d: {  	_ =	strace $0x8FFFFFFF  }
0x9e: {  	s19 =	sld [smem:$0x3FDB];
	_ =	sdelay $0x1  }
0x9f: {  	s20 =	simm.s32 $_scs_section_size  }
0xa0: {  	s6 =	simm.s32 $_size__tile_overlayer_lowered;
	s7 =	simm.s32 $_tile_overlayer_lowered  }
0xa1: {  	s23 =	simm.s32 $0x1BFF;
	s22 =	sshll.u32 s7, $0x1;
	s4 =	sadd.s32 s20, s19  }
0xa2: {  	s8 =	simm.s32 $0x0;
	s21 =	sshll.u32 s6, $0x1;
	s6 =	sadd.s32 s22, s4  }
0xa3: {  	[timem:s8], [sflag:s23] =	dma.local [hbm:s6], s21  }
0xa4: {  	_ =	swait.ge [sflag:s23], s21  }
0xa5: {  	s5 =	ssub.s32 $0x0, s21;
	[sflag:s23] =	ssyncset.done $0x0  }
0xa6: {  	[sflag:s23] =	ssyncadd.s32 s5;
	_ =	sdelay $0x1  }
0xa7: {  	s24 =	simm.s32 $0x1B8B  }
0xa8: {  	_ =	swait.ge [sflag:s24], $0x1  }
0xa9: {  	[sflag:s24] =	ssyncset.done $0x0  }
0xaa: {  	s25 =	simm.s32 $0x1B8E;
	[sflag:s24] =	ssyncadd.s32 $0xFFFFFFFF  }
0xab: {  	s26 =	simm.s32 $execute0_lowered;
	[smem:$0x3FD2] =	sst s25  }
0xac: {  	s5 =	sshll.u32 s26, $0x1;
	_ =	strace $0x80000046;
	[dreg:$0x1] =	wrdreg $0xFFFFFFFF  }
0xad: {  	s28 =	simm.s32 $_size_execute0_lowered;
	s4 =	sadd.s32 s4, s5;
	[dreg:$0x0] =	wrdreg $0x0  }
0xae: {  	s5 =	sshll.u32 s28, $0x1;
	[dreg:$0x2] =	wrdreg s4  }
0xaf: {  	[dreg:$0x3] =	wrdreg s5  }
0xb0: {  	[dreg:$0x4] =	wrdreg $0xC0  }
0xb1: {  	_ =	task [dreg:s8], $0x5FFFF  }
0xb2: {  	[dreg:$0x1] =	wrdreg $0xFFFFFFFF  }
0xb3: {  	[dreg:$0x0] =	wrdreg $0x60  }
0xb4: {  	[dreg:$0x2] =	wrdreg s16  }
0xb5: {  	[dreg:$0x3] =	wrdreg s17  }
0xb6: {  	[dreg:$0x4] =	wrdreg $0x9  }
0xb7: {  	_ =	task.clear_ibuf [dreg:s8], $0x5FFFF;
	_ =	strace $0x90000046  }
0xb8: {  	s29 =	simm.s32 $0x9;
	_ =	strace $0x80000048  }
0xb9: {  	_ =	swait.ge [sflag:s29], $0x1  }
0xba: {  	[sflag:s29] =	ssyncadd.s32 $0xFFFFFFFF  }
0xbb: {  	_ =	strace $0x90000048  }
0xbc: {  	_ =	sfence  }
0xbd: {  	s30 =	sld [smem:$0x0];
	_ =	sdelay $0x2  }
0xbe: {  	s31 =	sshll.u32 s1, $0xD;
	s1 =	sshrl.u32 s1, $0x2  }
0xbf: {  	s3 =	sand.u32 $0x4000, s31;
	s1 =	sadd.s32 s1, s30  }
0xc0: {  	s0 =	sor.u32 s3, s0;
	s1 =	sshll.u32 s1, $0x11  }
0xc1: {  	s0 =	sor.u32 s1, s0  }
0xc2: {  	s0 =	sadd.s32 $0x8F2B, s0  }
0xc3: {  	[sflag:s0] =	ssyncadd.remote.s32 $0x1  }
0xc4: {  	_ =	sfence.sel $0xFFFF  }
0xc5: {  	[dreg:$0x0] =	wrdreg $0xFFFFFFFF;
	(pc) =	sbr.abs _section_cstart, $3  }
0xc6: {  	[dreg:$0x1] =	wrdreg $0xFFFFFFFF  }
0xc7: {  	_ =	task.clear_ibuf [dreg:s8], $0x2FFFF;
	_ =	strace $0x9FFFFFFF  }
0xc8: {  	(tm) =	ssettm $0x7FFFFFFF  }
0xc9: {  	_ =	shalt  }
tec
execute0_lowered:
.L_overlay_start_1:
0x0: {  	(tag) =	ssettag $0x1  }
0x1: {  	s0 =	srdreg.scid;
	s1 =	rddreg [dreg:$0x0]  }
0x2: {  	s6 =	stileid.u32;
	s3 =	rddreg [dreg:$0x1]  }
0x3: {  	s2 =	simm.s32 $0x0;
	s14 =	simm.s32 $0x80;
	s15 =	simm.s32 $0x400  }
0x4: {  	s28 =	simm.s32 $0x3;
	s29 =	simm.s32 $0x4;
	s31 =	simm.s32 $0x5  }
0x5: {  	s0 =	sand.u32 $0x1, s0;
	s5 =	sshll.u32 s6, $0x1;
	[smem:$0x7FF] =	sst s2  }
0x6: {  	s22 =	sshll.u32 s6, $0x8;
	s24 =	sadd.s32 $0x2000, s1;
	s25 =	sadd.s32 $0x4000, s1  }
0x7: {  	s4 =	sshll.u32 s0, $0x5;
	_ =	strace $0x80000047;
	s0 =	ssub.s32 $0x2, s0  }
0x8: {  	s4 =	sor.u32 s5, s4;
	s5 =	sand.u32 $0x300, s22;
	s8 =	sshrl.u32 s0, $0x1  }
0x9: {  	s4 =	sshrl.u32 s4, $0x3;
	s10 =	sor.u32 $0x80, s5;
	s0 =	ssub.s32 s0, s8  }
0xa: {  	s23 =	sshll.u32 s4, $0x12;
	s4 =	sshll.u32 s4, $0xA;
	s13 =	smax.u32 s0, $0x1  }
0xb: {  	s7 =	sor.u32 s5, s23;
	s6 =	sor.u32 s10, s23;
	s5 =	sor.u32 s5, s4  }
0xc: {  	s4 =	sor.u32 s10, s4;
	s23 =	simm.s32 $0x1;
	s9 =	sshrl.u32 s7, $0x3  }
0xd: {  	s11 =	sshrl.u32 s6, $0x3;
	s30 =	sshrl.u32 s5, $0x3;
	s7 =	sadd.s32 s1, s9  }
0xe: {  	s4 =	sshrl.u32 s4, $0x3;
	s6 =	sadd.s32 s1, s11;
	[dreg:$0x3] =	wrdreg s7  }
0xf: {  	s26 =	sadd.s32 s9, s24;
	s8 =	sadd.s32 s11, s25;
	[dreg:$0x4] =	wrdreg s6  }
0x10: {  	s1 =	sadd.s32 $0x6000, s1;
	s12 =	sadd.s32 s3, s4;
	[dreg:$0x5] =	wrdreg s26  }
0x11: {  	s6 =	sadd.s32 s11, s24;
	s7 =	sadd.s32 s9, s25;
	s9 =	sadd.s32 s9, s1  }
0x12: {  	s10 =	sadd.s32 s11, s1;
	s11 =	sadd.s32 s3, s30;
	s24 =	simm.s32 $0x10000  }
0x13: {  	v0 =	vimm.s32 $0x0;
	v1 =	vlaneseq.u32;
	v2 =	vimm.s32 $0x1;
	s25 =	simm.s32 $0x11000;
	s26 =	simm.s32 $0x2;
	s1 =	simm.s32 $0x0  }
.LBB2_1:
0x14: {  	s0 =	rddreg [dreg:$0x3]  }
0x15: {  	[tilespmem:s2], [sflag:$0x1] =	stream.strided.gather [hbm4b:s0+s14], $0x2000, s15, s14, $0x38;
	[tilespmem:$0x12080] =	vst v63  }
0x16: {  	s16 =	rddreg [dreg:$0x4];
	s3 =	simm.s32 $0x8000  }
0x17: {  	[tilespmem:s3], [sflag:$0x1] =	stream.strided.gather [hbm4b:s16+s14], $0x2000, s15, s14, $0x38;
	[tilespmem:$0x12080] =	vst v63  }
0x18: {  	s17 =	rddreg [dreg:$0x5];
	s18 =	simm.s32 $0x2000  }
0x19: {  	[tilespmem:s18], [sflag:$0x2] =	stream.strided.gather [hbm4b:s17+s14], $0x2000, s15, s14, $0x38;
	[tilespmem:$0x12080] =	vst v63  }
0x1a: {  	s19 =	simm.s32 $0xA000  }
0x1b: {  	[tilespmem:s19], [sflag:$0x2] =	stream.strided.gather [hbm4b:s6+s14], $0x2000, s15, s14, $0x38;
	[tilespmem:$0x12080] =	vst v63  }
0x1c: {  	s20 =	simm.s32 $0x4000  }
0x1d: {  	[tilespmem:s20], [sflag:$0x3] =	stream.strided.gather [hbm4b:s7+s14], $0x2000, s15, s14, $0x38;
	[tilespmem:$0x12080] =	vst v63  }
0x1e: {  	s21 =	simm.s32 $0xC000  }
0x1f: {  	[tilespmem:s21], [sflag:$0x3] =	stream.strided.gather [hbm4b:s8+s14], $0x2000, s15, s14, $0x38;
	[tilespmem:$0x12080] =	vst v63  }
0x20: {  	s22 =	simm.s32 $0x6000  }
0x21: {  	[tilespmem:s22], [sflag:$0x4] =	stream.strided.gather [hbm4b:s9+s14], $0x2000, s15, s14, $0x38;
	[tilespmem:$0x12080] =	vst v63  }
0x22: {  	s30 =	simm.s32 $0xE000;
	s0 =	simm.s32 $0x10040  }
0x23: {  	[tilespmem:s30], [sflag:$0x4] =	stream.strided.gather [hbm4b:s10+s14], $0x2000, s15, s14, $0x38;
	[tilespmem:$0x12080] =	vst v63  }
0x24: {  	[tilespmem:s0+$0x30] =	vst v0  }
0x25: {  	[tilespmem:s0+$0xFFFFFFF0] =	vst v0  }
0x26: {  	[tilespmem:s0+$0xFFFFFFC0] =	vst v0  }
0x27: {  	[tilespmem:s0+$0xFFFFFFE0] =	vst v0  }
0x28: {  	[tilespmem:s0+$0x10] =	vst v0  }
0x29: {  	[tilespmem:s0+$0x20] =	vst v0  }
0x2a: {  	[tilespmem:s0+$0x0] =	vst v0  }
0x2b: {  	s3 =	simm.s32 $0x11040;
	[tilespmem:s0+$0xFFFFFFD0] =	vst v0  }
0x2c: {  	[tilespmem:s3+$0xFFFFFFC0] =	vst v0  }
0x2d: {  	[tilespmem:s3+$0x30] =	vst v0  }
0x2e: {  	[tilespmem:s3+$0x20] =	vst v0  }
0x2f: {  	[tilespmem:s3+$0x10] =	vst v0  }
0x30: {  	[tilespmem:s3+$0xFFFFFFE0] =	vst v0  }
0x31: {  	[tilespmem:s3+$0x0] =	vst v0  }
0x32: {  	s4 =	simm.s32 $0x0;
	[tilespmem:s3+$0xFFFFFFF0] =	vst v0  }
.LBB2_2:
0x33: {  	s4 =	sadd.s32 $0x8, s4;
	[tilespmem:s3+$0xFFFFFFD0] =	vst v0;
	s0 =	sadd.s32 $0x80, s0;
	s3 =	sadd.s32 $0x80, s3  }
0x34: {  	[tilespmem:s0+$0x30] =	vst v0;
	p0 =	slt.u32 s4, $0xF8  }
0x35: {  	[tilespmem:s0+$0xFFFFFFF0] =	vst v0  }
0x36: {  	[tilespmem:s0+$0xFFFFFFC0] =	vst v0  }
0x37: {  	[tilespmem:s3+$0xFFFFFFC0] =	vst v0  }
0x38: {  	[tilespmem:s3+$0x30] =	vst v0  }
0x39: {  	[tilespmem:s0+$0xFFFFFFE0] =	vst v0  }
0x3a: {  	[tilespmem:s0+$0x10] =	vst v0  }
0x3b: {  	[tilespmem:s0+$0x20] =	vst v0  }
0x3c: {  	[tilespmem:s3+$0x20] =	vst v0  }
0x3d: {  	[tilespmem:s3+$0x10] =	vst v0  }
.Ltmp0:
0x3e: {  	[tilespmem:s3+$0xFFFFFFE0] =	vst v0;
	(pc) =	sbr.rel @p0 .LBB2_2-.Ltmp0, $4  }
0x3f: {  	[tilespmem:s0+$0x0] =	vst v0  }
0x40: {  	[tilespmem:s3+$0x0] =	vst v0  }
0x41: {  	[tilespmem:s3+$0xFFFFFFF0] =	vst v0  }
0x42: {  	[tilespmem:s0+$0xFFFFFFD0] =	vst v0  }
0x43: {  	[tilespmem:s3+$0xFFFFFFD0] =	vst v0  }
0x44: {  	_ =	swait.ge [sflag:s23], $0x2000  }
0x45: {  	[sflag:s23] =	ssyncset.done $0x0  }
0x46: {  	[sflag:s23] =	ssyncadd.s32 $0xFFFFE000  }
0x47: {  	_ =	swait.ge [sflag:s23], $0x2000  }
0x48: {  	[sflag:s23] =	ssyncset.done $0x0  }
0x49: {  	s30 =	simm.s32 $0x40;
	[sflag:s23] =	ssyncadd.s32 $0xFFFFE000  }
0x4a: {  	s0 =	simm.s32 $0x8040;
	v3 =	vld [tilespmem:s30+$0x30]  }
0x4b: {  	v4 =	vld [tilespmem:s0+$0x30]  }
0x4c: {  	v6 =	vld [tilespmem:s30+$0xFFFFFFD0]  }
0x4d: {  	v7 =	vld [tilespmem:s0+$0xFFFFFFD0]  }
0x4e: {  	v8 =	vld [tilespmem:s30+$0xFFFFFFE0]  }
0x4f: {  	v9 =	vld [tilespmem:s0+$0xFFFFFFE0]  }
0x50: {  	v10 =	vld [tilespmem:s30+$0xFFFFFFF0]  }
0x51: {  	v14 =	vld [tilespmem:s30+$0x10];
	_ =	sdelay $0x1  }
0x52: {  	v49 =	vld [tilespmem:s0+$0x10]  }
0x53: {  	v51 =	vld [tilespmem:s30+$0x20];
	v3 =	vshrl.u32 v3, $0x13;
	v4 =	vshrl.u32 v4, $0x13;
	v6 =	vshrl.u32 v6, $0x13  }
0x54: {  	v7 =	vshrl.u32 v7, $0x13;
	v46 =	vshrl.u32 v8, $0x13;
	v48 =	vshrl.u32 v9, $0x13  }
0x55: {  	v5 =	vld [tilespmem:s0+$0xFFFFFFC0];
	v50 =	vshrl.u32 v10, $0x13;
	v53 =	vshrl.u32 v14, $0x13;
	v3 =	vand.u32 $0xFF0, v3  }
0x56: {  	v11 =	vld [tilespmem:s0+$0xFFFFFFF0];
	v45 =	vand.u32 $0xFF0, v7;
	v7 =	vand.u32 $0xFF0, v46;
	v3 =	vor.u32 v1, v3  }
0x57: {  	v12 =	vld [tilespmem:s30+$0x0];
	v8 =	vshrl.u32 v49, $0x13;
	v9 =	vand.u32 $0xFF0, v50;
	v7 =	vor.u32 v1, v7  }
0x58: {  	v15 =	vld [tilespmem:s0+$0x20];
	v10 =	vshrl.u32 v51, $0x13;
	v55 =	vand.u32 $0xFF0, v53;
	v9 =	vor.u32 v1, v9  }
0x59: {  	v13 =	vld [tilespmem:s0+$0x0];
	v8 =	vand.u32 $0xFF0, v8;
	v58 =	vand.u32 $0xFF0, v10;
	v56 =	vor.u32 v1, v55  }
0x5a: {  	v16 =	vld [tilespmem:s30+$0xFFFFFFC0];
	v6 =	vand.u32 $0xFF0, v6;
	v57 =	vor.u32 v1, v8;
	v8 =	vor.u32 v1, v58  }
0x5b: {  	v11 =	vshrl.u32 v11, $0x13;
	v4 =	vand.u32 $0xFF0, v4;
	[tilespmem:v3+s24+$0x0] =	vst.idx.add.s32.msk $0xffff, v2;
	v3 =	vor.u32 v1, v6  }
0x5c: {  	v11 =	vand.u32 $0xFF0, v11;
	v4 =	vor.u32 v1, v4;
	[tilespmem:v7+s24+$0x0] =	vst.idx.add.s32.msk $0xffff, v2  }
0x5d: {  	v61 =	vshrl.u32 v15, $0x13;
	v11 =	vor.u32 v1, v11;
	[tilespmem:v9+s24+$0x0] =	vst.idx.add.s32.msk $0xffff, v2  }
0x5e: {  	v12 =	vshrl.u32 v12, $0x13;
	v62 =	vand.u32 $0xFF0, v61;
	[tilespmem:v56+s24+$0x0] =	vst.idx.add.s32.msk $0xffff, v2  }
0x5f: {  	v59 =	vshrl.u32 v16, $0x13;
	v12 =	vand.u32 $0xFF0, v12;
	v63 =	vor.u32 v1, v62;
	[tilespmem:v8+s24+$0x0] =	vst.idx.add.s32.msk $0xffff, v2  }
0x60: {  	v60 =	vand.u32 $0xFF0, v59;
	[tilespmem:v3+s24+$0x0] =	vst.idx.add.s32.msk $0xffff, v2;
	v3 =	vor.u32 v1, v12  }
0x61: {  	v9 =	vor.u32 v1, v60;
	[tilespmem:v4+s25+$0x0] =	vst.idx.add.s32.msk $0xffff, v2  }
0x62: {  	v13 =	vshrl.u32 v13, $0x13;
	v47 =	vor.u32 v1, v45;
	v6 =	vand.u32 $0xFF0, v48;
	[tilespmem:v11+s25+$0x0] =	vst.idx.add.s32.msk $0xffff, v2  }
0x63: {  	v5 =	vshrl.u32 v5, $0x13;
	v52 =	vand.u32 $0xFF0, v13;
	v6 =	vor.u32 v1, v6;
	[tilespmem:v57+s25+$0x0] =	vst.idx.add.s32.msk $0xffff, v2  }
0x64: {  	v5 =	vand.u32 $0xFF0, v5;
	v54 =	vor.u32 v1, v52;
	[tilespmem:v63+s25+$0x0] =	vst.idx.add.s32.msk $0xffff, v2  }
0x65: {  	[tilespmem:v3+s24+$0x0] =	vst.idx.add.s32.msk $0xffff, v2;
	v3 =	vor.u32 v1, v5  }
0x66: {  	[tilespmem:v9+s24+$0x0] =	vst.idx.add.s32.msk $0xffff, v2  }
0x67: {  	[tilespmem:v47+s25+$0x0] =	vst.idx.add.s32.msk $0xffff, v2  }
0x68: {  	[tilespmem:v6+s25+$0x0] =	vst.idx.add.s32.msk $0xffff, v2  }
0x69: {  	[tilespmem:v54+s25+$0x0] =	vst.idx.add.s32.msk $0xffff, v2  }
0x6a: {  	s3 =	simm.s32 $0x0;
	s4 =	simm.s32 $0xC0;
	[tilespmem:v3+s25+$0x0] =	vst.idx.add.s32.msk $0xffff, v2  }
.LBB2_4:
0x6b: {  	v3 =	vld [tilespmem:s4+$0x30];
	s0 =	sadd.s32 $0x80, s0  }
0x6c: {  	s3 =	sadd.s32 $0x8, s3;
	v4 =	vld [tilespmem:s0+$0x30]  }
0x6d: {  	p0 =	slt.u32 s3, $0x1F8;
	v5 =	vld [tilespmem:s0+$0xFFFFFFC0]  }
0x6e: {  	v6 =	vld [tilespmem:s4+$0xFFFFFFD0]  }
0x6f: {  	v7 =	vld [tilespmem:s0+$0xFFFFFFD0]  }
0x70: {  	v8 =	vld [tilespmem:s4+$0xFFFFFFE0];
	v3 =	vshrl.u32 v3, $0x13  }
0x71: {  	v9 =	vld [tilespmem:s0+$0xFFFFFFE0];
	v4 =	vshrl.u32 v4, $0x13;
	v3 =	vand.u32 $0xFF0, v3  }
0x72: {  	v5 =	vshrl.u32 v5, $0x13;
	v10 =	vld [tilespmem:s4+$0xFFFFFFF0];
	v3 =	vor.u32 v1, v3;
	v4 =	vand.u32 $0xFF0, v4  }
0x73: {  	v5 =	vand.u32 $0xFF0, v5;
	v6 =	vshrl.u32 v6, $0x13;
	v11 =	vld [tilespmem:s0+$0xFFFFFFF0];
	v4 =	vor.u32 v1, v4  }
0x74: {  	v5 =	vor.u32 v1, v5;
	v7 =	vshrl.u32 v7, $0x13;
	v6 =	vand.u32 $0xFF0, v6;
	v12 =	vld [tilespmem:s4+$0x0]  }
0x75: {  	v6 =	vor.u32 v1, v6;
	v7 =	vand.u32 $0xFF0, v7;
	v8 =	vshrl.u32 v8, $0x13;
	v13 =	vld [tilespmem:s0+$0x0]  }
0x76: {  	v7 =	vor.u32 v1, v7;
	v9 =	vshrl.u32 v9, $0x13;
	v8 =	vand.u32 $0xFF0, v8;
	v14 =	vld [tilespmem:s4+$0x10]  }
0x77: {  	v8 =	vor.u32 v1, v8;
	v9 =	vand.u32 $0xFF0, v9;
	v10 =	vshrl.u32 v10, $0x13;
	[tilespmem:v3+s24+$0x0] =	vst.idx.add.s32.msk $0xffff, v2  }
0x78: {  	v3 =	vor.u32 v1, v9;
	v9 =	vshrl.u32 v11, $0x13;
	v10 =	vand.u32 $0xFF0, v10;
	[tilespmem:v4+s25+$0x0] =	vst.idx.add.s32.msk $0xffff, v2  }
0x79: {  	v4 =	vor.u32 v1, v10;
	v9 =	vand.u32 $0xFF0, v9;
	v10 =	vshrl.u32 v12, $0x13;
	v11 =	vld [tilespmem:s0+$0x10]  }
0x7a: {  	v9 =	vor.u32 v1, v9;
	v12 =	vshrl.u32 v13, $0x13;
	v10 =	vand.u32 $0xFF0, v10;
	v13 =	vld [tilespmem:s4+$0x20]  }
0x7b: {  	v10 =	vor.u32 v1, v10;
	v12 =	vand.u32 $0xFF0, v12;
	v14 =	vshrl.u32 v14, $0x13;
	v15 =	vld [tilespmem:s0+$0x20]  }
0x7c: {  	v16 =	vld [tilespmem:s4+$0xFFFFFFC0];
	v12 =	vor.u32 v1, v12;
	v14 =	vand.u32 $0xFF0, v14  }
0x7d: {  	[tilespmem:v6+s24+$0x0] =	vst.idx.add.s32.msk $0xffff, v2;
	v6 =	vor.u32 v1, v14  }
0x7e: {  	[tilespmem:v7+s25+$0x0] =	vst.idx.add.s32.msk $0xffff, v2;
	v7 =	vshrl.u32 v11, $0x13  }
0x7f: {  	[tilespmem:v8+s24+$0x0] =	vst.idx.add.s32.msk $0xffff, v2;
	v7 =	vand.u32 $0xFF0, v7;
	v8 =	vshrl.u32 v13, $0x13  }
0x80: {  	[tilespmem:v3+s25+$0x0] =	vst.idx.add.s32.msk $0xffff, v2;
	v3 =	vor.u32 v1, v7;
	v7 =	vshrl.u32 v15, $0x13;
	v8 =	vand.u32 $0xFF0, v8  }
0x81: {  	v11 =	vshrl.u32 v16, $0x13;
	[tilespmem:v4+s24+$0x0] =	vst.idx.add.s32.msk $0xffff, v2;
	v4 =	vor.u32 v1, v8;
	v7 =	vand.u32 $0xFF0, v7  }
0x82: {  	v8 =	vand.u32 $0xFF0, v11;
	[tilespmem:v9+s25+$0x0] =	vst.idx.add.s32.msk $0xffff, v2;
	v7 =	vor.u32 v1, v7  }
0x83: {  	v8 =	vor.u32 v1, v8;
	[tilespmem:v10+s24+$0x0] =	vst.idx.add.s32.msk $0xffff, v2  }
0x84: {  	[tilespmem:v12+s25+$0x0] =	vst.idx.add.s32.msk $0xffff, v2  }
0x85: {  	[tilespmem:v6+s24+$0x0] =	vst.idx.add.s32.msk $0xffff, v2  }
.Ltmp1:
0x86: {  	[tilespmem:v3+s25+$0x0] =	vst.idx.add.s32.msk $0xffff, v2;
	(pc) =	sbr.rel @p0 .LBB2_4-.Ltmp1, $4  }
0x87: {  	[tilespmem:v4+s24+$0x0] =	vst.idx.add.s32.msk $0xffff, v2  }
0x88: {  	[tilespmem:v8+s24+$0x0] =	vst.idx.add.s32.msk $0xffff, v2  }
0x89: {  	[tilespmem:v5+s25+$0x0] =	vst.idx.add.s32.msk $0xffff, v2  }
0x8a: {  	s4 =	sadd.s32 $0x80, s4;
	[tilespmem:v7+s25+$0x0] =	vst.idx.add.s32.msk $0xffff, v2  }
0x8b: {  	_ =	swait.ge [sflag:s26], $0x2000  }
0x8c: {  	[sflag:s26] =	ssyncset.done $0x0  }
0x8d: {  	[sflag:s26] =	ssyncadd.s32 $0xFFFFE000  }
0x8e: {  	_ =	swait.ge [sflag:s26], $0x2000  }
0x8f: {  	[sflag:s26] =	ssyncset.done $0x0  }
0x90: {  	s3 =	simm.s32 $0x2070;
	[sflag:s26] =	ssyncadd.s32 $0xFFFFE000  }
0x91: {  	s0 =	simm.s32 $0xA070;
	v3 =	vld [tilespmem:s3+$0x0]  }
0x92: {  	v4 =	vld [tilespmem:s0+$0x0]  }
0x93: {  	v6 =	vld [tilespmem:s3+$0xFFFFFFA0]  }
0x94: {  	v7 =	vld [tilespmem:s0+$0xFFFFFFA0]  }
0x95: {  	v8 =	vld [tilespmem:s3+$0xFFFFFFB0]  }
0x96: {  	v9 =	vld [tilespmem:s0+$0xFFFFFFB0]  }
0x97: {  	v10 =	vld [tilespmem:s3+$0xFFFFFFC0]  }
0x98: {  	v14 =	vld [tilespmem:s3+$0xFFFFFFE0];
	_ =	sdelay $0x1  }
0x99: {  	v49 =	vld [tilespmem:s0+$0xFFFFFFE0]  }
0x9a: {  	v51 =	vld [tilespmem:s3+$0xFFFFFFF0];
	v3 =	vshrl.u32 v3, $0x13;
	v4 =	vshrl.u32 v4, $0x13;
	v6 =	vshrl.u32 v6, $0x13  }
0x9b: {  	v7 =	vshrl.u32 v7, $0x13;
	v46 =	vshrl.u32 v8, $0x13;
	v48 =	vshrl.u32 v9, $0x13  }
0x9c: {  	v5 =	vld [tilespmem:s0+$0xFFFFFF90];
	v50 =	vshrl.u32 v10, $0x13;
	v53 =	vshrl.u32 v14, $0x13;
	v3 =	vand.u32 $0xFF0, v3  }
0x9d: {  	v11 =	vld [tilespmem:s0+$0xFFFFFFC0];
	v45 =	vand.u32 $0xFF0, v7;
	v7 =	vand.u32 $0xFF0, v46;
	v3 =	vor.u32 v1, v3  }
0x9e: {  	v12 =	vld [tilespmem:s3+$0xFFFFFFD0];
	v8 =	vshrl.u32 v49, $0x13;
	v9 =	vand.u32 $0xFF0, v50;
	v7 =	vor.u32 v1, v7  }
0x9f: {  	v15 =	vld [tilespmem:s0+$0xFFFFFFF0];
	v10 =	vshrl.u32 v51, $0x13;
	v55 =	vand.u32 $0xFF0, v53;
	v9 =	vor.u32 v1, v9  }
0xa0: {  	v13 =	vld [tilespmem:s0+$0xFFFFFFD0];
	v8 =	vand.u32 $0xFF0, v8;
	v58 =	vand.u32 $0xFF0, v10;
	v56 =	vor.u32 v1, v55  }
0xa1: {  	v16 =	vld [tilespmem:s3+$0xFFFFFF90];
	v6 =	vand.u32 $0xFF0, v6;
	v57 =	vor.u32 v1, v8;
	v8 =	vor.u32 v1, v58  }
0xa2: {  	v11 =	vshrl.u32 v11, $0x13;
	v4 =	vand.u32 $0xFF0, v4;
	[tilespmem:v3+s24+$0x0] =	vst.idx.add.s32.msk $0xffff, v2;
	v3 =	vor.u32 v1, v6  }
0xa3: {  	v11 =	vand.u32 $0xFF0, v11;
	v4 =	vor.u32 v1, v4;
	[tilespmem:v7+s24+$0x0] =	vst.idx.add.s32.msk $0xffff, v2  }
0xa4: {  	v61 =	vshrl.u32 v15, $0x13;
	v11 =	vor.u32 v1, v11;
	[tilespmem:v9+s24+$0x0] =	vst.idx.add.s32.msk $0xffff, v2  }
0xa5: {  	v12 =	vshrl.u32 v12, $0x13;
	v62 =	vand.u32 $0xFF0, v61;
	[tilespmem:v56+s24+$0x0] =	vst.idx.add.s32.msk $0xffff, v2  }
0xa6: {  	v59 =	vshrl.u32 v16, $0x13;
	v12 =	vand.u32 $0xFF0, v12;
	v63 =	vor.u32 v1, v62;
	[tilespmem:v8+s24+$0x0] =	vst.idx.add.s32.msk $0xffff, v2  }
0xa7: {  	v60 =	vand.u32 $0xFF0, v59;
	[tilespmem:v3+s24+$0x0] =	vst.idx.add.s32.msk $0xffff, v2;
	v3 =	vor.u32 v1, v12  }
0xa8: {  	v9 =	vor.u32 v1, v60;
	[tilespmem:v4+s25+$0x0] =	vst.idx.add.s32.msk $0xffff, v2  }
0xa9: {  	v13 =	vshrl.u32 v13, $0x13;
	v47 =	vor.u32 v1, v45;
	v6 =	vand.u32 $0xFF0, v48;
	[tilespmem:v11+s25+$0x0] =	vst.idx.add.s32.msk $0xffff, v2  }
0xaa: {  	v5 =	vshrl.u32 v5, $0x13;
	v52 =	vand.u32 $0xFF0, v13;
	v6 =	vor.u32 v1, v6;
	[tilespmem:v57+s25+$0x0] =	vst.idx.add.s32.msk $0xffff, v2  }
0xab: {  	v5 =	vand.u32 $0xFF0, v5;
	v54 =	vor.u32 v1, v52;
	[tilespmem:v63+s25+$0x0] =	vst.idx.add.s32.msk $0xffff, v2  }
0xac: {  	[tilespmem:v3+s24+$0x0] =	vst.idx.add.s32.msk $0xffff, v2;
	v3 =	vor.u32 v1, v5  }
0xad: {  	[tilespmem:v9+s24+$0x0] =	vst.idx.add.s32.msk $0xffff, v2  }
0xae: {  	[tilespmem:v47+s25+$0x0] =	vst.idx.add.s32.msk $0xffff, v2  }
0xaf: {  	[tilespmem:v6+s25+$0x0] =	vst.idx.add.s32.msk $0xffff, v2  }
0xb0: {  	[tilespmem:v54+s25+$0x0] =	vst.idx.add.s32.msk $0xffff, v2  }
0xb1: {  	s4 =	simm.s32 $0x20F0;
	s3 =	simm.s32 $0x200;
	[tilespmem:v3+s25+$0x0] =	vst.idx.add.s32.msk $0xffff, v2  }
.LBB2_6:
0xb2: {  	v3 =	vld [tilespmem:s4+$0x0];
	s0 =	sadd.s32 $0x80, s0  }
0xb3: {  	s3 =	sadd.s32 $0x8, s3;
	v4 =	vld [tilespmem:s0+$0x0]  }
0xb4: {  	p0 =	slt.u32 s3, $0x3F8;
	v5 =	vld [tilespmem:s0+$0xFFFFFF90]  }
0xb5: {  	v6 =	vld [tilespmem:s4+$0xFFFFFFA0]  }
0xb6: {  	v7 =	vld [tilespmem:s0+$0xFFFFFFA0]  }
0xb7: {  	v8 =	vld [tilespmem:s4+$0xFFFFFFB0];
	v3 =	vshrl.u32 v3, $0x13  }
0xb8: {  	v9 =	vld [tilespmem:s0+$0xFFFFFFB0];
	v4 =	vshrl.u32 v4, $0x13;
	v3 =	vand.u32 $0xFF0, v3  }
0xb9: {  	v5 =	vshrl.u32 v5, $0x13;
	v10 =	vld [tilespmem:s4+$0xFFFFFFC0];
	v3 =	vor.u32 v1, v3;
	v4 =	vand.u32 $0xFF0, v4  }
0xba: {  	v5 =	vand.u32 $0xFF0, v5;
	v6 =	vshrl.u32 v6, $0x13;
	v11 =	vld [tilespmem:s0+$0xFFFFFFC0];
	v4 =	vor.u32 v1, v4  }
0xbb: {  	v5 =	vor.u32 v1, v5;
	v7 =	vshrl.u32 v7, $0x13;
	v6 =	vand.u32 $0xFF0, v6;
	v12 =	vld [tilespmem:s4+$0xFFFFFFD0]  }
0xbc: {  	v6 =	vor.u32 v1, v6;
	v7 =	vand.u32 $0xFF0, v7;
	v8 =	vshrl.u32 v8, $0x13;
	v13 =	vld [tilespmem:s0+$0xFFFFFFD0]  }
0xbd: {  	v7 =	vor.u32 v1, v7;
	v9 =	vshrl.u32 v9, $0x13;
	v8 =	vand.u32 $0xFF0, v8;
	v14 =	vld [tilespmem:s4+$0xFFFFFFE0]  }
0xbe: {  	v8 =	vor.u32 v1, v8;
	v9 =	vand.u32 $0xFF0, v9;
	v10 =	vshrl.u32 v10, $0x13;
	[tilespmem:v3+s24+$0x0] =	vst.idx.add.s32.msk $0xffff, v2  }
0xbf: {  	v3 =	vor.u32 v1, v9;
	v9 =	vshrl.u32 v11, $0x13;
	v10 =	vand.u32 $0xFF0, v10;
	[tilespmem:v4+s25+$0x0] =	vst.idx.add.s32.msk $0xffff, v2  }
0xc0: {  	v4 =	vor.u32 v1, v10;
	v9 =	vand.u32 $0xFF0, v9;
	v10 =	vshrl.u32 v12, $0x13;
	v11 =	vld [tilespmem:s0+$0xFFFFFFE0]  }
0xc1: {  	v9 =	vor.u32 v1, v9;
	v12 =	vshrl.u32 v13, $0x13;
	v10 =	vand.u32 $0xFF0, v10;
	v13 =	vld [tilespmem:s4+$0xFFFFFFF0]  }
0xc2: {  	v10 =	vor.u32 v1, v10;
	v12 =	vand.u32 $0xFF0, v12;
	v14 =	vshrl.u32 v14, $0x13;
	v15 =	vld [tilespmem:s0+$0xFFFFFFF0]  }
0xc3: {  	v16 =	vld [tilespmem:s4+$0xFFFFFF90];
	v12 =	vor.u32 v1, v12;
	v14 =	vand.u32 $0xFF0, v14  }
0xc4: {  	[tilespmem:v6+s24+$0x0] =	vst.idx.add.s32.msk $0xffff, v2;
	v6 =	vor.u32 v1, v14  }
0xc5: {  	[tilespmem:v7+s25+$0x0] =	vst.idx.add.s32.msk $0xffff, v2;
	v7 =	vshrl.u32 v11, $0x13  }
0xc6: {  	[tilespmem:v8+s24+$0x0] =	vst.idx.add.s32.msk $0xffff, v2;
	v7 =	vand.u32 $0xFF0, v7;
	v8 =	vshrl.u32 v13, $0x13  }
0xc7: {  	[tilespmem:v3+s25+$0x0] =	vst.idx.add.s32.msk $0xffff, v2;
	v3 =	vor.u32 v1, v7;
	v7 =	vshrl.u32 v15, $0x13;
	v8 =	vand.u32 $0xFF0, v8  }
0xc8: {  	v11 =	vshrl.u32 v16, $0x13;
	[tilespmem:v4+s24+$0x0] =	vst.idx.add.s32.msk $0xffff, v2;
	v4 =	vor.u32 v1, v8;
	v7 =	vand.u32 $0xFF0, v7  }
0xc9: {  	v8 =	vand.u32 $0xFF0, v11;
	[tilespmem:v9+s25+$0x0] =	vst.idx.add.s32.msk $0xffff, v2;
	v7 =	vor.u32 v1, v7  }
0xca: {  	v8 =	vor.u32 v1, v8;
	[tilespmem:v10+s24+$0x0] =	vst.idx.add.s32.msk $0xffff, v2  }
0xcb: {  	[tilespmem:v12+s25+$0x0] =	vst.idx.add.s32.msk $0xffff, v2  }
0xcc: {  	[tilespmem:v6+s24+$0x0] =	vst.idx.add.s32.msk $0xffff, v2  }
.Ltmp2:
0xcd: {  	[tilespmem:v3+s25+$0x0] =	vst.idx.add.s32.msk $0xffff, v2;
	(pc) =	sbr.rel @p0 .LBB2_6-.Ltmp2, $4  }
0xce: {  	[tilespmem:v4+s24+$0x0] =	vst.idx.add.s32.msk $0xffff, v2  }
0xcf: {  	[tilespmem:v8+s24+$0x0] =	vst.idx.add.s32.msk $0xffff, v2  }
0xd0: {  	[tilespmem:v5+s25+$0x0] =	vst.idx.add.s32.msk $0xffff, v2  }
0xd1: {  	s4 =	sadd.s32 $0x80, s4;
	[tilespmem:v7+s25+$0x0] =	vst.idx.add.s32.msk $0xffff, v2  }
0xd2: {  	_ =	swait.ge [sflag:s28], $0x2000  }
0xd3: {  	[sflag:s28] =	ssyncset.done $0x0  }
0xd4: {  	[sflag:s28] =	ssyncadd.s32 $0xFFFFE000  }
0xd5: {  	_ =	swait.ge [sflag:s28], $0x2000  }
0xd6: {  	[sflag:s28] =	ssyncset.done $0x0  }
0xd7: {  	s0 =	simm.s32 $0x0;
	[sflag:s28] =	ssyncadd.s32 $0xFFFFE000  }
0xd8: {  	v3 =	vld [tilespmem:s0+$0x4070]  }
0xd9: {  	v4 =	vld [tilespmem:s0+$0xC070]  }
0xda: {  	v5 =	vld [tilespmem:s0+$0x4000]  }
0xdb: {  	v6 =	vld [tilespmem:s0+$0xC000]  }
0xdc: {  	v7 =	vld [tilespmem:s0+$0x4010]  }
0xdd: {  	v12 =	vld [tilespmem:s0+$0xC030]  }
0xde: {  	v13 =	vld [tilespmem:s0+$0x4040]  }
0xdf: {  	v8 =	vld [tilespmem:s0+$0xC010];
	v3 =	vshrl.u32 v3, $0x13  }
0xe0: {  	v55 =	vld [tilespmem:s0+$0x4050];
	v3 =	vand.u32 $0xFF0, v3  }
0xe1: {  	v9 =	vld [tilespmem:s0+$0x4020];
	v4 =	vshrl.u32 v4, $0x13;
	v3 =	vor.u32 v1, v3  }
0xe2: {  	v10 =	vld [tilespmem:s0+$0xC020];
	v5 =	vshrl.u32 v5, $0x13;
	v6 =	vshrl.u32 v6, $0x13;
	v4 =	vand.u32 $0xFF0, v4  }
0xe3: {  	v11 =	vld [tilespmem:s0+$0x4030];
	v12 =	vshrl.u32 v12, $0x13;
	v59 =	vshrl.u32 v13, $0x13;
	v4 =	vor.u32 v1, v4  }
0xe4: {  	v57 =	vld [tilespmem:s0+$0xC050];
	v54 =	vshrl.u32 v7, $0x13;
	v58 =	vand.u32 $0xFF0, v12;
	v12 =	vand.u32 $0xFF0, v59  }
0xe5: {  	v15 =	vld [tilespmem:s0+$0x4060];
	v7 =	vshrl.u32 v55, $0x13;
	v5 =	vand.u32 $0xFF0, v5;
	v61 =	vor.u32 v1, v12  }
0xe6: {  	v56 =	vshrl.u32 v9, $0x13;
	v7 =	vand.u32 $0xFF0, v7;
	[tilespmem:v3+s24+$0x0] =	vst.idx.add.s32.msk $0xffff, v2;
	v3 =	vor.u32 v1, v5  }
0xe7: {  	v14 =	vld [tilespmem:s0+$0xC040];
	v10 =	vshrl.u32 v10, $0x13;
	v7 =	vor.u32 v1, v7;
	v5 =	vand.u32 $0xFF0, v6  }
0xe8: {  	v11 =	vshrl.u32 v11, $0x13;
	v6 =	vand.u32 $0xFF0, v54;
	[tilespmem:v4+s25+$0x0] =	vst.idx.add.s32.msk $0xffff, v2;
	v4 =	vor.u32 v1, v5  }
0xe9: {  	v16 =	vld [tilespmem:s0+$0xC060];
	v5 =	vshrl.u32 v8, $0x13;
	v6 =	vor.u32 v1, v6;
	v8 =	vand.u32 $0xFF0, v56  }
0xea: {  	v9 =	vshrl.u32 v57, $0x13;
	v11 =	vand.u32 $0xFF0, v11;
	[tilespmem:v61+s24+$0x0] =	vst.idx.add.s32.msk $0xffff, v2;
	v8 =	vor.u32 v1, v8  }
0xeb: {  	v63 =	vshrl.u32 v15, $0x13;
	v5 =	vand.u32 $0xFF0, v5;
	[tilespmem:v3+s24+$0x0] =	vst.idx.add.s32.msk $0xffff, v2;
	v3 =	vor.u32 v1, v11  }
0xec: {  	v62 =	vand.u32 $0xFF0, v9;
	v9 =	vand.u32 $0xFF0, v63;
	[tilespmem:v7+s24+$0x0] =	vst.idx.add.s32.msk $0xffff, v2;
	v5 =	vor.u32 v1, v5  }
0xed: {  	v10 =	vand.u32 $0xFF0, v10;
	v9 =	vor.u32 v1, v9;
	[tilespmem:v4+s25+$0x0] =	vst.idx.add.s32.msk $0xffff, v2  }
0xee: {  	v10 =	vor.u32 v1, v10;
	[tilespmem:v6+s24+$0x0] =	vst.idx.add.s32.msk $0xffff, v2  }
0xef: {  	v60 =	vshrl.u32 v14, $0x13;
	v4 =	vor.u32 v1, v58;
	[tilespmem:v8+s24+$0x0] =	vst.idx.add.s32.msk $0xffff, v2  }
0xf0: {  	v11 =	vand.u32 $0xFF0, v60;
	v8 =	vor.u32 v1, v62;
	[tilespmem:v3+s24+$0x0] =	vst.idx.add.s32.msk $0xffff, v2;
	v3 =	vshrl.u32 v16, $0x13  }
0xf1: {  	[tilespmem:v5+s25+$0x0] =	vst.idx.add.s32.msk $0xffff, v2;
	v5 =	vor.u32 v1, v11;
	v3 =	vand.u32 $0xFF0, v3  }
0xf2: {  	[tilespmem:v9+s24+$0x0] =	vst.idx.add.s32.msk $0xffff, v2;
	v3 =	vor.u32 v1, v3  }
0xf3: {  	[tilespmem:v10+s25+$0x0] =	vst.idx.add.s32.msk $0xffff, v2  }
0xf4: {  	[tilespmem:v4+s25+$0x0] =	vst.idx.add.s32.msk $0xffff, v2  }
0xf5: {  	[tilespmem:v8+s25+$0x0] =	vst.idx.add.s32.msk $0xffff, v2  }
0xf6: {  	s3 =	simm.s32 $0x200;
	s0 =	simm.s32 $0x400;
	[tilespmem:v5+s25+$0x0] =	vst.idx.add.s32.msk $0xffff, v2  }
.LBB2_8:
0xf7: {  	s4 =	sshra.s32 s3, $0x2;
	[tilespmem:v3+s25+$0x0] =	vst.idx.add.s32.msk $0xffff, v2  }
0xf8: {  	s0 =	sadd.s32 $0x8, s0;
	v3 =	vld [tilespmem:s4+$0x4070]  }
0xf9: {  	p0 =	slt.u32 s0, $0x5F8;
	v4 =	vld [tilespmem:s4+$0xC070]  }
0xfa: {  	v5 =	vld [tilespmem:s4+$0x4000]  }
0xfb: {  	v6 =	vld [tilespmem:s4+$0xC000]  }
0xfc: {  	v7 =	vld [tilespmem:s4+$0x4010]  }
0xfd: {  	v8 =	vld [tilespmem:s4+$0xC010];
	v3 =	vshrl.u32 v3, $0x13  }
0xfe: {  	v9 =	vld [tilespmem:s4+$0x4020];
	v4 =	vshrl.u32 v4, $0x13;
	v3 =	vand.u32 $0xFF0, v3  }
0xff: {  	v5 =	vshrl.u32 v5, $0x13;
	v10 =	vld [tilespmem:s4+$0xC020];
	v3 =	vor.u32 v1, v3;
	v4 =	vand.u32 $0xFF0, v4  }
0x100: {  	v6 =	vshrl.u32 v6, $0x13;
	v5 =	vand.u32 $0xFF0, v5;
	v11 =	vld [tilespmem:s4+$0x4030];
	v4 =	vor.u32 v1, v4  }
0x101: {  	v5 =	vor.u32 v1, v5;
	v6 =	vand.u32 $0xFF0, v6;
	v7 =	vshrl.u32 v7, $0x13;
	v12 =	vld [tilespmem:s4+$0xC030]  }
0x102: {  	v6 =	vor.u32 v1, v6;
	v8 =	vshrl.u32 v8, $0x13;
	v7 =	vand.u32 $0xFF0, v7;
	v13 =	vld [tilespmem:s4+$0x4040]  }
0x103: {  	v7 =	vor.u32 v1, v7;
	v8 =	vand.u32 $0xFF0, v8;
	v9 =	vshrl.u32 v9, $0x13;
	v14 =	vld [tilespmem:s4+$0xC040]  }
0x104: {  	v8 =	vor.u32 v1, v8;
	v10 =	vshrl.u32 v10, $0x13;
	v9 =	vand.u32 $0xFF0, v9;
	[tilespmem:v3+s24+$0x0] =	vst.idx.add.s32.msk $0xffff, v2  }
0x105: {  	v3 =	vor.u32 v1, v9;
	v9 =	vand.u32 $0xFF0, v10;
	v10 =	vshrl.u32 v11, $0x13;
	[tilespmem:v4+s25+$0x0] =	vst.idx.add.s32.msk $0xffff, v2  }
0x106: {  	v4 =	vor.u32 v1, v9;
	v9 =	vshrl.u32 v12, $0x13;
	v10 =	vand.u32 $0xFF0, v10;
	v11 =	vld [tilespmem:s4+$0x4050]  }
0x107: {  	v10 =	vor.u32 v1, v10;
	v9 =	vand.u32 $0xFF0, v9;
	v12 =	vshrl.u32 v13, $0x13;
	v13 =	vld [tilespmem:s4+$0xC050]  }
0x108: {  	v9 =	vor.u32 v1, v9;
	v14 =	vshrl.u32 v14, $0x13;
	v12 =	vand.u32 $0xFF0, v12;
	v15 =	vld [tilespmem:s4+$0x4060]  }
0x109: {  	v12 =	vor.u32 v1, v12;
	v14 =	vand.u32 $0xFF0, v14;
	v16 =	vld [tilespmem:s4+$0xC060]  }
0x10a: {  	[tilespmem:v5+s24+$0x0] =	vst.idx.add.s32.msk $0xffff, v2;
	v5 =	vor.u32 v1, v14  }
0x10b: {  	[tilespmem:v6+s25+$0x0] =	vst.idx.add.s32.msk $0xffff, v2;
	v6 =	vshrl.u32 v11, $0x13  }
0x10c: {  	[tilespmem:v7+s24+$0x0] =	vst.idx.add.s32.msk $0xffff, v2;
	v7 =	vshrl.u32 v13, $0x13;
	v6 =	vand.u32 $0xFF0, v6  }
0x10d: {  	[tilespmem:v8+s25+$0x0] =	vst.idx.add.s32.msk $0xffff, v2;
	v6 =	vor.u32 v1, v6;
	v7 =	vand.u32 $0xFF0, v7;
	v8 =	vshrl.u32 v15, $0x13  }
0x10e: {  	[tilespmem:v3+s24+$0x0] =	vst.idx.add.s32.msk $0xffff, v2;
	v7 =	vor.u32 v1, v7;
	v3 =	vshrl.u32 v16, $0x13;
	v8 =	vand.u32 $0xFF0, v8  }
0x10f: {  	[tilespmem:v4+s25+$0x0] =	vst.idx.add.s32.msk $0xffff, v2;
	v4 =	vor.u32 v1, v8;
	v3 =	vand.u32 $0xFF0, v3  }
0x110: {  	[tilespmem:v10+s24+$0x0] =	vst.idx.add.s32.msk $0xffff, v2;
	v3 =	vor.u32 v1, v3  }
0x111: {  	[tilespmem:v9+s25+$0x0] =	vst.idx.add.s32.msk $0xffff, v2  }
.Ltmp3:
0x112: {  	[tilespmem:v12+s24+$0x0] =	vst.idx.add.s32.msk $0xffff, v2;
	(pc) =	sbr.rel @p0 .LBB2_8-.Ltmp3, $4  }
0x113: {  	[tilespmem:v5+s25+$0x0] =	vst.idx.add.s32.msk $0xffff, v2  }
0x114: {  	[tilespmem:v6+s24+$0x0] =	vst.idx.add.s32.msk $0xffff, v2  }
0x115: {  	[tilespmem:v7+s25+$0x0] =	vst.idx.add.s32.msk $0xffff, v2  }
0x116: {  	s3 =	sadd.s32 $0x200, s3;
	[tilespmem:v4+s24+$0x0] =	vst.idx.add.s32.msk $0xffff, v2  }
0x117: {  	_ =	sdelay $0x3  }
0x118: {  	[tilespmem:v3+s25+$0x0] =	vst.idx.add.s32.msk $0xffff, v2  }
0x119: {  	_ =	swait.ge [sflag:s29], $0x2000  }
0x11a: {  	[sflag:s29] =	ssyncset.done $0x0  }
0x11b: {  	[sflag:s29] =	ssyncadd.s32 $0xFFFFE000  }
0x11c: {  	_ =	swait.ge [sflag:s29], $0x2000  }
0x11d: {  	[sflag:s29] =	ssyncset.done $0x0  }
0x11e: {  	s0 =	simm.s32 $0x0;
	[sflag:s29] =	ssyncadd.s32 $0xFFFFE000  }
0x11f: {  	v3 =	vld [tilespmem:s0+$0x6070]  }
0x120: {  	v4 =	vld [tilespmem:s0+$0xE070]  }
0x121: {  	v5 =	vld [tilespmem:s0+$0x6000]  }
0x122: {  	v6 =	vld [tilespmem:s0+$0xE000]  }
0x123: {  	v7 =	vld [tilespmem:s0+$0x6010]  }
0x124: {  	v8 =	vld [tilespmem:s0+$0xE010]  }
0x125: {  	v9 =	vld [tilespmem:s0+$0x6020];
	v3 =	vshrl.u32 v3, $0x13  }
0x126: {  	v10 =	vld [tilespmem:s0+$0xE020];
	v4 =	vshrl.u32 v4, $0x13;
	v3 =	vand.u32 $0xFF0, v3  }
0x127: {  	v11 =	vld [tilespmem:s0+$0x6030];
	v4 =	vand.u32 $0xFF0, v4;
	v3 =	vor.u32 v1, v3  }
0x128: {  	v12 =	vld [tilespmem:s0+$0xE030];
	v4 =	vor.u32 v1, v4  }
0x129: {  	v13 =	vld [tilespmem:s0+$0x6040]  }
0x12a: {  	v14 =	vld [tilespmem:s0+$0xE040];
	v5 =	vshrl.u32 v5, $0x13  }
0x12b: {  	v58 =	vld [tilespmem:s0+$0xE050];
	v6 =	vshrl.u32 v6, $0x13;
	v5 =	vand.u32 $0xFF0, v5  }
0x12c: {  	[tilespmem:v3+s24+$0x0] =	vst.idx.add.s32.msk $0xffff, v2;
	v3 =	vor.u32 v1, v5;
	v5 =	vand.u32 $0xFF0, v6;
	v6 =	vshrl.u32 v7, $0x13  }
0x12d: {  	v57 =	vshrl.u32 v9, $0x13;
	[tilespmem:v4+s25+$0x0] =	vst.idx.add.s32.msk $0xffff, v2;
	v4 =	vor.u32 v1, v5;
	v6 =	vand.u32 $0xFF0, v6  }
0x12e: {  	v7 =	vld [tilespmem:s0+$0x6050];
	v5 =	vshrl.u32 v8, $0x13;
	v8 =	vand.u32 $0xFF0, v57;
	v6 =	vor.u32 v1, v6  }
0x12f: {  	v15 =	vld [tilespmem:s0+$0x6060];
	v11 =	vshrl.u32 v11, $0x13;
	v5 =	vand.u32 $0xFF0, v5;
	v8 =	vor.u32 v1, v8  }
0x130: {  	v16 =	vld [tilespmem:s0+$0xE060];
	v12 =	vshrl.u32 v12, $0x13;
	v11 =	vand.u32 $0xFF0, v11;
	v5 =	vor.u32 v1, v5  }
0x131: {  	v10 =	vshrl.u32 v10, $0x13;
	v59 =	vand.u32 $0xFF0, v12;
	[tilespmem:v3+s24+$0x0] =	vst.idx.add.s32.msk $0xffff, v2;
	v3 =	vor.u32 v1, v11  }
0x132: {  	v60 =	vshrl.u32 v13, $0x13;
	v10 =	vand.u32 $0xFF0, v10;
	[tilespmem:v4+s25+$0x0] =	vst.idx.add.s32.msk $0xffff, v2;
	v4 =	vor.u32 v1, v59  }
0x133: {  	v12 =	vand.u32 $0xFF0, v60;
	v10 =	vor.u32 v1, v10;
	v7 =	vshrl.u32 v7, $0x13;
	[tilespmem:v6+s24+$0x0] =	vst.idx.add.s32.msk $0xffff, v2  }
0x134: {  	v61 =	vshrl.u32 v14, $0x13;
	v7 =	vand.u32 $0xFF0, v7;
	v6 =	vor.u32 v1, v12;
	[tilespmem:v8+s24+$0x0] =	vst.idx.add.s32.msk $0xffff, v2  }
0x135: {  	v9 =	vshrl.u32 v58, $0x13;
	v11 =	vand.u32 $0xFF0, v61;
	v7 =	vor.u32 v1, v7;
	[tilespmem:v5+s25+$0x0] =	vst.idx.add.s32.msk $0xffff, v2  }
0x136: {  	v63 =	vshrl.u32 v15, $0x13;
	v62 =	vand.u32 $0xFF0, v9;
	v5 =	vor.u32 v1, v11;
	[tilespmem:v3+s24+$0x0] =	vst.idx.add.s32.msk $0xffff, v2  }
0x137: {  	v9 =	vand.u32 $0xFF0, v63;
	v8 =	vor.u32 v1, v62;
	[tilespmem:v4+s25+$0x0] =	vst.idx.add.s32.msk $0xffff, v2;
	v4 =	vshrl.u32 v16, $0x13  }
0x138: {  	[tilespmem:v10+s25+$0x0] =	vst.idx.add.s32.msk $0xffff, v2;
	v3 =	vor.u32 v1, v9;
	v4 =	vand.u32 $0xFF0, v4  }
0x139: {  	[tilespmem:v6+s24+$0x0] =	vst.idx.add.s32.msk $0xffff, v2;
	v4 =	vor.u32 v1, v4  }
0x13a: {  	[tilespmem:v7+s24+$0x0] =	vst.idx.add.s32.msk $0xffff, v2  }
0x13b: {  	[tilespmem:v5+s25+$0x0] =	vst.idx.add.s32.msk $0xffff, v2  }
0x13c: {  	s4 =	simm.s32 $0x600;
	[tilespmem:v8+s25+$0x0] =	vst.idx.add.s32.msk $0xffff, v2  }
0x13d: {  	s3 =	simm.s32 $0x10FF0;
	s16 =	simm.s32 $0x200;
	s0 =	simm.s32 $0x11FF0;
	[tilespmem:v3+s24+$0x0] =	vst.idx.add.s32.msk $0xffff, v2  }
.LBB2_10:
0x13e: {  	s5 =	sshra.s32 s16, $0x2;
	[tilespmem:v4+s25+$0x0] =	vst.idx.add.s32.msk $0xffff, v2  }
0x13f: {  	s4 =	sadd.s32 $0x8, s4;
	v3 =	vld [tilespmem:s5+$0x6070]  }
0x140: {  	p0 =	slt.u32 s4, $0x7F8;
	v4 =	vld [tilespmem:s5+$0xE070]  }
0x141: {  	v5 =	vld [tilespmem:s5+$0x6000]  }
0x142: {  	v6 =	vld [tilespmem:s5+$0xE000]  }
0x143: {  	v7 =	vld [tilespmem:s5+$0x6010]  }
0x144: {  	v8 =	vld [tilespmem:s5+$0xE010];
	v3 =	vshrl.u32 v3, $0x13  }
0x145: {  	v9 =	vld [tilespmem:s5+$0x6020];
	v4 =	vshrl.u32 v4, $0x13;
	v10 =	vand.u32 $0xFF0, v3;
	v3 =	vimm.s32 $0x0  }
0x146: {  	v5 =	vshrl.u32 v5, $0x13;
	v11 =	vld [tilespmem:s5+$0xE020];
	v10 =	vor.u32 v1, v10;
	v4 =	vand.u32 $0xFF0, v4  }
0x147: {  	v6 =	vshrl.u32 v6, $0x13;
	v5 =	vand.u32 $0xFF0, v5;
	v12 =	vld [tilespmem:s5+$0x6030];
	v4 =	vor.u32 v1, v4  }
0x148: {  	v5 =	vor.u32 v1, v5;
	v6 =	vand.u32 $0xFF0, v6;
	v7 =	vshrl.u32 v7, $0x13;
	v13 =	vld [tilespmem:s5+$0xE030]  }
0x149: {  	v6 =	vor.u32 v1, v6;
	v8 =	vshrl.u32 v8, $0x13;
	v7 =	vand.u32 $0xFF0, v7;
	v14 =	vld [tilespmem:s5+$0x6040]  }
0x14a: {  	v7 =	vor.u32 v1, v7;
	v8 =	vand.u32 $0xFF0, v8;
	v9 =	vshrl.u32 v9, $0x13;
	v15 =	vld [tilespmem:s5+$0xE040]  }
0x14b: {  	v8 =	vor.u32 v1, v8;
	v11 =	vshrl.u32 v11, $0x13;
	v9 =	vand.u32 $0xFF0, v9;
	[tilespmem:v10+s24+$0x0] =	vst.idx.add.s32.msk $0xffff, v2  }
0x14c: {  	v9 =	vor.u32 v1, v9;
	v10 =	vand.u32 $0xFF0, v11;
	v11 =	vshrl.u32 v12, $0x13;
	[tilespmem:v4+s25+$0x0] =	vst.idx.add.s32.msk $0xffff, v2  }
0x14d: {  	v4 =	vor.u32 v1, v10;
	v10 =	vshrl.u32 v13, $0x13;
	v11 =	vand.u32 $0xFF0, v11;
	v12 =	vld [tilespmem:s5+$0x6050]  }
0x14e: {  	v11 =	vor.u32 v1, v11;
	v10 =	vand.u32 $0xFF0, v10;
	v13 =	vshrl.u32 v14, $0x13;
	v14 =	vld [tilespmem:s5+$0xE050]  }
0x14f: {  	v10 =	vor.u32 v1, v10;
	v15 =	vshrl.u32 v15, $0x13;
	v13 =	vand.u32 $0xFF0, v13;
	v16 =	vld [tilespmem:s5+$0x6060]  }
0x150: {  	v13 =	vor.u32 v1, v13;
	v15 =	vand.u32 $0xFF0, v15;
	v17 =	vld [tilespmem:s5+$0xE060]  }
0x151: {  	[tilespmem:v5+s24+$0x0] =	vst.idx.add.s32.msk $0xffff, v2;
	v5 =	vor.u32 v1, v15  }
0x152: {  	[tilespmem:v6+s25+$0x0] =	vst.idx.add.s32.msk $0xffff, v2;
	v6 =	vshrl.u32 v12, $0x13  }
0x153: {  	[tilespmem:v7+s24+$0x0] =	vst.idx.add.s32.msk $0xffff, v2;
	v7 =	vshrl.u32 v14, $0x13;
	v6 =	vand.u32 $0xFF0, v6  }
0x154: {  	[tilespmem:v8+s25+$0x0] =	vst.idx.add.s32.msk $0xffff, v2;
	v6 =	vor.u32 v1, v6;
	v7 =	vand.u32 $0xFF0, v7;
	v8 =	vshrl.u32 v16, $0x13  }
0x155: {  	[tilespmem:v9+s24+$0x0] =	vst.idx.add.s32.msk $0xffff, v2;
	v7 =	vor.u32 v1, v7;
	v9 =	vshrl.u32 v17, $0x13;
	v8 =	vand.u32 $0xFF0, v8  }
0x156: {  	[tilespmem:v4+s25+$0x0] =	vst.idx.add.s32.msk $0xffff, v2;
	v8 =	vor.u32 v1, v8;
	v4 =	vand.u32 $0xFF0, v9  }
0x157: {  	[tilespmem:v11+s24+$0x0] =	vst.idx.add.s32.msk $0xffff, v2;
	v4 =	vor.u32 v1, v4  }
0x158: {  	[tilespmem:v10+s25+$0x0] =	vst.idx.add.s32.msk $0xffff, v2  }
.Ltmp4:
0x159: {  	[tilespmem:v13+s24+$0x0] =	vst.idx.add.s32.msk $0xffff, v2;
	(pc) =	sbr.rel @p0 .LBB2_10-.Ltmp4, $4  }
0x15a: {  	[tilespmem:v5+s25+$0x0] =	vst.idx.add.s32.msk $0xffff, v2  }
0x15b: {  	[tilespmem:v6+s24+$0x0] =	vst.idx.add.s32.msk $0xffff, v2  }
0x15c: {  	[tilespmem:v7+s25+$0x0] =	vst.idx.add.s32.msk $0xffff, v2  }
0x15d: {  	s16 =	sadd.s32 $0x200, s16;
	[tilespmem:v8+s24+$0x0] =	vst.idx.add.s32.msk $0xffff, v2  }
0x15e: {  	_ =	sdelay $0x3  }
0x15f: {  	[tilespmem:v4+s25+$0x0] =	vst.idx.add.s32.msk $0xffff, v2  }
0x160: {  	v9 =	vld [tilespmem:s3+$0xFFFFFFD0]  }
0x161: {  	v10 =	vld [tilespmem:s3+$0xFFFFFFE0]  }
0x162: {  	v7 =	vld [tilespmem:s3+$0xFFFFFFF0]  }
0x163: {  	v5 =	vld [tilespmem:s3+$0x0]  }
0x164: {  	v8 =	vld [tilespmem:s0+$0x0]  }
0x165: {  	v11 =	vld [tilespmem:s0+$0xFFFFFFF0]  }
0x166: {  	v12 =	vld [tilespmem:s0+$0xFFFFFFE0]  }
0x167: {  	s4 =	simm.s32 $0x10FB0;
	v13 =	vld [tilespmem:s0+$0xFFFFFFD0]  }
0x168: {  	v4 =	vld [tilespmem:s4+$0xFFFFFFD0]  }
0x169: {  	v6 =	vld [tilespmem:s4+$0xFFFFFFE0];
	v14 =	vadd.s32 v3, v5  }
0x16a: {  	v5 =	vadd.s32 v3, v8;
	v3 =	vld [tilespmem:s4+$0xFFFFFFF0];
	[tilespmem:s3+$0x0] =	vst v14;
	v14 =	vadd.s32 v14, v7  }
0x16b: {  	s5 =	simm.s32 $0x11FB0;
	v8 =	vadd.s32 v5, v11;
	v7 =	vld [tilespmem:s4+$0x0];
	[tilespmem:s3+$0xFFFFFFF0] =	vst v14;
	v11 =	vadd.s32 v14, v10  }
0x16c: {  	v10 =	vld [tilespmem:s5+$0x0];
	[tilespmem:s3+$0xFFFFFFE0] =	vst v11;
	v14 =	vadd.s32 v11, v9  }
0x16d: {  	v15 =	vadd.s32 v8, v12;
	v11 =	vld [tilespmem:s5+$0xFFFFFFF0];
	[tilespmem:s3+$0xFFFFFFD0] =	vst v14  }
0x16e: {  	v12 =	vld [tilespmem:s5+$0xFFFFFFE0];
	v13 =	vadd.s32 v15, v13;
	[tilespmem:s0+$0xFFFFFFE0] =	vst v15  }
0x16f: {  	s16 =	simm.s32 $0x10F70;
	v9 =	vld [tilespmem:s5+$0xFFFFFFD0];
	s3 =	simm.s32 $0x4;
	[tilespmem:s0+$0xFFFFFFD0] =	vst v13  }
.LBB2_12:
0x170: {  	v15 =	vld [tilespmem:s16+$0xFFFFFFD0];
	[tilespmem:s0+$0xFFFFFFF0] =	vst v8  }
0x171: {  	v7 =	vadd.s32 v14, v7;
	s3 =	sadd.s32 $0x4, s3;
	v16 =	vld [tilespmem:s16+$0xFFFFFFE0];
	[tilespmem:s0+$0x0] =	vst v5;
	v5 =	vadd.s32 v13, v10;
	s0 =	smov.u32 s5  }
0x172: {  	v10 =	vadd.s32 v7, v3;
	p0 =	slt.u32 s3, $0xFC;
	[tilespmem:s4+$0x0] =	vst v7;
	v3 =	vld [tilespmem:s16+$0xFFFFFFF0];
	v8 =	vadd.s32 v5, v11  }
.Ltmp5:
0x173: {  	s5 =	sadd.s32 $0xFFFFFFC0, s5;
	v6 =	vadd.s32 v10, v6;
	v7 =	vld [tilespmem:s16+$0x0];
	[tilespmem:s4+$0xFFFFFFF0] =	vst v10;
	v17 =	vadd.s32 v8, v12;
	(pc) =	sbr.rel @p0 .LBB2_12-.Ltmp5, $4  }
0x174: {  	v14 =	vadd.s32 v6, v4;
	v10 =	vld [tilespmem:s5+$0x0];
	[tilespmem:s4+$0xFFFFFFE0] =	vst v6;
	v13 =	vadd.s32 v17, v9  }
0x175: {  	v11 =	vld [tilespmem:s5+$0xFFFFFFF0];
	[tilespmem:s4+$0xFFFFFFD0] =	vst v14;
	v4 =	vmov v15;
	s4 =	smov.u32 s16  }
0x176: {  	v12 =	vld [tilespmem:s5+$0xFFFFFFE0];
	[tilespmem:s0+$0xFFFFFFD0] =	vst v13;
	v6 =	vmov v16  }
0x177: {  	s16 =	sadd.s32 $0xFFFFFFC0, s16;
	v9 =	vld [tilespmem:s5+$0xFFFFFFD0];
	[tilespmem:s0+$0xFFFFFFE0] =	vst v17  }
0x178: {  	[tilespmem:s0+$0xFFFFFFF0] =	vst v8  }
0x179: {  	v7 =	vadd.s32 v14, v7;
	[tilespmem:s0+$0x0] =	vst v5  }
0x17a: {  	[tilespmem:s4+$0x0] =	vst v7;
	v3 =	vadd.s32 v7, v3  }
0x17b: {  	v5 =	vadd.s32 v13, v10;
	[tilespmem:s4+$0xFFFFFFF0] =	vst v3  }
0x17c: {  	v3 =	vadd.s32 v3, v6;
	[tilespmem:s5+$0x0] =	vst v5  }
0x17d: {  	v7 =	vadd.s32 v5, v11;
	[tilespmem:s4+$0xFFFFFFE0] =	vst v3  }
0x17e: {  	v3 =	vadd.s32 v3, v4;
	[tilespmem:s5+$0xFFFFFFF0] =	vst v7  }
0x17f: {  	v6 =	vadd.s32 v7, v12;
	[tilespmem:s4+$0xFFFFFFD0] =	vst v3  }
0x180: {  	v4 =	vadd.s32 v6, v9;
	[tilespmem:s5+$0xFFFFFFE0] =	vst v6  }
0x181: {  	[tilespmem:s5+$0xFFFFFFD0] =	vst v4  }
0x182: {  	v3 =	vld [tilespmem:$0x10800]  }
0x183: {  	v4 =	vld [tilespmem:$0x11800];
	_ =	sdelay $0x3  }
0x184: {  	(xrf0) =	vadd.scan.msk.s32 $0xffff, v3  }
0x185: {  	(xrf0) =	vadd.scan.msk.s32 $0xffff, v4;
	_ =	sdelay $0x4  }
0x186: {  	v3, _, _ =	vpop (xrf0)  }
0x187: {  	(v2sf) =	vpush v3, $0xF;
	v3, _, _ =	vpop (xrf0)  }
0x188: {  	(v2sf) =	vpush v3, $0xF;
	_ =	sdelay $0xd  }
0x189: {  	s21 =	spop (v2sf)  }
0x18a: {  	s0 =	simm.s32 $0x80;
	p0 =	sgt.s32 s21, $0xCCB;
	s3 =	spop (v2sf)  }
0x18b: {  	s16 =	simm.s32 $0x80;
	s0 =	simm.s32 @!p0 $0x0;
	p0 =	sgt.s32 s3, $0xCCB  }
0x18c: {  	s3 =	sor.u32 $0x40, s0;
	s16 =	simm.s32 @!p0 $0x0  }
0x18d: {  	s22 =	sshll.u32 s3, $0x4;
	s5 =	sor.u32 $0x40, s16  }
0x18e: {  	v3 =	vld [tilespmem:s22+$0x10000];
	s30 =	sshll.u32 s5, $0x4  }
0x18f: {  	v4 =	vld [tilespmem:s30+$0x11000];
	_ =	sdelay $0x3  }
0x190: {  	(xrf0) =	vadd.scan.msk.s32 $0xffff, v3  }
0x191: {  	(xrf0) =	vadd.scan.msk.s32 $0xffff, v4;
	_ =	sdelay $0x4  }
0x192: {  	v3, _, _ =	vpop (xrf0)  }
0x193: {  	(v2sf) =	vpush v3, $0xF;
	v3, _, _ =	vpop (xrf0)  }
0x194: {  	(v2sf) =	vpush v3, $0xF;
	_ =	sdelay $0xd  }
0x195: {  	s17 =	spop (v2sf)  }
0x196: {  	p0 =	sgt.s32 s17, $0xCCB;
	s18 =	spop (v2sf)  }
0x197: {  	s0 =	smov.u32 @p0 s3;
	p0 =	sgt.s32 s18, $0xCCB  }
0x198: {  	s3 =	sor.u32 $0x20, s0;
	s16 =	smov.u32 @p0 s5  }
0x199: {  	s19 =	sshll.u32 s3, $0x4;
	s5 =	sor.u32 $0x20, s16  }
0x19a: {  	v3 =	vld [tilespmem:s19+$0x10000];
	s20 =	sshll.u32 s5, $0x4  }
0x19b: {  	v4 =	vld [tilespmem:s20+$0x11000];
	_ =	sdelay $0x3  }
0x19c: {  	(xrf0) =	vadd.scan.msk.s32 $0xffff, v3  }
0x19d: {  	(xrf0) =	vadd.scan.msk.s32 $0xffff, v4;
	_ =	sdelay $0x4  }
0x19e: {  	v3, _, _ =	vpop (xrf0)  }
0x19f: {  	(v2sf) =	vpush v3, $0xF;
	v3, _, _ =	vpop (xrf0)  }
0x1a0: {  	(v2sf) =	vpush v3, $0xF;
	_ =	sdelay $0xd  }
0x1a1: {  	s21 =	spop (v2sf)  }
0x1a2: {  	p0 =	sgt.s32 s21, $0xCCB;
	s22 =	spop (v2sf)  }
0x1a3: {  	s0 =	smov.u32 @p0 s3;
	p0 =	sgt.s32 s22, $0xCCB  }
0x1a4: {  	s3 =	sor.u32 $0x10, s0;
	s16 =	smov.u32 @p0 s5  }
0x1a5: {  	s30 =	sshll.u32 s3, $0x4;
	s5 =	sor.u32 $0x10, s16  }
0x1a6: {  	s4 =	sand.u32 $0x3FFFFFF0, s30;
	s17 =	sshll.u32 s5, $0x4  }
0x1a7: {  	v3 =	vld [tilespmem:s4+$0x10000];
	s4 =	sand.u32 $0x3FFFFFF0, s17  }
0x1a8: {  	v4 =	vld [tilespmem:s4+$0x11000];
	_ =	sdelay $0x3  }
0x1a9: {  	(xrf0) =	vadd.scan.msk.s32 $0xffff, v3  }
0x1aa: {  	(xrf0) =	vadd.scan.msk.s32 $0xffff, v4;
	_ =	sdelay $0x4  }
0x1ab: {  	v3, _, _ =	vpop (xrf0)  }
0x1ac: {  	(v2sf) =	vpush v3, $0xF;
	v3, _, _ =	vpop (xrf0)  }
0x1ad: {  	(v2sf) =	vpush v3, $0xF;
	_ =	sdelay $0xd  }
0x1ae: {  	s18 =	spop (v2sf)  }
0x1af: {  	p0 =	sgt.s32 s18, $0xCCB;
	s19 =	spop (v2sf)  }
0x1b0: {  	s0 =	smov.u32 @p0 s3;
	p0 =	sgt.s32 s19, $0xCCB  }
0x1b1: {  	s3 =	sadd.s32 $0x8, s0;
	s16 =	smov.u32 @p0 s5  }
0x1b2: {  	s20 =	smin.u32 s3, $0xFF;
	s5 =	sadd.s32 $0x8, s16  }
0x1b3: {  	s4 =	sshll.u32 s20, $0x4;
	s21 =	smin.u32 s5, $0xFF  }
0x1b4: {  	v3 =	vld [tilespmem:s4+$0x10000];
	s4 =	sshll.u32 s21, $0x4  }
0x1b5: {  	v4 =	vld [tilespmem:s4+$0x11000];
	_ =	sdelay $0x3  }
0x1b6: {  	(xrf0) =	vadd.scan.msk.s32 $0xffff, v3  }
0x1b7: {  	(xrf0) =	vadd.scan.msk.s32 $0xffff, v4;
	_ =	sdelay $0x4  }
0x1b8: {  	v3, _, _ =	vpop (xrf0)  }
0x1b9: {  	(v2sf) =	vpush v3, $0xF;
	v3, _, _ =	vpop (xrf0)  }
0x1ba: {  	(v2sf) =	vpush v3, $0xF;
	_ =	sdelay $0xd  }
0x1bb: {  	p1 =	slt.u32 s0, $0xF8;
	s22 =	spop (v2sf)  }
0x1bc: {  	s4 =	smov.u32 s0;
	p0 =	sgt.s32 s22, $0xCCB;
	s17 =	spop (v2sf)  }
0x1bd: {  	s4 =	smov.u32 @p0 s3;
	p0 =	sgt.s32 s17, $0xCCB;
	s3 =	smov.u32 s16  }
0x1be: {  	s0 =	smov.u32 @p1 s4;
	p1 =	slt.u32 s16, $0xF8;
	s3 =	smov.u32 @p0 s5  }
0x1bf: {  	s4 =	sadd.s32 $0x4, s0;
	s16 =	smov.u32 @p1 s3  }
0x1c0: {  	s30 =	smin.u32 s4, $0xFF;
	s5 =	sadd.s32 $0x4, s16  }
0x1c1: {  	s3 =	sshll.u32 s30, $0x4;
	s17 =	smin.u32 s5, $0xFF  }
0x1c2: {  	v3 =	vld [tilespmem:s3+$0x10000];
	s3 =	sshll.u32 s17, $0x4  }
0x1c3: {  	v4 =	vld [tilespmem:s3+$0x11000];
	_ =	sdelay $0x3  }
0x1c4: {  	(xrf0) =	vadd.scan.msk.s32 $0xffff, v3  }
0x1c5: {  	(xrf0) =	vadd.scan.msk.s32 $0xffff, v4;
	_ =	sdelay $0x4  }
0x1c6: {  	v3, _, _ =	vpop (xrf0)  }
0x1c7: {  	(v2sf) =	vpush v3, $0xF;
	v3, _, _ =	vpop (xrf0)  }
0x1c8: {  	(v2sf) =	vpush v3, $0xF;
	_ =	sdelay $0xc  }
0x1c9: {  	p0 =	slt.u32 s0, $0xFC;
	s17 =	smov.u32 s0  }
0x1ca: {  	s17 =	smov.u32 @p0 s4;
	p0 =	slt.u32 s16, $0xFC;
	s18 =	spop (v2sf)  }
0x1cb: {  	s4 =	smov.u32 s16;
	p1 =	sgt.s32 s18, $0xCCB;
	s19 =	spop (v2sf)  }
0x1cc: {  	s4 =	smov.u32 @p0 s5;
	s0 =	smov.u32 @p1 s17;
	p1 =	sgt.s32 s19, $0xCCB  }
0x1cd: {  	s3 =	sadd.s32 $0x2, s0;
	s16 =	smov.u32 @p1 s4  }
0x1ce: {  	s20 =	smin.u32 s3, $0xFF;
	s5 =	sadd.s32 $0x2, s16  }
0x1cf: {  	s4 =	sshll.u32 s20, $0x4;
	s21 =	smin.u32 s5, $0xFF  }
0x1d0: {  	v3 =	vld [tilespmem:s4+$0x10000];
	s4 =	sshll.u32 s21, $0x4  }
0x1d1: {  	v4 =	vld [tilespmem:s4+$0x11000];
	_ =	sdelay $0x3  }
0x1d2: {  	(xrf0) =	vadd.scan.msk.s32 $0xffff, v3  }
0x1d3: {  	(xrf0) =	vadd.scan.msk.s32 $0xffff, v4;
	_ =	sdelay $0x4  }
0x1d4: {  	v3, _, _ =	vpop (xrf0)  }
0x1d5: {  	(v2sf) =	vpush v3, $0xF;
	v3, _, _ =	vpop (xrf0)  }
0x1d6: {  	(v2sf) =	vpush v3, $0xF;
	_ =	sdelay $0xc  }
0x1d7: {  	p0 =	slt.u32 s0, $0xFE;
	s17 =	smov.u32 s0  }
0x1d8: {  	s17 =	smov.u32 @p0 s3;
	p0 =	slt.u32 s16, $0xFE;
	s22 =	spop (v2sf)  }
0x1d9: {  	s4 =	smov.u32 s16;
	p1 =	sgt.s32 s22, $0xCCB;
	s30 =	spop (v2sf)  }
0x1da: {  	s4 =	smov.u32 @p0 s5;
	s0 =	smov.u32 @p1 s17;
	p1 =	sgt.s32 s30, $0xCCB  }
0x1db: {  	s3 =	sadd.s32 $0x1, s0;
	s16 =	smov.u32 @p1 s4  }
0x1dc: {  	s17 =	smin.u32 s3, $0xFF;
	s5 =	sadd.s32 $0x1, s16  }
0x1dd: {  	s4 =	sshll.u32 s17, $0x4;
	s18 =	smin.u32 s5, $0xFF  }
0x1de: {  	v3 =	vld [tilespmem:s4+$0x10000];
	s4 =	sshll.u32 s18, $0x4  }
0x1df: {  	v4 =	vld [tilespmem:s4+$0x11000];
	_ =	sdelay $0x3  }
0x1e0: {  	(xrf0) =	vadd.scan.msk.s32 $0xffff, v3  }
0x1e1: {  	(xrf0) =	vadd.scan.msk.s32 $0xffff, v4;
	_ =	sdelay $0x4  }
0x1e2: {  	v3, _, _ =	vpop (xrf0)  }
0x1e3: {  	(v2sf) =	vpush v3, $0xF;
	v3, _, _ =	vpop (xrf0)  }
0x1e4: {  	(v2sf) =	vpush v3, $0xF;
	_ =	sdelay $0xc  }
0x1e5: {  	p0 =	slt.u32 s0, $0xFF;
	s4 =	smov.u32 s0  }
0x1e6: {  	s4 =	smov.u32 @p0 s3;
	p0 =	slt.u32 s16, $0xFF;
	s19 =	spop (v2sf)  }
0x1e7: {  	s3 =	smov.u32 s16;
	p1 =	sgt.s32 s19, $0xCCB;
	s20 =	spop (v2sf)  }
0x1e8: {  	s3 =	smov.u32 @p0 s5;
	s0 =	smov.u32 @p1 s4;
	p1 =	sgt.s32 s20, $0xCCB  }
0x1e9: {  	s16 =	smov.u32 @p1 s3;
	s21 =	smin.u32 s0, $0xFE  }
0x1ea: {  	s3 =	sshll.u32 s21, $0x4;
	s22 =	smin.u32 s16, $0xFE  }
0x1eb: {  	s4 =	simm.s32 $0x10040;
	v3 =	vld [tilespmem:s3+$0x10010];
	s30 =	sshll.u32 s22, $0x4  }
0x1ec: {  	v4 =	vld [tilespmem:s30+$0x11010];
	[tilespmem:s4+$0x30] =	vst v0  }
0x1ed: {  	[tilespmem:s4+$0xFFFFFFF0] =	vst v0  }
0x1ee: {  	[tilespmem:s4+$0xFFFFFFC0] =	vst v0  }
0x1ef: {  	[tilespmem:s4+$0xFFFFFFE0] =	vst v0  }
0x1f0: {  	[tilespmem:s4+$0x10] =	vst v0  }
0x1f1: {  	[tilespmem:s4+$0x20] =	vst v0  }
0x1f2: {  	[tilespmem:s4+$0x0] =	vst v0  }
0x1f3: {  	s3 =	simm.s32 $0x11040;
	[tilespmem:s4+$0xFFFFFFD0] =	vst v0  }
0x1f4: {  	[tilespmem:s3+$0xFFFFFFC0] =	vst v0  }
0x1f5: {  	[tilespmem:s3+$0x30] =	vst v0  }
0x1f6: {  	[tilespmem:s3+$0x20] =	vst v0  }
0x1f7: {  	[tilespmem:s3+$0x10] =	vst v0  }
0x1f8: {  	[tilespmem:s3+$0xFFFFFFE0] =	vst v0  }
0x1f9: {  	[tilespmem:s3+$0x0] =	vst v0  }
0x1fa: {  	s5 =	simm.s32 $0x0;
	[tilespmem:s3+$0xFFFFFFF0] =	vst v0  }
.LBB2_14:
0x1fb: {  	s5 =	sadd.s32 $0x8, s5;
	[tilespmem:s3+$0xFFFFFFD0] =	vst v0;
	s4 =	sadd.s32 $0x80, s4;
	s3 =	sadd.s32 $0x80, s3  }
0x1fc: {  	[tilespmem:s4+$0x30] =	vst v0;
	p0 =	slt.u32 s5, $0xF8  }
0x1fd: {  	[tilespmem:s4+$0xFFFFFFF0] =	vst v0  }
0x1fe: {  	[tilespmem:s4+$0xFFFFFFC0] =	vst v0  }
0x1ff: {  	[tilespmem:s3+$0xFFFFFFC0] =	vst v0  }
0x200: {  	[tilespmem:s3+$0x30] =	vst v0  }
0x201: {  	[tilespmem:s4+$0xFFFFFFE0] =	vst v0  }
0x202: {  	[tilespmem:s4+$0x10] =	vst v0  }
0x203: {  	[tilespmem:s4+$0x20] =	vst v0  }
0x204: {  	[tilespmem:s3+$0x20] =	vst v0  }
0x205: {  	[tilespmem:s3+$0x10] =	vst v0  }
.Ltmp6:
0x206: {  	[tilespmem:s3+$0xFFFFFFE0] =	vst v0;
	(pc) =	sbr.rel @p0 .LBB2_14-.Ltmp6, $4  }
0x207: {  	[tilespmem:s4+$0x0] =	vst v0  }
0x208: {  	[tilespmem:s3+$0x0] =	vst v0  }
0x209: {  	[tilespmem:s3+$0xFFFFFFF0] =	vst v0  }
0x20a: {  	[tilespmem:s4+$0xFFFFFFD0] =	vst v0  }
0x20b: {  	[tilespmem:s3+$0xFFFFFFD0] =	vst v0;
	s30 =	simm.s32 $0x40  }
0x20c: {  	v7 =	vld [tilespmem:s30+$0x30]  }
0x20d: {  	v8 =	vld [tilespmem:s30+$0x10]  }
0x20e: {  	v9 =	vld [tilespmem:s30+$0x20]  }
0x20f: {  	v10 =	vld [tilespmem:s30+$0x0]  }
0x210: {  	v11 =	vld [tilespmem:s30+$0xFFFFFFF0];
	_ =	sdelay $0x1  }
0x211: {  	v6 =	vmov s0;
	v5 =	vmov s16  }
0x212: {  	v12 =	vld [tilespmem:s30+$0xFFFFFFE0];
	v13 =	vshrl.u32 v8, $0xB;
	v14 =	vshrl.u32 v7, $0xB;
	v7 =	vshrl.u32 v7, $0x17  }
0x213: {  	v15 =	vld [tilespmem:s30+$0xFFFFFFD0];
	v16 =	vshrl.u32 v9, $0xB;
	v9 =	vshrl.u32 v9, $0x17;
	v8 =	vshrl.u32 v8, $0x17  }
0x214: {  	v26 =	vshrl.u32 v11, $0x17;
	v17 =	vshrl.u32 v10, $0xB;
	v11 =	vshrl.u32 v11, $0xB  }
0x215: {  	v10 =	vshrl.u32 v10, $0x17;
	v7 =	vand.u32 $0xFF, v7;
	v9 =	vand.u32 $0xFF, v9  }
0x216: {  	v14 =	vand.u32 $0xFF0, v14;
	v8 =	vand.u32 $0xFF, v8;
	v18 =	vand.u32 $0xFF0, v16  }
0x217: {  	v25 =	vand.u32 $0xFF0, v13;
	vm1 =	veq.s32 v9, v6;
	v9 =	vor.u32 v1, v14  }
0x218: {  	s17 =	simm.s32 $0x8040;
	v20 =	vld [tilespmem:s30+$0xFFFFFFC0];
	vm2 =	veq.s32 v7, v6;
	v7 =	vshrl.u32 v12, $0xB;
	v14 =	vshrl.u32 v15, $0x17  }
0x219: {  	v21 =	vld [tilespmem:s17+$0x20];
	v16 =	vand.u32 $0xFF0, v7;
	v7 =	vshrl.u32 v15, $0xB;
	v13 =	vand.u32 $0xFF, v14  }
0x21a: {  	vm0 =	veq.s32 v8, v6;
	v8 =	vld [tilespmem:s17+$0xFFFFFFD0];
	vm4 =	veq.s32 v13, v6;
	v7 =	vand.u32 $0xFF0, v7  }
0x21b: {  	v22 =	vand.u32 $0xFF0, v11;
	v11 =	vshrl.u32 v12, $0x17;
	v27 =	vor.u32 v1, v7;
	v7 =	vld [tilespmem:s17+$0xFFFFFFE0]  }
0x21c: {  	v24 =	vld [tilespmem:s17+$0xFFFFFFF0];
	v23 =	vand.u32 $0xFF, v10;
	v10 =	vand.u32 $0xFF0, v17;
	v26 =	vand.u32 $0xFF, v26  }
0x21d: {  	v12 =	vshrl.u32 v20, $0xB;
	vm3 =	veq.s32 v23, v6;
	v20 =	vshrl.u32 v20, $0x17;
	v14 =	vld [tilespmem:s17+$0x30]  }
0x21e: {  	v19 =	vld [tilespmem:s17+$0x0];
	v18 =	vor.u32 v1, v18;
	v15 =	vand.u32 $0xFF, v11;
	v11 =	vor.u32 v1, v10  }
0x21f: {  	v23 =	vld [tilespmem:s17+$0x10];
	v10 =	vor.u32 v1, v16;
	v13 =	vshrl.u32 v8, $0xB;
	v8 =	vshrl.u32 v8, $0x17  }
0x220: {  	s19 =	simm.s32 $0x0;
	s20 =	simm.s32 $0xC0;
	s18 =	simm.s32 $0x8040;
	v16 =	vor.u32 v1, v25;
	v17 =	vand.u32 $0xFF, v8;
	[tilespmem:v27+s24+$0x0] =	vst.idx.add.s32.msk vm4, v2;
	v25 =	vshrl.u32 v7, $0x17  }
.LBB2_16:
0x221: {  	v27 =	vld [tilespmem:s20+$0x30];
	s19 =	sadd.s32 $0x8, s19;
	v8 =	vand.u32 $0xFF0, v13;
	vm5 =	veq.s32 v26, v6;
	v22 =	vor.u32 v1, v22;
	s17 =	sadd.s32 $0x80, s17  }
0x222: {  	v28 =	vshrl.u32 v21, $0xB;
	v29 =	vshrl.u32 v14, $0xB;
	v13 =	vld [tilespmem:s20+$0x0];
	p0 =	slt.u32 s19, $0x7F8;
	v26 =	vshrl.u32 v24, $0x17  }
0x223: {  	v24 =	vshrl.u32 v24, $0xB;
	v30 =	vld [tilespmem:s20+$0x10];
	v26 =	vand.u32 $0xFF, v26;
	v31 =	vshrl.u32 v19, $0x17  }
0x224: {  	v21 =	vshrl.u32 v21, $0x17;
	v32 =	vld [tilespmem:s20+$0x20];
	vm4 =	veq.s32 v26, v5;
	v26 =	vand.u32 $0xFF0, v28  }
0x225: {  	v14 =	vshrl.u32 v14, $0x17;
	v24 =	vand.u32 $0xFF0, v24;
	v26 =	vor.u32 v1, v26;
	[tilespmem:v9+s24+$0x0] =	vst.idx.add.s32.msk vm2, v2  }
0x226: {  	v25 =	vand.u32 $0xFF, v25;
	v28 =	vshrl.u32 v23, $0xB;
	v23 =	vshrl.u32 v23, $0x17;
	v9 =	vld [tilespmem:s18+$0xFFFFFFC0];
	s18 =	smov.u32 s17  }
0x227: {  	v20 =	vand.u32 $0xFF, v20;
	v19 =	vshrl.u32 v19, $0xB;
	v28 =	vand.u32 $0xFF0, v28;
	v33 =	vld [tilespmem:s20+$0xFFFFFFF0]  }
0x228: {  	vm7 =	veq.s32 v15, v6;
	v15 =	vand.u32 $0xFF, v31;
	v28 =	vor.u32 v1, v28;
	[tilespmem:v18+s24+$0x0] =	vst.idx.add.s32.msk vm1, v2  }
0x229: {  	v18 =	vor.u32 v1, v24;
	vm1 =	veq.s32 v15, v5;
	v15 =	vand.u32 $0xFF0, v19;
	[tilespmem:v16+s24+$0x0] =	vst.idx.add.s32.msk vm0, v2  }
0x22a: {  	vm8 =	veq.s32 v17, v5;
	v14 =	vand.u32 $0xFF, v14;
	vm0 =	veq.s32 v20, v6;
	[tilespmem:v22+s24+$0x0] =	vst.idx.add.s32.msk vm5, v2  }
0x22b: {  	v8 =	vor.u32 v1, v8;
	vm6 =	veq.s32 v14, v5;
	v15 =	vor.u32 v1, v15;
	v16 =	vld [tilespmem:s17+$0xFFFFFFD0]  }
0x22c: {  	v12 =	vand.u32 $0xFF0, v12;
	v14 =	vand.u32 $0xFF0, v29;
	[tilespmem:v11+s24+$0x0] =	vst.idx.add.s32.msk vm3, v2;
	v11 =	vand.u32 $0xFF, v23  }
0x22d: {  	v14 =	vor.u32 v1, v14;
	v17 =	vld [tilespmem:s20+$0xFFFFFFD0];
	vm2 =	veq.s32 v11, v5;
	v11 =	vand.u32 $0xFF, v21  }
0x22e: {  	v7 =	vshrl.u32 v7, $0xB;
	vm3 =	veq.s32 v25, v5;
	[tilespmem:v10+s24+$0x0] =	vst.idx.add.s32.msk vm7, v2;
	vm5 =	veq.s32 v11, v5  }
0x22f: {  	v7 =	vand.u32 $0xFF0, v7;
	v10 =	vshrl.u32 v9, $0x17;
	v11 =	vor.u32 v1, v12;
	[tilespmem:v18+s25+$0x0] =	vst.idx.add.s32.msk vm4, v2  }
0x230: {  	v7 =	vor.u32 v1, v7;
	v9 =	vshrl.u32 v9, $0xB;
	v10 =	vand.u32 $0xFF, v10;
	[tilespmem:v8+s25+$0x0] =	vst.idx.add.s32.msk vm8, v2  }
0x231: {  	v9 =	vand.u32 $0xFF0, v9;
	vm4 =	veq.s32 v10, v5;
	[tilespmem:v15+s25+$0x0] =	vst.idx.add.s32.msk vm1, v2  }
0x232: {  	v8 =	vimm.s32 $0x0;
	v12 =	vor.u32 v1, v9;
	v10 =	vld [tilespmem:s20+$0xFFFFFFE0]  }
0x233: {  	v18 =	vshrl.u32 v27, $0x17;
	v9 =	vshrl.u32 v27, $0xB;
	v15 =	vshrl.u32 v30, $0xB;
	[tilespmem:v14+s25+$0x0] =	vst.idx.add.s32.msk vm6, v2  }
0x234: {  	v19 =	vshrl.u32 v32, $0x17;
	v18 =	vand.u32 $0xFF, v18;
	v14 =	vshrl.u32 v32, $0xB;
	[tilespmem:v11+s24+$0x0] =	vst.idx.add.s32.msk vm0, v2  }
0x235: {  	v19 =	vand.u32 $0xFF, v19;
	v9 =	vand.u32 $0xFF0, v9;
	v11 =	vshrl.u32 v30, $0x17;
	[tilespmem:v28+s25+$0x0] =	vst.idx.add.s32.msk vm2, v2  }
0x236: {  	vm1 =	veq.s32 v19, v6;
	v9 =	vor.u32 v1, v9;
	v11 =	vand.u32 $0xFF, v11;
	[tilespmem:v26+s25+$0x0] =	vst.idx.add.s32.msk vm5, v2  }
0x237: {  	vm2 =	veq.s32 v18, v6;
	v26 =	vshrl.u32 v33, $0x17;
	vm0 =	veq.s32 v11, v6;
	[tilespmem:v7+s25+$0x0] =	vst.idx.add.s32.msk vm3, v2  }
0x238: {  	v18 =	vand.u32 $0xFF0, v14;
	v11 =	vshrl.u32 v13, $0xB;
	v7 =	vshrl.u32 v10, $0xB;
	[tilespmem:v12+s25+$0x0] =	vst.idx.add.s32.msk vm4, v2  }
0x239: {  	v25 =	vand.u32 $0xFF0, v15;
	v12 =	vshrl.u32 v17, $0x17;
	v19 =	vand.u32 $0xFF0, v7  }
0x23a: {  	v14 =	vshrl.u32 v33, $0xB;
	v7 =	vshrl.u32 v17, $0xB;
	v12 =	vand.u32 $0xFF, v12;
	v20 =	vld [tilespmem:s20+$0xFFFFFFC0]  }
0x23b: {  	v22 =	vand.u32 $0xFF0, v14;
	v7 =	vand.u32 $0xFF0, v7;
	vm4 =	veq.s32 v12, v6;
	v14 =	vld [tilespmem:s17+$0x30]  }
0x23c: {  	v10 =	vshrl.u32 v10, $0x17;
	v27 =	vor.u32 v1, v7;
	v12 =	vshrl.u32 v13, $0x17;
	v7 =	vld [tilespmem:s17+$0xFFFFFFE0]  }
.Ltmp7:
0x23d: {  	v11 =	vand.u32 $0xFF0, v11;
	v13 =	vshrl.u32 v16, $0xB;
	v17 =	vand.u32 $0xFF, v12;
	v21 =	vld [tilespmem:s17+$0x20];
	(pc) =	sbr.rel @p0 .LBB2_16-.Ltmp7, $4  }
0x23e: {  	v28 =	vshrl.u32 v16, $0x17;
	v15 =	vand.u32 $0xFF, v10;
	v11 =	vor.u32 v1, v11;
	v24 =	vld [tilespmem:s17+$0xFFFFFFF0]  }
0x23f: {  	v10 =	vor.u32 v1, v19;
	vm3 =	veq.s32 v17, v6;
	v12 =	vshrl.u32 v20, $0xB;
	v19 =	vld [tilespmem:s17+$0x0]  }
0x240: {  	v18 =	vor.u32 v1, v18;
	v16 =	vor.u32 v1, v25;
	v20 =	vshrl.u32 v20, $0x17;
	v23 =	vld [tilespmem:s17+$0x10]  }
0x241: {  	s4 =	simm.s32 $0x10FF0;
	s3 =	simm.s32 $0x11FF0;
	v26 =	vand.u32 $0xFF, v26;
	s20 =	sadd.s32 $0x80, s20;
	v17 =	vand.u32 $0xFF, v28;
	[tilespmem:v27+s24+$0x0] =	vst.idx.add.s32.msk vm4, v2;
	v25 =	vshrl.u32 v7, $0x17  }
0x242: {  	v13 =	vand.u32 $0xFF0, v13;
	vm5 =	veq.s32 v26, v6  }
0x243: {  	v22 =	vor.u32 v1, v22;
	v27 =	vshrl.u32 v21, $0xB;
	v28 =	vshrl.u32 v14, $0xB  }
0x244: {  	v60 =	vshrl.u32 v21, $0x17;
	v14 =	vshrl.u32 v14, $0x17;
	v25 =	vand.u32 $0xFF, v25  }
0x245: {  	v20 =	vand.u32 $0xFF, v20;
	vm9 =	veq.s32 v15, v6;
	vm7 =	veq.s32 v17, v5  }
0x246: {  	v12 =	vand.u32 $0xFF0, v12;
	v7 =	vshrl.u32 v7, $0xB;
	v57 =	vshrl.u32 v24, $0x17  }
0x247: {  	v58 =	vshrl.u32 v24, $0xB;
	v59 =	vand.u32 $0xFF0, v27;
	vm10 =	veq.s32 v20, v6  }
0x248: {  	[tilespmem:v11+s24+$0x0] =	vst.idx.add.s32.msk vm3, v2;
	v6 =	vand.u32 $0xFF, v14;
	v13 =	vor.u32 v1, v13;
	v11 =	vand.u32 $0xFF, v60  }
0x249: {  	vm13 =	veq.s32 v25, v5;
	v7 =	vand.u32 $0xFF0, v7;
	v26 =	vand.u32 $0xFF, v57  }
0x24a: {  	[tilespmem:v9+s24+$0x0] =	vst.idx.add.s32.msk vm2, v2;
	v29 =	vshrl.u32 v19, $0x17;
	v24 =	vand.u32 $0xFF0, v58;
	v19 =	vshrl.u32 v19, $0xB  }
0x24b: {  	v63 =	vld [tilespmem:s18+$0xFFFFFFC0];
	vm11 =	veq.s32 v6, v5;
	vm14 =	veq.s32 v11, v5;
	v7 =	vor.u32 v1, v7  }
0x24c: {  	[tilespmem:v18+s24+$0x0] =	vst.idx.add.s32.msk vm1, v2;
	vm4 =	veq.s32 v26, v5;
	v26 =	vor.u32 v1, v59;
	v61 =	vshrl.u32 v23, $0xB  }
0x24d: {  	[tilespmem:v16+s24+$0x0] =	vst.idx.add.s32.msk vm0, v2;
	v62 =	vshrl.u32 v23, $0x17;
	v15 =	vand.u32 $0xFF, v29;
	v24 =	vor.u32 v1, v24  }
0x24e: {  	v9 =	vand.u32 $0xFF0, v61;
	vm6 =	veq.s32 v15, v5;
	v15 =	vand.u32 $0xFF0, v19;
	[tilespmem:v22+s24+$0x0] =	vst.idx.add.s32.msk vm5, v2  }
0x24f: {  	v6 =	vand.u32 $0xFF, v62;
	v14 =	vor.u32 v1, v15;
	v15 =	vand.u32 $0xFF0, v28;
	[tilespmem:v10+s24+$0x0] =	vst.idx.add.s32.msk vm9, v2  }
0x250: {  	vm12 =	veq.s32 v6, v5;
	v11 =	vshrl.u32 v63, $0x17;
	v6 =	vor.u32 v1, v15;
	[tilespmem:v13+s25+$0x0] =	vst.idx.add.s32.msk vm7, v2  }
0x251: {  	v10 =	vor.u32 v1, v12;
	v12 =	vshrl.u32 v63, $0xB;
	v11 =	vand.u32 $0xFF, v11;
	[tilespmem:v7+s25+$0x0] =	vst.idx.add.s32.msk vm13, v2  }
0x252: {  	v9 =	vor.u32 v1, v9;
	vm15 =	veq.s32 v11, v5;
	v5 =	vand.u32 $0xFF0, v12;
	[tilespmem:v26+s25+$0x0] =	vst.idx.add.s32.msk vm14, v2  }
0x253: {  	v5 =	vor.u32 v1, v5;
	[tilespmem:v24+s25+$0x0] =	vst.idx.add.s32.msk vm4, v2  }
0x254: {  	[tilespmem:v14+s25+$0x0] =	vst.idx.add.s32.msk vm6, v2  }
0x255: {  	[tilespmem:v6+s25+$0x0] =	vst.idx.add.s32.msk vm11, v2  }
0x256: {  	[tilespmem:v10+s24+$0x0] =	vst.idx.add.s32.msk vm10, v2  }
0x257: {  	[tilespmem:v9+s25+$0x0] =	vst.idx.add.s32.msk vm12, v2  }
0x258: {  	[tilespmem:v5+s25+$0x0] =	vst.idx.add.s32.msk vm15, v2  }
0x259: {  	v11 =	vld [tilespmem:s4+$0xFFFFFFD0]  }
0x25a: {  	v12 =	vld [tilespmem:s4+$0xFFFFFFE0]  }
0x25b: {  	v10 =	vld [tilespmem:s4+$0xFFFFFFF0]  }
0x25c: {  	v6 =	vld [tilespmem:s4+$0x0]  }
0x25d: {  	v7 =	vld [tilespmem:s3+$0x0]  }
0x25e: {  	v13 =	vld [tilespmem:s3+$0xFFFFFFF0]  }
0x25f: {  	v14 =	vld [tilespmem:s3+$0xFFFFFFE0]  }
0x260: {  	s5 =	simm.s32 $0x10FB0;
	v15 =	vld [tilespmem:s3+$0xFFFFFFD0]  }
0x261: {  	v5 =	vld [tilespmem:s5+$0xFFFFFFD0]  }
0x262: {  	v9 =	vld [tilespmem:s5+$0xFFFFFFE0];
	v16 =	vadd.s32 v8, v6  }
0x263: {  	v7 =	vadd.s32 v8, v7;
	v6 =	vld [tilespmem:s5+$0xFFFFFFF0];
	[tilespmem:s4+$0x0] =	vst v16;
	v16 =	vadd.s32 v16, v10  }
0x264: {  	s17 =	simm.s32 $0x11FB0;
	v8 =	vld [tilespmem:s5+$0x0];
	v10 =	vadd.s32 v7, v13;
	[tilespmem:s4+$0xFFFFFFF0] =	vst v16;
	v13 =	vadd.s32 v16, v12  }
0x265: {  	v12 =	vld [tilespmem:s17+$0x0];
	[tilespmem:s4+$0xFFFFFFE0] =	vst v13;
	v16 =	vadd.s32 v13, v11  }
0x266: {  	v17 =	vadd.s32 v10, v14;
	v13 =	vld [tilespmem:s17+$0xFFFFFFF0];
	[tilespmem:s4+$0xFFFFFFD0] =	vst v16  }
0x267: {  	v14 =	vld [tilespmem:s17+$0xFFFFFFE0];
	v15 =	vadd.s32 v17, v15;
	[tilespmem:s3+$0xFFFFFFE0] =	vst v17  }
0x268: {  	s18 =	simm.s32 $0x10F70;
	v11 =	vld [tilespmem:s17+$0xFFFFFFD0];
	s4 =	simm.s32 $0x4;
	[tilespmem:s3+$0xFFFFFFD0] =	vst v15  }
.LBB2_18:
0x269: {  	v17 =	vld [tilespmem:s18+$0xFFFFFFD0];
	[tilespmem:s3+$0xFFFFFFF0] =	vst v10  }
0x26a: {  	v8 =	vadd.s32 v16, v8;
	s4 =	sadd.s32 $0x4, s4;
	v18 =	vld [tilespmem:s18+$0xFFFFFFE0];
	[tilespmem:s3+$0x0] =	vst v7;
	v7 =	vadd.s32 v15, v12;
	s3 =	smov.u32 s17  }
0x26b: {  	v12 =	vadd.s32 v8, v6;
	p0 =	slt.u32 s4, $0xFC;
	[tilespmem:s5+$0x0] =	vst v8;
	v6 =	vld [tilespmem:s18+$0xFFFFFFF0];
	v10 =	vadd.s32 v7, v13  }
.Ltmp8:
0x26c: {  	s17 =	sadd.s32 $0xFFFFFFC0, s17;
	v9 =	vadd.s32 v12, v9;
	v8 =	vld [tilespmem:s18+$0x0];
	[tilespmem:s5+$0xFFFFFFF0] =	vst v12;
	v19 =	vadd.s32 v10, v14;
	(pc) =	sbr.rel @p0 .LBB2_18-.Ltmp8, $4  }
0x26d: {  	v16 =	vadd.s32 v9, v5;
	v12 =	vld [tilespmem:s17+$0x0];
	[tilespmem:s5+$0xFFFFFFE0] =	vst v9;
	v15 =	vadd.s32 v19, v11  }
0x26e: {  	v13 =	vld [tilespmem:s17+$0xFFFFFFF0];
	[tilespmem:s5+$0xFFFFFFD0] =	vst v16;
	v5 =	vmov v17;
	s5 =	smov.u32 s18  }
0x26f: {  	v14 =	vld [tilespmem:s17+$0xFFFFFFE0];
	[tilespmem:s3+$0xFFFFFFD0] =	vst v15;
	v9 =	vmov v18  }
0x270: {  	s18 =	sadd.s32 $0xFFFFFFC0, s18;
	v11 =	vld [tilespmem:s17+$0xFFFFFFD0];
	[tilespmem:s3+$0xFFFFFFE0] =	vst v19  }
0x271: {  	[tilespmem:s3+$0xFFFFFFF0] =	vst v10  }
0x272: {  	v8 =	vadd.s32 v16, v8;
	[tilespmem:s3+$0x0] =	vst v7  }
0x273: {  	[tilespmem:s5+$0x0] =	vst v8;
	v6 =	vadd.s32 v8, v6  }
0x274: {  	v7 =	vadd.s32 v15, v12;
	[tilespmem:s5+$0xFFFFFFF0] =	vst v6  }
0x275: {  	v6 =	vadd.s32 v6, v9;
	[tilespmem:s17+$0x0] =	vst v7  }
0x276: {  	v62 =	vadd.s32 v7, v13;
	[tilespmem:s5+$0xFFFFFFE0] =	vst v6  }
0x277: {  	v5 =	vadd.s32 v6, v5;
	[tilespmem:s17+$0xFFFFFFF0] =	vst v62  }
0x278: {  	v63 =	vadd.s32 v62, v14;
	[tilespmem:s5+$0xFFFFFFD0] =	vst v5  }
0x279: {  	v6 =	vadd.s32 v63, v11;
	[tilespmem:s17+$0xFFFFFFE0] =	vst v63  }
0x27a: {  	[tilespmem:s17+$0xFFFFFFD0] =	vst v6  }
0x27b: {  	v5 =	vld [tilespmem:$0x10800]  }
0x27c: {  	(xrf0) =	vadd.scan.msk.s32 $0xffff, v3;
	v3 =	vld [tilespmem:$0x11800];
	_ =	sdelay $0x2  }
0x27d: {  	(xrf0) =	vadd.scan.msk.s32 $0xffff, v4  }
0x27e: {  	(xrf0) =	vadd.scan.msk.s32 $0xffff, v5  }
0x27f: {  	(xrf0) =	vadd.scan.msk.s32 $0xffff, v3;
	_ =	sdelay $0x1  }
0x280: {  	v3, _, _ =	vpop (xrf0)  }
0x281: {  	(v2sf) =	vpush v3, $0xF  }
0x282: {  	v3, _, _ =	vpop (xrf0)  }
0x283: {  	(v2sf) =	vpush v3, $0xF;
	v3, _, _ =	vpop (xrf0)  }
0x284: {  	(v2sf) =	vpush v3, $0xF;
	v3, _, _ =	vpop (xrf0)  }
0x285: {  	(v2sf) =	vpush v3, $0xF;
	_ =	sdelay $0xa  }
0x286: {  	s20 =	spop (v2sf)  }
0x287: {  	p0 =	slt.u32 s0, $0xFF;
	s18 =	ssub.s32 $0xCCC, s20  }
0x288: {  	s3 =	simm.s32 $0x0;
	s21 =	spop (v2sf);
	s18 =	simm.s32 @!p0 $0xCCC  }
0x289: {  	p0 =	slt.u32 s16, $0xFF;
	s17 =	ssub.s32 $0xCCC, s21;
	s22 =	spop (v2sf)  }
0x28a: {  	s17 =	simm.s32 @!p0 $0xCCC;
	p0 =	slt.s32 s22, s18;
	s4 =	spop (v2sf)  }
0x28b: {  	s3 =	simm.s32 @!p0 $0x80;
	p0 =	slt.s32 s4, s17;
	s4 =	simm.s32 $0x0  }
0x28c: {  	s5 =	sor.u32 $0x40, s3;
	s4 =	simm.s32 @!p0 $0x80  }
0x28d: {  	s19 =	sshll.u32 s5, $0x4;
	s20 =	sor.u32 $0x40, s4  }
0x28e: {  	v3 =	vld [tilespmem:s19+$0x10000];
	s30 =	sshll.u32 s20, $0x4  }
0x28f: {  	v4 =	vld [tilespmem:s30+$0x11000];
	_ =	sdelay $0x3  }
0x290: {  	(xrf0) =	vadd.scan.msk.s32 $0xffff, v3  }
0x291: {  	(xrf0) =	vadd.scan.msk.s32 $0xffff, v4;
	_ =	sdelay $0x4  }
0x292: {  	v3, _, _ =	vpop (xrf0)  }
0x293: {  	(v2sf) =	vpush v3, $0xF;
	v3, _, _ =	vpop (xrf0)  }
0x294: {  	(v2sf) =	vpush v3, $0xF;
	_ =	sdelay $0xd  }
0x295: {  	s21 =	spop (v2sf)  }
0x296: {  	p0 =	slt.s32 s21, s18;
	s22 =	spop (v2sf)  }
0x297: {  	s5 =	smov.u32 @p0 s3;
	p0 =	slt.s32 s22, s17  }
0x298: {  	s3 =	sor.u32 $0x20, s5;
	s20 =	smov.u32 @p0 s4  }
0x299: {  	s30 =	sshll.u32 s3, $0x4;
	s19 =	sor.u32 $0x20, s20  }
0x29a: {  	v3 =	vld [tilespmem:s30+$0x10000];
	s21 =	sshll.u32 s19, $0x4  }
0x29b: {  	v4 =	vld [tilespmem:s21+$0x11000];
	_ =	sdelay $0x3  }
0x29c: {  	(xrf0) =	vadd.scan.msk.s32 $0xffff, v3  }
0x29d: {  	(xrf0) =	vadd.scan.msk.s32 $0xffff, v4;
	_ =	sdelay $0x4  }
0x29e: {  	v3, _, _ =	vpop (xrf0)  }
0x29f: {  	(v2sf) =	vpush v3, $0xF;
	v3, _, _ =	vpop (xrf0)  }
0x2a0: {  	(v2sf) =	vpush v3, $0xF;
	_ =	sdelay $0xd  }
0x2a1: {  	s22 =	spop (v2sf)  }
0x2a2: {  	p0 =	slt.s32 s22, s18;
	s30 =	spop (v2sf)  }
0x2a3: {  	s3 =	smov.u32 @p0 s5;
	p0 =	slt.s32 s30, s17  }
0x2a4: {  	s22 =	sor.u32 $0x10, s3;
	s19 =	smov.u32 @p0 s20  }
0x2a5: {  	s5 =	sshll.u32 s22, $0x4;
	s21 =	sor.u32 $0x10, s19  }
0x2a6: {  	s4 =	sand.u32 $0x3FFFFFF0, s5;
	s20 =	sshll.u32 s21, $0x4  }
0x2a7: {  	v3 =	vld [tilespmem:s4+$0x10000];
	s4 =	sand.u32 $0x3FFFFFF0, s20  }
0x2a8: {  	v4 =	vld [tilespmem:s4+$0x11000];
	_ =	sdelay $0x3  }
0x2a9: {  	(xrf0) =	vadd.scan.msk.s32 $0xffff, v3  }
0x2aa: {  	(xrf0) =	vadd.scan.msk.s32 $0xffff, v4;
	_ =	sdelay $0x4  }
0x2ab: {  	v3, _, _ =	vpop (xrf0)  }
0x2ac: {  	(v2sf) =	vpush v3, $0xF;
	v3, _, _ =	vpop (xrf0)  }
0x2ad: {  	(v2sf) =	vpush v3, $0xF;
	_ =	sdelay $0xd  }
0x2ae: {  	s30 =	spop (v2sf)  }
0x2af: {  	p0 =	slt.s32 s30, s18;
	s5 =	spop (v2sf)  }
0x2b0: {  	s22 =	smov.u32 @p0 s3;
	p0 =	slt.s32 s5, s17  }
0x2b1: {  	s3 =	sadd.s32 $0x8, s22;
	s21 =	smov.u32 @p0 s19  }
0x2b2: {  	s20 =	smin.u32 s3, $0xFF;
	s5 =	sadd.s32 $0x8, s21  }
0x2b3: {  	s4 =	sshll.u32 s20, $0x4;
	s30 =	smin.u32 s5, $0xFF  }
0x2b4: {  	v3 =	vld [tilespmem:s4+$0x10000];
	s4 =	sshll.u32 s30, $0x4  }
0x2b5: {  	v4 =	vld [tilespmem:s4+$0x11000];
	_ =	sdelay $0x3  }
0x2b6: {  	(xrf0) =	vadd.scan.msk.s32 $0xffff, v3  }
0x2b7: {  	(xrf0) =	vadd.scan.msk.s32 $0xffff, v4;
	_ =	sdelay $0x4  }
0x2b8: {  	v3, _, _ =	vpop (xrf0)  }
0x2b9: {  	(v2sf) =	vpush v3, $0xF;
	v3, _, _ =	vpop (xrf0)  }
0x2ba: {  	(v2sf) =	vpush v3, $0xF;
	_ =	sdelay $0xd  }
0x2bb: {  	p1 =	slt.u32 s22, $0xF8;
	s19 =	spop (v2sf)  }
0x2bc: {  	s4 =	smov.u32 s22;
	p0 =	sge.s32 s19, s18;
	s20 =	spop (v2sf)  }
0x2bd: {  	s4 =	smov.u32 @p0 s3;
	p0 =	sge.s32 s20, s17;
	s3 =	smov.u32 s21  }
0x2be: {  	s22 =	smov.u32 @p1 s4;
	p1 =	slt.u32 s21, $0xF8;
	s3 =	smov.u32 @p0 s5  }
0x2bf: {  	s4 =	sadd.s32 $0x4, s22;
	s21 =	smov.u32 @p1 s3  }
0x2c0: {  	s30 =	smin.u32 s4, $0xFF;
	s5 =	sadd.s32 $0x4, s21  }
0x2c1: {  	s3 =	sshll.u32 s30, $0x4;
	s19 =	smin.u32 s5, $0xFF  }
0x2c2: {  	v3 =	vld [tilespmem:s3+$0x10000];
	s3 =	sshll.u32 s19, $0x4  }
0x2c3: {  	v4 =	vld [tilespmem:s3+$0x11000];
	_ =	sdelay $0x3  }
0x2c4: {  	(xrf0) =	vadd.scan.msk.s32 $0xffff, v3  }
0x2c5: {  	(xrf0) =	vadd.scan.msk.s32 $0xffff, v4;
	_ =	sdelay $0x4  }
0x2c6: {  	v3, _, _ =	vpop (xrf0)  }
0x2c7: {  	(v2sf) =	vpush v3, $0xF;
	v3, _, _ =	vpop (xrf0)  }
0x2c8: {  	(v2sf) =	vpush v3, $0xF;
	_ =	sdelay $0xc  }
0x2c9: {  	p0 =	slt.u32 s22, $0xFC;
	s19 =	smov.u32 s22  }
0x2ca: {  	s19 =	smov.u32 @p0 s4;
	p0 =	slt.u32 s21, $0xFC;
	s20 =	spop (v2sf)  }
0x2cb: {  	s4 =	smov.u32 s21;
	p1 =	sge.s32 s20, s18;
	s30 =	spop (v2sf)  }
0x2cc: {  	s4 =	smov.u32 @p0 s5;
	s22 =	smov.u32 @p1 s19;
	p1 =	sge.s32 s30, s17  }
0x2cd: {  	s3 =	sadd.s32 $0x2, s22;
	s21 =	smov.u32 @p1 s4  }
0x2ce: {  	s19 =	smin.u32 s3, $0xFF;
	s5 =	sadd.s32 $0x2, s21  }
0x2cf: {  	s4 =	sshll.u32 s19, $0x4;
	s20 =	smin.u32 s5, $0xFF  }
0x2d0: {  	v3 =	vld [tilespmem:s4+$0x10000];
	s4 =	sshll.u32 s20, $0x4  }
0x2d1: {  	v4 =	vld [tilespmem:s4+$0x11000];
	_ =	sdelay $0x3  }
0x2d2: {  	(xrf0) =	vadd.scan.msk.s32 $0xffff, v3  }
0x2d3: {  	(xrf0) =	vadd.scan.msk.s32 $0xffff, v4;
	_ =	sdelay $0x4  }
0x2d4: {  	v3, _, _ =	vpop (xrf0)  }
0x2d5: {  	(v2sf) =	vpush v3, $0xF;
	v3, _, _ =	vpop (xrf0)  }
0x2d6: {  	(v2sf) =	vpush v3, $0xF;
	_ =	sdelay $0xc  }
0x2d7: {  	p0 =	slt.u32 s22, $0xFE;
	s19 =	smov.u32 s22  }
0x2d8: {  	s19 =	smov.u32 @p0 s3;
	p0 =	slt.u32 s21, $0xFE;
	s30 =	spop (v2sf)  }
0x2d9: {  	s4 =	smov.u32 s21;
	p1 =	sge.s32 s30, s18;
	s20 =	spop (v2sf)  }
0x2da: {  	s4 =	smov.u32 @p0 s5;
	s22 =	smov.u32 @p1 s19;
	p1 =	sge.s32 s20, s17  }
0x2db: {  	s3 =	sadd.s32 $0x1, s22;
	s21 =	smov.u32 @p1 s4  }
0x2dc: {  	s30 =	smin.u32 s3, $0xFF;
	s5 =	sadd.s32 $0x1, s21  }
0x2dd: {  	s4 =	sshll.u32 s30, $0x4;
	s19 =	smin.u32 s5, $0xFF  }
0x2de: {  	v3 =	vld [tilespmem:s4+$0x10000];
	s4 =	sshll.u32 s19, $0x4  }
0x2df: {  	v4 =	vld [tilespmem:s4+$0x11000];
	_ =	sdelay $0x3  }
0x2e0: {  	(xrf0) =	vadd.scan.msk.s32 $0xffff, v3  }
0x2e1: {  	(xrf0) =	vadd.scan.msk.s32 $0xffff, v4;
	_ =	sdelay $0x4  }
0x2e2: {  	v3, _, _ =	vpop (xrf0)  }
0x2e3: {  	(v2sf) =	vpush v3, $0xF;
	v3, _, _ =	vpop (xrf0)  }
0x2e4: {  	(v2sf) =	vpush v3, $0xF;
	_ =	sdelay $0xc  }
0x2e5: {  	p0 =	slt.u32 s22, $0xFF;
	s4 =	smov.u32 s22  }
0x2e6: {  	s4 =	smov.u32 @p0 s3;
	p0 =	slt.u32 s21, $0xFF;
	s20 =	spop (v2sf)  }
0x2e7: {  	s3 =	smov.u32 s21;
	p1 =	sge.s32 s20, s18;
	s30 =	spop (v2sf)  }
0x2e8: {  	s3 =	smov.u32 @p0 s5;
	s22 =	smov.u32 @p1 s4;
	p1 =	sge.s32 s30, s17  }
0x2e9: {  	s21 =	smov.u32 @p1 s3;
	s19 =	smin.u32 s22, $0xFE  }
0x2ea: {  	s3 =	sshll.u32 s19, $0x4;
	s20 =	smin.u32 s21, $0xFE  }
0x2eb: {  	s4 =	simm.s32 $0x10040;
	v3 =	vld [tilespmem:s3+$0x10010];
	s30 =	sshll.u32 s20, $0x4  }
0x2ec: {  	v4 =	vld [tilespmem:s30+$0x11010];
	[tilespmem:s4+$0x30] =	vst v0  }
0x2ed: {  	[tilespmem:s4+$0xFFFFFFF0] =	vst v0  }
0x2ee: {  	[tilespmem:s4+$0xFFFFFFC0] =	vst v0  }
0x2ef: {  	[tilespmem:s4+$0xFFFFFFE0] =	vst v0  }
0x2f0: {  	[tilespmem:s4+$0x10] =	vst v0  }
0x2f1: {  	[tilespmem:s4+$0x20] =	vst v0  }
0x2f2: {  	[tilespmem:s4+$0x0] =	vst v0  }
0x2f3: {  	s3 =	simm.s32 $0x11040;
	[tilespmem:s4+$0xFFFFFFD0] =	vst v0  }
0x2f4: {  	[tilespmem:s3+$0xFFFFFFC0] =	vst v0  }
0x2f5: {  	[tilespmem:s3+$0x30] =	vst v0  }
0x2f6: {  	[tilespmem:s3+$0x20] =	vst v0  }
0x2f7: {  	[tilespmem:s3+$0x10] =	vst v0  }
0x2f8: {  	[tilespmem:s3+$0xFFFFFFE0] =	vst v0  }
0x2f9: {  	[tilespmem:s3+$0x0] =	vst v0  }
0x2fa: {  	s5 =	simm.s32 $0x0;
	[tilespmem:s3+$0xFFFFFFF0] =	vst v0  }
.LBB2_20:
0x2fb: {  	s5 =	sadd.s32 $0x8, s5;
	[tilespmem:s3+$0xFFFFFFD0] =	vst v0;
	s4 =	sadd.s32 $0x80, s4;
	s3 =	sadd.s32 $0x80, s3  }
0x2fc: {  	[tilespmem:s4+$0x30] =	vst v0;
	p0 =	slt.u32 s5, $0xF8  }
0x2fd: {  	[tilespmem:s4+$0xFFFFFFF0] =	vst v0  }
0x2fe: {  	[tilespmem:s4+$0xFFFFFFC0] =	vst v0  }
0x2ff: {  	[tilespmem:s3+$0xFFFFFFC0] =	vst v0  }
0x300: {  	[tilespmem:s3+$0x30] =	vst v0  }
0x301: {  	[tilespmem:s4+$0xFFFFFFE0] =	vst v0  }
0x302: {  	[tilespmem:s4+$0x10] =	vst v0  }
0x303: {  	[tilespmem:s4+$0x20] =	vst v0  }
0x304: {  	[tilespmem:s3+$0x20] =	vst v0  }
0x305: {  	[tilespmem:s3+$0x10] =	vst v0  }
.Ltmp9:
0x306: {  	[tilespmem:s3+$0xFFFFFFE0] =	vst v0;
	(pc) =	sbr.rel @p0 .LBB2_20-.Ltmp9, $4  }
0x307: {  	[tilespmem:s4+$0x0] =	vst v0  }
0x308: {  	[tilespmem:s3+$0x0] =	vst v0  }
0x309: {  	[tilespmem:s3+$0xFFFFFFF0] =	vst v0  }
0x30a: {  	[tilespmem:s4+$0xFFFFFFD0] =	vst v0  }
0x30b: {  	[tilespmem:s3+$0xFFFFFFD0] =	vst v0;
	s5 =	sshll.u32 s16, $0x8;
	s16 =	simm.s32 $0x40  }
0x30c: {  	v7 =	vld [tilespmem:s16+$0x30]  }
0x30d: {  	v8 =	vld [tilespmem:s16+$0x10]  }
0x30e: {  	v9 =	vld [tilespmem:s16+$0x20]  }
0x30f: {  	v10 =	vld [tilespmem:s16+$0x0]  }
0x310: {  	s0 =	sshll.u32 s0, $0x8;
	v11 =	vld [tilespmem:s16+$0xFFFFFFF0]  }
0x311: {  	s19 =	sor.u32 s0, s22;
	s20 =	sor.u32 s5, s21  }
0x312: {  	v6 =	vmov s19;
	v5 =	vmov s20  }
0x313: {  	v12 =	vld [tilespmem:s16+$0xFFFFFFE0];
	v13 =	vshrl.u32 v8, $0x3;
	v14 =	vshrl.u32 v7, $0x3;
	v7 =	vshrl.u32 v7, $0xF  }
0x314: {  	v15 =	vld [tilespmem:s16+$0xFFFFFFD0];
	v16 =	vshrl.u32 v9, $0x3;
	v9 =	vshrl.u32 v9, $0xF;
	v8 =	vshrl.u32 v8, $0xF  }
0x315: {  	v26 =	vshrl.u32 v11, $0xF;
	v17 =	vshrl.u32 v10, $0x3;
	v11 =	vshrl.u32 v11, $0x3  }
0x316: {  	v10 =	vshrl.u32 v10, $0xF;
	v7 =	vand.u32 $0xFFFF, v7;
	v9 =	vand.u32 $0xFFFF, v9  }
0x317: {  	v14 =	vand.u32 $0xFF0, v14;
	v8 =	vand.u32 $0xFFFF, v8;
	v18 =	vand.u32 $0xFF0, v16  }
0x318: {  	v25 =	vand.u32 $0xFF0, v13;
	vm1 =	veq.s32 v9, v6;
	v9 =	vor.u32 v1, v14  }
0x319: {  	s0 =	simm.s32 $0x8040;
	v20 =	vld [tilespmem:s16+$0xFFFFFFC0];
	vm2 =	veq.s32 v7, v6;
	v7 =	vshrl.u32 v12, $0x3;
	v14 =	vshrl.u32 v15, $0xF  }
0x31a: {  	v21 =	vld [tilespmem:s0+$0x20];
	v16 =	vand.u32 $0xFF0, v7;
	v7 =	vshrl.u32 v15, $0x3;
	v13 =	vand.u32 $0xFFFF, v14  }
0x31b: {  	vm0 =	veq.s32 v8, v6;
	v8 =	vld [tilespmem:s0+$0xFFFFFFD0];
	vm4 =	veq.s32 v13, v6;
	v7 =	vand.u32 $0xFF0, v7  }
0x31c: {  	v22 =	vand.u32 $0xFF0, v11;
	v11 =	vshrl.u32 v12, $0xF;
	v27 =	vor.u32 v1, v7;
	v7 =	vld [tilespmem:s0+$0xFFFFFFE0]  }
0x31d: {  	v24 =	vld [tilespmem:s0+$0xFFFFFFF0];
	v23 =	vand.u32 $0xFFFF, v10;
	v10 =	vand.u32 $0xFF0, v17;
	v26 =	vand.u32 $0xFFFF, v26  }
0x31e: {  	v12 =	vshrl.u32 v20, $0x3;
	vm3 =	veq.s32 v23, v6;
	v20 =	vshrl.u32 v20, $0xF;
	v14 =	vld [tilespmem:s0+$0x30]  }
0x31f: {  	v19 =	vld [tilespmem:s0+$0x0];
	v18 =	vor.u32 v1, v18;
	v15 =	vand.u32 $0xFFFF, v11;
	v11 =	vor.u32 v1, v10  }
0x320: {  	v23 =	vld [tilespmem:s0+$0x10];
	v10 =	vor.u32 v1, v16;
	v13 =	vshrl.u32 v8, $0x3;
	v8 =	vshrl.u32 v8, $0xF  }
0x321: {  	s30 =	simm.s32 $0x0;
	s3 =	simm.s32 $0xC0;
	s16 =	simm.s32 $0x8040;
	v16 =	vor.u32 v1, v25;
	v17 =	vand.u32 $0xFFFF, v8;
	[tilespmem:v27+s24+$0x0] =	vst.idx.add.s32.msk vm4, v2;
	v25 =	vshrl.u32 v7, $0xF  }
.LBB2_22:
0x322: {  	v27 =	vld [tilespmem:s3+$0x30];
	s30 =	sadd.s32 $0x8, s30;
	v8 =	vand.u32 $0xFF0, v13;
	vm5 =	veq.s32 v26, v6;
	v22 =	vor.u32 v1, v22;
	s0 =	sadd.s32 $0x80, s0  }
0x323: {  	v28 =	vshrl.u32 v21, $0x3;
	v29 =	vshrl.u32 v14, $0x3;
	v13 =	vld [tilespmem:s3+$0x0];
	p0 =	slt.u32 s30, $0x7F8;
	v26 =	vshrl.u32 v24, $0xF  }
0x324: {  	v24 =	vshrl.u32 v24, $0x3;
	v30 =	vld [tilespmem:s3+$0x10];
	v26 =	vand.u32 $0xFFFF, v26;
	v31 =	vshrl.u32 v19, $0xF  }
0x325: {  	v21 =	vshrl.u32 v21, $0xF;
	v32 =	vld [tilespmem:s3+$0x20];
	vm4 =	veq.s32 v26, v5;
	v26 =	vand.u32 $0xFF0, v28  }
0x326: {  	v14 =	vshrl.u32 v14, $0xF;
	v24 =	vand.u32 $0xFF0, v24;
	v26 =	vor.u32 v1, v26;
	[tilespmem:v9+s24+$0x0] =	vst.idx.add.s32.msk vm2, v2  }
0x327: {  	v25 =	vand.u32 $0xFFFF, v25;
	v28 =	vshrl.u32 v23, $0x3;
	v23 =	vshrl.u32 v23, $0xF;
	v9 =	vld [tilespmem:s16+$0xFFFFFFC0];
	s16 =	smov.u32 s0  }
0x328: {  	v20 =	vand.u32 $0xFFFF, v20;
	v19 =	vshrl.u32 v19, $0x3;
	v28 =	vand.u32 $0xFF0, v28;
	v33 =	vld [tilespmem:s3+$0xFFFFFFF0]  }
0x329: {  	vm7 =	veq.s32 v15, v6;
	v15 =	vand.u32 $0xFFFF, v31;
	v28 =	vor.u32 v1, v28;
	[tilespmem:v18+s24+$0x0] =	vst.idx.add.s32.msk vm1, v2  }
0x32a: {  	v18 =	vor.u32 v1, v24;
	vm1 =	veq.s32 v15, v5;
	v15 =	vand.u32 $0xFF0, v19;
	[tilespmem:v16+s24+$0x0] =	vst.idx.add.s32.msk vm0, v2  }
0x32b: {  	vm8 =	veq.s32 v17, v5;
	v14 =	vand.u32 $0xFFFF, v14;
	vm0 =	veq.s32 v20, v6;
	[tilespmem:v22+s24+$0x0] =	vst.idx.add.s32.msk vm5, v2  }
0x32c: {  	v8 =	vor.u32 v1, v8;
	vm6 =	veq.s32 v14, v5;
	v15 =	vor.u32 v1, v15;
	v16 =	vld [tilespmem:s0+$0xFFFFFFD0]  }
0x32d: {  	v12 =	vand.u32 $0xFF0, v12;
	v14 =	vand.u32 $0xFF0, v29;
	[tilespmem:v11+s24+$0x0] =	vst.idx.add.s32.msk vm3, v2;
	v11 =	vand.u32 $0xFFFF, v23  }
0x32e: {  	v14 =	vor.u32 v1, v14;
	v17 =	vld [tilespmem:s3+$0xFFFFFFD0];
	vm2 =	veq.s32 v11, v5;
	v11 =	vand.u32 $0xFFFF, v21  }
0x32f: {  	v7 =	vshrl.u32 v7, $0x3;
	vm3 =	veq.s32 v25, v5;
	[tilespmem:v10+s24+$0x0] =	vst.idx.add.s32.msk vm7, v2;
	vm5 =	veq.s32 v11, v5  }
0x330: {  	v7 =	vand.u32 $0xFF0, v7;
	v10 =	vshrl.u32 v9, $0xF;
	v11 =	vor.u32 v1, v12;
	[tilespmem:v18+s25+$0x0] =	vst.idx.add.s32.msk vm4, v2  }
0x331: {  	v7 =	vor.u32 v1, v7;
	v9 =	vshrl.u32 v9, $0x3;
	v10 =	vand.u32 $0xFFFF, v10;
	[tilespmem:v8+s25+$0x0] =	vst.idx.add.s32.msk vm8, v2  }
0x332: {  	v9 =	vand.u32 $0xFF0, v9;
	vm4 =	veq.s32 v10, v5;
	[tilespmem:v15+s25+$0x0] =	vst.idx.add.s32.msk vm1, v2  }
0x333: {  	v8 =	vimm.s32 $0x0;
	v12 =	vor.u32 v1, v9;
	v10 =	vld [tilespmem:s3+$0xFFFFFFE0]  }
0x334: {  	v18 =	vshrl.u32 v27, $0xF;
	v9 =	vshrl.u32 v27, $0x3;
	v15 =	vshrl.u32 v30, $0x3;
	[tilespmem:v14+s25+$0x0] =	vst.idx.add.s32.msk vm6, v2  }
0x335: {  	v19 =	vshrl.u32 v32, $0xF;
	v18 =	vand.u32 $0xFFFF, v18;
	v14 =	vshrl.u32 v32, $0x3;
	[tilespmem:v11+s24+$0x0] =	vst.idx.add.s32.msk vm0, v2  }
0x336: {  	v19 =	vand.u32 $0xFFFF, v19;
	v9 =	vand.u32 $0xFF0, v9;
	v11 =	vshrl.u32 v30, $0xF;
	[tilespmem:v28+s25+$0x0] =	vst.idx.add.s32.msk vm2, v2  }
0x337: {  	vm1 =	veq.s32 v19, v6;
	v9 =	vor.u32 v1, v9;
	v11 =	vand.u32 $0xFFFF, v11;
	[tilespmem:v26+s25+$0x0] =	vst.idx.add.s32.msk vm5, v2  }
0x338: {  	vm2 =	veq.s32 v18, v6;
	v26 =	vshrl.u32 v33, $0xF;
	vm0 =	veq.s32 v11, v6;
	[tilespmem:v7+s25+$0x0] =	vst.idx.add.s32.msk vm3, v2  }
0x339: {  	v18 =	vand.u32 $0xFF0, v14;
	v11 =	vshrl.u32 v13, $0x3;
	v7 =	vshrl.u32 v10, $0x3;
	[tilespmem:v12+s25+$0x0] =	vst.idx.add.s32.msk vm4, v2  }
0x33a: {  	v25 =	vand.u32 $0xFF0, v15;
	v12 =	vshrl.u32 v17, $0xF;
	v19 =	vand.u32 $0xFF0, v7  }
0x33b: {  	v14 =	vshrl.u32 v33, $0x3;
	v7 =	vshrl.u32 v17, $0x3;
	v12 =	vand.u32 $0xFFFF, v12;
	v20 =	vld [tilespmem:s3+$0xFFFFFFC0]  }
0x33c: {  	v22 =	vand.u32 $0xFF0, v14;
	v7 =	vand.u32 $0xFF0, v7;
	vm4 =	veq.s32 v12, v6;
	v14 =	vld [tilespmem:s0+$0x30]  }
0x33d: {  	v10 =	vshrl.u32 v10, $0xF;
	v27 =	vor.u32 v1, v7;
	v12 =	vshrl.u32 v13, $0xF;
	v7 =	vld [tilespmem:s0+$0xFFFFFFE0]  }
.Ltmp10:
0x33e: {  	v11 =	vand.u32 $0xFF0, v11;
	v13 =	vshrl.u32 v16, $0x3;
	v17 =	vand.u32 $0xFFFF, v12;
	v21 =	vld [tilespmem:s0+$0x20];
	(pc) =	sbr.rel @p0 .LBB2_22-.Ltmp10, $4  }
0x33f: {  	v28 =	vshrl.u32 v16, $0xF;
	v15 =	vand.u32 $0xFFFF, v10;
	v11 =	vor.u32 v1, v11;
	v24 =	vld [tilespmem:s0+$0xFFFFFFF0]  }
0x340: {  	v10 =	vor.u32 v1, v19;
	vm3 =	veq.s32 v17, v6;
	v12 =	vshrl.u32 v20, $0x3;
	v19 =	vld [tilespmem:s0+$0x0]  }
0x341: {  	v18 =	vor.u32 v1, v18;
	v16 =	vor.u32 v1, v25;
	v20 =	vshrl.u32 v20, $0xF;
	v23 =	vld [tilespmem:s0+$0x10]  }
0x342: {  	s5 =	simm.s32 $0x10FF0;
	s4 =	simm.s32 $0x11FF0;
	v26 =	vand.u32 $0xFFFF, v26;
	s3 =	sadd.s32 $0x80, s3;
	v17 =	vand.u32 $0xFFFF, v28;
	[tilespmem:v27+s24+$0x0] =	vst.idx.add.s32.msk vm4, v2;
	v25 =	vshrl.u32 v7, $0xF  }
0x343: {  	v13 =	vand.u32 $0xFF0, v13;
	vm5 =	veq.s32 v26, v6  }
0x344: {  	v22 =	vor.u32 v1, v22;
	v27 =	vshrl.u32 v21, $0x3;
	v28 =	vshrl.u32 v14, $0x3  }
0x345: {  	v60 =	vshrl.u32 v21, $0xF;
	v14 =	vshrl.u32 v14, $0xF;
	v25 =	vand.u32 $0xFFFF, v25  }
0x346: {  	v20 =	vand.u32 $0xFFFF, v20;
	vm9 =	veq.s32 v15, v6;
	vm7 =	veq.s32 v17, v5  }
0x347: {  	v12 =	vand.u32 $0xFF0, v12;
	v7 =	vshrl.u32 v7, $0x3;
	v57 =	vshrl.u32 v24, $0xF  }
0x348: {  	v58 =	vshrl.u32 v24, $0x3;
	v59 =	vand.u32 $0xFF0, v27;
	vm10 =	veq.s32 v20, v6  }
0x349: {  	[tilespmem:v11+s24+$0x0] =	vst.idx.add.s32.msk vm3, v2;
	v6 =	vand.u32 $0xFFFF, v14;
	v13 =	vor.u32 v1, v13;
	v11 =	vand.u32 $0xFFFF, v60  }
0x34a: {  	vm13 =	veq.s32 v25, v5;
	v7 =	vand.u32 $0xFF0, v7;
	v26 =	vand.u32 $0xFFFF, v57  }
0x34b: {  	[tilespmem:v9+s24+$0x0] =	vst.idx.add.s32.msk vm2, v2;
	v29 =	vshrl.u32 v19, $0xF;
	v24 =	vand.u32 $0xFF0, v58;
	v19 =	vshrl.u32 v19, $0x3  }
0x34c: {  	v63 =	vld [tilespmem:s16+$0xFFFFFFC0];
	vm11 =	veq.s32 v6, v5;
	vm14 =	veq.s32 v11, v5;
	v7 =	vor.u32 v1, v7  }
0x34d: {  	[tilespmem:v18+s24+$0x0] =	vst.idx.add.s32.msk vm1, v2;
	vm4 =	veq.s32 v26, v5;
	v26 =	vor.u32 v1, v59;
	v61 =	vshrl.u32 v23, $0x3  }
0x34e: {  	[tilespmem:v16+s24+$0x0] =	vst.idx.add.s32.msk vm0, v2;
	v62 =	vshrl.u32 v23, $0xF;
	v15 =	vand.u32 $0xFFFF, v29;
	v24 =	vor.u32 v1, v24  }
0x34f: {  	v9 =	vand.u32 $0xFF0, v61;
	vm6 =	veq.s32 v15, v5;
	v15 =	vand.u32 $0xFF0, v19;
	[tilespmem:v22+s24+$0x0] =	vst.idx.add.s32.msk vm5, v2  }
0x350: {  	v6 =	vand.u32 $0xFFFF, v62;
	v14 =	vor.u32 v1, v15;
	v15 =	vand.u32 $0xFF0, v28;
	[tilespmem:v10+s24+$0x0] =	vst.idx.add.s32.msk vm9, v2  }
0x351: {  	vm12 =	veq.s32 v6, v5;
	v11 =	vshrl.u32 v63, $0xF;
	v6 =	vor.u32 v1, v15;
	[tilespmem:v13+s25+$0x0] =	vst.idx.add.s32.msk vm7, v2  }
0x352: {  	v10 =	vor.u32 v1, v12;
	v12 =	vshrl.u32 v63, $0x3;
	v11 =	vand.u32 $0xFFFF, v11;
	[tilespmem:v7+s25+$0x0] =	vst.idx.add.s32.msk vm13, v2  }
0x353: {  	v9 =	vor.u32 v1, v9;
	vm15 =	veq.s32 v11, v5;
	v5 =	vand.u32 $0xFF0, v12;
	[tilespmem:v26+s25+$0x0] =	vst.idx.add.s32.msk vm14, v2  }
0x354: {  	v5 =	vor.u32 v1, v5;
	[tilespmem:v24+s25+$0x0] =	vst.idx.add.s32.msk vm4, v2  }
0x355: {  	[tilespmem:v14+s25+$0x0] =	vst.idx.add.s32.msk vm6, v2  }
0x356: {  	[tilespmem:v6+s25+$0x0] =	vst.idx.add.s32.msk vm11, v2  }
0x357: {  	[tilespmem:v10+s24+$0x0] =	vst.idx.add.s32.msk vm10, v2  }
0x358: {  	[tilespmem:v9+s25+$0x0] =	vst.idx.add.s32.msk vm12, v2  }
0x359: {  	[tilespmem:v5+s25+$0x0] =	vst.idx.add.s32.msk vm15, v2  }
0x35a: {  	v11 =	vld [tilespmem:s5+$0xFFFFFFD0]  }
0x35b: {  	v12 =	vld [tilespmem:s5+$0xFFFFFFE0]  }
0x35c: {  	v10 =	vld [tilespmem:s5+$0xFFFFFFF0]  }
0x35d: {  	v6 =	vld [tilespmem:s5+$0x0]  }
0x35e: {  	v7 =	vld [tilespmem:s4+$0x0]  }
0x35f: {  	v13 =	vld [tilespmem:s4+$0xFFFFFFF0]  }
0x360: {  	v14 =	vld [tilespmem:s4+$0xFFFFFFE0]  }
0x361: {  	s0 =	simm.s32 $0x10FB0;
	v15 =	vld [tilespmem:s4+$0xFFFFFFD0]  }
0x362: {  	v5 =	vld [tilespmem:s0+$0xFFFFFFD0]  }
0x363: {  	v9 =	vld [tilespmem:s0+$0xFFFFFFE0];
	v16 =	vadd.s32 v8, v6  }
0x364: {  	v7 =	vadd.s32 v8, v7;
	v6 =	vld [tilespmem:s0+$0xFFFFFFF0];
	[tilespmem:s5+$0x0] =	vst v16;
	v16 =	vadd.s32 v16, v10  }
0x365: {  	s3 =	simm.s32 $0x11FB0;
	v8 =	vld [tilespmem:s0+$0x0];
	v10 =	vadd.s32 v7, v13;
	[tilespmem:s5+$0xFFFFFFF0] =	vst v16;
	v13 =	vadd.s32 v16, v12  }
0x366: {  	v12 =	vld [tilespmem:s3+$0x0];
	[tilespmem:s5+$0xFFFFFFE0] =	vst v13;
	v16 =	vadd.s32 v13, v11  }
0x367: {  	v17 =	vadd.s32 v10, v14;
	v13 =	vld [tilespmem:s3+$0xFFFFFFF0];
	[tilespmem:s5+$0xFFFFFFD0] =	vst v16  }
0x368: {  	v14 =	vld [tilespmem:s3+$0xFFFFFFE0];
	v15 =	vadd.s32 v17, v15;
	[tilespmem:s4+$0xFFFFFFE0] =	vst v17  }
0x369: {  	s16 =	simm.s32 $0x10F70;
	v11 =	vld [tilespmem:s3+$0xFFFFFFD0];
	s5 =	simm.s32 $0x4;
	[tilespmem:s4+$0xFFFFFFD0] =	vst v15  }
.LBB2_24:
0x36a: {  	v17 =	vld [tilespmem:s16+$0xFFFFFFD0];
	[tilespmem:s4+$0xFFFFFFF0] =	vst v10  }
0x36b: {  	v8 =	vadd.s32 v16, v8;
	s5 =	sadd.s32 $0x4, s5;
	v18 =	vld [tilespmem:s16+$0xFFFFFFE0];
	[tilespmem:s4+$0x0] =	vst v7;
	v7 =	vadd.s32 v15, v12;
	s4 =	smov.u32 s3  }
0x36c: {  	v12 =	vadd.s32 v8, v6;
	p0 =	slt.u32 s5, $0xFC;
	[tilespmem:s0+$0x0] =	vst v8;
	v6 =	vld [tilespmem:s16+$0xFFFFFFF0];
	v10 =	vadd.s32 v7, v13  }
.Ltmp11:
0x36d: {  	s3 =	sadd.s32 $0xFFFFFFC0, s3;
	v9 =	vadd.s32 v12, v9;
	v8 =	vld [tilespmem:s16+$0x0];
	[tilespmem:s0+$0xFFFFFFF0] =	vst v12;
	v19 =	vadd.s32 v10, v14;
	(pc) =	sbr.rel @p0 .LBB2_24-.Ltmp11, $4  }
0x36e: {  	v16 =	vadd.s32 v9, v5;
	v12 =	vld [tilespmem:s3+$0x0];
	[tilespmem:s0+$0xFFFFFFE0] =	vst v9;
	v15 =	vadd.s32 v19, v11  }
0x36f: {  	v13 =	vld [tilespmem:s3+$0xFFFFFFF0];
	[tilespmem:s0+$0xFFFFFFD0] =	vst v16;
	v5 =	vmov v17;
	s0 =	smov.u32 s16  }
0x370: {  	v14 =	vld [tilespmem:s3+$0xFFFFFFE0];
	[tilespmem:s4+$0xFFFFFFD0] =	vst v15;
	v9 =	vmov v18  }
0x371: {  	s16 =	sadd.s32 $0xFFFFFFC0, s16;
	v11 =	vld [tilespmem:s3+$0xFFFFFFD0];
	[tilespmem:s4+$0xFFFFFFE0] =	vst v19  }
0x372: {  	[tilespmem:s4+$0xFFFFFFF0] =	vst v10  }
0x373: {  	v8 =	vadd.s32 v16, v8;
	[tilespmem:s4+$0x0] =	vst v7  }
0x374: {  	[tilespmem:s0+$0x0] =	vst v8;
	v6 =	vadd.s32 v8, v6  }
0x375: {  	v7 =	vadd.s32 v15, v12;
	[tilespmem:s0+$0xFFFFFFF0] =	vst v6  }
0x376: {  	v6 =	vadd.s32 v6, v9;
	[tilespmem:s3+$0x0] =	vst v7  }
0x377: {  	v62 =	vadd.s32 v7, v13;
	[tilespmem:s0+$0xFFFFFFE0] =	vst v6  }
0x378: {  	v5 =	vadd.s32 v6, v5;
	[tilespmem:s3+$0xFFFFFFF0] =	vst v62  }
0x379: {  	v63 =	vadd.s32 v62, v14;
	[tilespmem:s0+$0xFFFFFFD0] =	vst v5  }
0x37a: {  	v6 =	vadd.s32 v63, v11;
	[tilespmem:s3+$0xFFFFFFE0] =	vst v63  }
0x37b: {  	[tilespmem:s3+$0xFFFFFFD0] =	vst v6  }
0x37c: {  	v5 =	vld [tilespmem:$0x10800]  }
0x37d: {  	v6 =	vld [tilespmem:$0x11800];
	_ =	sdelay $0x1  }
0x37e: {  	(xrf0) =	vadd.scan.msk.s32 $0xffff, v3  }
0x37f: {  	(xrf0) =	vadd.scan.msk.s32 $0xffff, v4  }
0x380: {  	(xrf0) =	vadd.scan.msk.s32 $0xffff, v5  }
0x381: {  	(xrf0) =	vadd.scan.msk.s32 $0xffff, v6;
	_ =	sdelay $0x2  }
0x382: {  	v3, _, _ =	vpop (xrf0)  }
0x383: {  	v4, _, _ =	vpop (xrf0);
	(v2sf) =	vpush v3, $0xF  }
0x384: {  	(v2sf) =	vpush v4, $0xF;
	v3, _, _ =	vpop (xrf0)  }
0x385: {  	(v2sf) =	vpush v3, $0xF;
	v3, _, _ =	vpop (xrf0)  }
0x386: {  	(v2sf) =	vpush v3, $0xF;
	_ =	sdelay $0xb  }
0x387: {  	p0 =	slt.u32 s22, $0xFF;
	s4 =	simm.s32 $0x0;
	s0 =	spop (v2sf)  }
0x388: {  	s3 =	spop (v2sf);
	s0 =	simm.s32 @!p0 $0x0;
	p0 =	slt.u32 s21, $0xFF  }
0x389: {  	s16 =	ssub.s32 s18, s0;
	s3 =	simm.s32 @!p0 $0x0;
	s21 =	spop (v2sf)  }
0x38a: {  	s0 =	ssub.s32 s17, s3;
	p0 =	slt.s32 s21, s16;
	s22 =	spop (v2sf)  }
0x38b: {  	s3 =	simm.s32 $0x0;
	s4 =	simm.s32 @!p0 $0x80;
	p0 =	slt.s32 s22, s0  }
0x38c: {  	s5 =	sor.u32 $0x40, s4;
	s3 =	simm.s32 @!p0 $0x80  }
0x38d: {  	s30 =	sshll.u32 s5, $0x4;
	s21 =	sor.u32 $0x40, s3  }
0x38e: {  	v3 =	vld [tilespmem:s30+$0x10000];
	s18 =	sshll.u32 s21, $0x4  }
0x38f: {  	v4 =	vld [tilespmem:s18+$0x11000];
	_ =	sdelay $0x3  }
0x390: {  	(xrf0) =	vadd.scan.msk.s32 $0xffff, v3  }
0x391: {  	(xrf0) =	vadd.scan.msk.s32 $0xffff, v4;
	_ =	sdelay $0x4  }
0x392: {  	v3, _, _ =	vpop (xrf0)  }
0x393: {  	(v2sf) =	vpush v3, $0xF;
	v3, _, _ =	vpop (xrf0)  }
0x394: {  	(v2sf) =	vpush v3, $0xF;
	_ =	sdelay $0xd  }
0x395: {  	s22 =	spop (v2sf)  }
0x396: {  	p0 =	slt.s32 s22, s16;
	s30 =	spop (v2sf)  }
0x397: {  	s5 =	smov.u32 @p0 s4;
	p0 =	slt.s32 s30, s0  }
0x398: {  	s4 =	sor.u32 $0x20, s5;
	s21 =	smov.u32 @p0 s3  }
0x399: {  	s18 =	sshll.u32 s4, $0x4;
	s22 =	sor.u32 $0x20, s21  }
0x39a: {  	v3 =	vld [tilespmem:s18+$0x10000];
	s30 =	sshll.u32 s22, $0x4  }
0x39b: {  	v4 =	vld [tilespmem:s30+$0x11000];
	_ =	sdelay $0x3  }
0x39c: {  	(xrf0) =	vadd.scan.msk.s32 $0xffff, v3  }
0x39d: {  	(xrf0) =	vadd.scan.msk.s32 $0xffff, v4;
	_ =	sdelay $0x4  }
0x39e: {  	v3, _, _ =	vpop (xrf0)  }
0x39f: {  	(v2sf) =	vpush v3, $0xF;
	v3, _, _ =	vpop (xrf0)  }
0x3a0: {  	(v2sf) =	vpush v3, $0xF;
	_ =	sdelay $0xd  }
0x3a1: {  	s17 =	spop (v2sf)  }
0x3a2: {  	p0 =	slt.s32 s17, s16;
	s18 =	spop (v2sf)  }
0x3a3: {  	s4 =	smov.u32 @p0 s5;
	p0 =	slt.s32 s18, s0  }
0x3a4: {  	s18 =	sor.u32 $0x10, s4;
	s22 =	smov.u32 @p0 s21  }
0x3a5: {  	s21 =	sshll.u32 s18, $0x4;
	s17 =	sor.u32 $0x10, s22  }
0x3a6: {  	s3 =	sand.u32 $0x3FFFFFF0, s21;
	s30 =	sshll.u32 s17, $0x4  }
0x3a7: {  	v3 =	vld [tilespmem:s3+$0x10000];
	s3 =	sand.u32 $0x3FFFFFF0, s30  }
0x3a8: {  	v4 =	vld [tilespmem:s3+$0x11000];
	_ =	sdelay $0x3  }
0x3a9: {  	(xrf0) =	vadd.scan.msk.s32 $0xffff, v3  }
0x3aa: {  	(xrf0) =	vadd.scan.msk.s32 $0xffff, v4;
	_ =	sdelay $0x4  }
0x3ab: {  	v3, _, _ =	vpop (xrf0)  }
0x3ac: {  	(v2sf) =	vpush v3, $0xF;
	v3, _, _ =	vpop (xrf0)  }
0x3ad: {  	(v2sf) =	vpush v3, $0xF;
	_ =	sdelay $0xd  }
0x3ae: {  	s5 =	spop (v2sf)  }
0x3af: {  	p0 =	slt.s32 s5, s16;
	s21 =	spop (v2sf)  }
0x3b0: {  	s18 =	smov.u32 @p0 s4;
	p0 =	slt.s32 s21, s0  }
0x3b1: {  	s3 =	sadd.s32 $0x8, s18;
	s17 =	smov.u32 @p0 s22  }
0x3b2: {  	s22 =	smin.u32 s3, $0xFF;
	s5 =	sadd.s32 $0x8, s17  }
0x3b3: {  	s4 =	sshll.u32 s22, $0x4;
	s30 =	smin.u32 s5, $0xFF  }
0x3b4: {  	v3 =	vld [tilespmem:s4+$0x10000];
	s4 =	sshll.u32 s30, $0x4  }
0x3b5: {  	v4 =	vld [tilespmem:s4+$0x11000];
	_ =	sdelay $0x3  }
0x3b6: {  	(xrf0) =	vadd.scan.msk.s32 $0xffff, v3  }
0x3b7: {  	(xrf0) =	vadd.scan.msk.s32 $0xffff, v4;
	_ =	sdelay $0x4  }
0x3b8: {  	v3, _, _ =	vpop (xrf0)  }
0x3b9: {  	(v2sf) =	vpush v3, $0xF;
	v3, _, _ =	vpop (xrf0)  }
0x3ba: {  	(v2sf) =	vpush v3, $0xF;
	_ =	sdelay $0xd  }
0x3bb: {  	p1 =	slt.u32 s18, $0xF8;
	s21 =	spop (v2sf)  }
0x3bc: {  	s4 =	smov.u32 s18;
	p0 =	sge.s32 s21, s16;
	s22 =	spop (v2sf)  }
0x3bd: {  	s4 =	smov.u32 @p0 s3;
	p0 =	sge.s32 s22, s0;
	s3 =	smov.u32 s17  }
0x3be: {  	s18 =	smov.u32 @p1 s4;
	p1 =	slt.u32 s17, $0xF8;
	s3 =	smov.u32 @p0 s5  }
0x3bf: {  	s4 =	sadd.s32 $0x4, s18;
	s17 =	smov.u32 @p1 s3  }
0x3c0: {  	s30 =	smin.u32 s4, $0xFF;
	s5 =	sadd.s32 $0x4, s17  }
0x3c1: {  	s3 =	sshll.u32 s30, $0x4;
	s21 =	smin.u32 s5, $0xFF  }
0x3c2: {  	v3 =	vld [tilespmem:s3+$0x10000];
	s3 =	sshll.u32 s21, $0x4  }
0x3c3: {  	v4 =	vld [tilespmem:s3+$0x11000];
	_ =	sdelay $0x3  }
0x3c4: {  	(xrf0) =	vadd.scan.msk.s32 $0xffff, v3  }
0x3c5: {  	(xrf0) =	vadd.scan.msk.s32 $0xffff, v4;
	_ =	sdelay $0x4  }
0x3c6: {  	v3, _, _ =	vpop (xrf0)  }
0x3c7: {  	(v2sf) =	vpush v3, $0xF;
	v3, _, _ =	vpop (xrf0)  }
0x3c8: {  	(v2sf) =	vpush v3, $0xF;
	_ =	sdelay $0xc  }
0x3c9: {  	p0 =	slt.u32 s18, $0xFC;
	s21 =	smov.u32 s18  }
0x3ca: {  	s21 =	smov.u32 @p0 s4;
	p0 =	slt.u32 s17, $0xFC;
	s22 =	spop (v2sf)  }
0x3cb: {  	s4 =	smov.u32 s17;
	p1 =	sge.s32 s22, s16;
	s30 =	spop (v2sf)  }
0x3cc: {  	s4 =	smov.u32 @p0 s5;
	s18 =	smov.u32 @p1 s21;
	p1 =	sge.s32 s30, s0  }
0x3cd: {  	s3 =	sadd.s32 $0x2, s18;
	s17 =	smov.u32 @p1 s4  }
0x3ce: {  	s21 =	smin.u32 s3, $0xFF;
	s5 =	sadd.s32 $0x2, s17  }
0x3cf: {  	s4 =	sshll.u32 s21, $0x4;
	s22 =	smin.u32 s5, $0xFF  }
0x3d0: {  	v3 =	vld [tilespmem:s4+$0x10000];
	s4 =	sshll.u32 s22, $0x4  }
0x3d1: {  	v4 =	vld [tilespmem:s4+$0x11000];
	_ =	sdelay $0x3  }
0x3d2: {  	(xrf0) =	vadd.scan.msk.s32 $0xffff, v3  }
0x3d3: {  	(xrf0) =	vadd.scan.msk.s32 $0xffff, v4;
	_ =	sdelay $0x4  }
0x3d4: {  	v3, _, _ =	vpop (xrf0)  }
0x3d5: {  	(v2sf) =	vpush v3, $0xF;
	v3, _, _ =	vpop (xrf0)  }
0x3d6: {  	(v2sf) =	vpush v3, $0xF;
	_ =	sdelay $0xc  }
0x3d7: {  	p0 =	slt.u32 s18, $0xFE;
	s21 =	smov.u32 s18  }
0x3d8: {  	s21 =	smov.u32 @p0 s3;
	p0 =	slt.u32 s17, $0xFE;
	s30 =	spop (v2sf)  }
0x3d9: {  	s4 =	smov.u32 s17;
	p1 =	sge.s32 s30, s16;
	s22 =	spop (v2sf)  }
0x3da: {  	s4 =	smov.u32 @p0 s5;
	s18 =	smov.u32 @p1 s21;
	p1 =	sge.s32 s22, s0  }
0x3db: {  	s3 =	sadd.s32 $0x1, s18;
	s17 =	smov.u32 @p1 s4  }
0x3dc: {  	s30 =	smin.u32 s3, $0xFF;
	s5 =	sadd.s32 $0x1, s17  }
0x3dd: {  	s4 =	sshll.u32 s30, $0x4;
	s21 =	smin.u32 s5, $0xFF  }
0x3de: {  	v3 =	vld [tilespmem:s4+$0x10000];
	s4 =	sshll.u32 s21, $0x4  }
0x3df: {  	v4 =	vld [tilespmem:s4+$0x11000];
	_ =	sdelay $0x3  }
0x3e0: {  	(xrf0) =	vadd.scan.msk.s32 $0xffff, v3  }
0x3e1: {  	(xrf0) =	vadd.scan.msk.s32 $0xffff, v4;
	_ =	sdelay $0x4  }
0x3e2: {  	v3, _, _ =	vpop (xrf0)  }
0x3e3: {  	(v2sf) =	vpush v3, $0xF;
	v3, _, _ =	vpop (xrf0)  }
0x3e4: {  	(v2sf) =	vpush v3, $0xF;
	_ =	sdelay $0xc  }
0x3e5: {  	p0 =	slt.u32 s18, $0xFF;
	s4 =	smov.u32 s18  }
0x3e6: {  	s4 =	smov.u32 @p0 s3;
	p0 =	slt.u32 s17, $0xFF;
	s22 =	spop (v2sf)  }
0x3e7: {  	s3 =	smov.u32 s17;
	p1 =	sge.s32 s22, s16;
	s30 =	spop (v2sf)  }
0x3e8: {  	s3 =	smov.u32 @p0 s5;
	s18 =	smov.u32 @p1 s4;
	p1 =	sge.s32 s30, s0  }
0x3e9: {  	s17 =	smov.u32 @p1 s3;
	s21 =	smin.u32 s18, $0xFE  }
0x3ea: {  	s3 =	sshll.u32 s21, $0x4;
	s22 =	smin.u32 s17, $0xFE  }
0x3eb: {  	s4 =	simm.s32 $0x10040;
	v3 =	vld [tilespmem:s3+$0x10010];
	s30 =	sshll.u32 s22, $0x4  }
0x3ec: {  	v4 =	vld [tilespmem:s30+$0x11010];
	[tilespmem:s4+$0x30] =	vst v0  }
0x3ed: {  	[tilespmem:s4+$0xFFFFFFF0] =	vst v0  }
0x3ee: {  	[tilespmem:s4+$0xFFFFFFC0] =	vst v0  }
0x3ef: {  	[tilespmem:s4+$0xFFFFFFE0] =	vst v0  }
0x3f0: {  	[tilespmem:s4+$0x10] =	vst v0  }
0x3f1: {  	[tilespmem:s4+$0x20] =	vst v0  }
0x3f2: {  	[tilespmem:s4+$0x0] =	vst v0  }
0x3f3: {  	s3 =	simm.s32 $0x11040;
	[tilespmem:s4+$0xFFFFFFD0] =	vst v0  }
0x3f4: {  	[tilespmem:s3+$0xFFFFFFC0] =	vst v0  }
0x3f5: {  	[tilespmem:s3+$0x30] =	vst v0  }
0x3f6: {  	[tilespmem:s3+$0x20] =	vst v0  }
0x3f7: {  	[tilespmem:s3+$0x10] =	vst v0  }
0x3f8: {  	[tilespmem:s3+$0xFFFFFFE0] =	vst v0  }
0x3f9: {  	[tilespmem:s3+$0x0] =	vst v0  }
0x3fa: {  	s5 =	simm.s32 $0x0;
	[tilespmem:s3+$0xFFFFFFF0] =	vst v0  }
.LBB2_26:
0x3fb: {  	s5 =	sadd.s32 $0x8, s5;
	[tilespmem:s3+$0xFFFFFFD0] =	vst v0;
	s4 =	sadd.s32 $0x80, s4;
	s3 =	sadd.s32 $0x80, s3  }
0x3fc: {  	[tilespmem:s4+$0x30] =	vst v0;
	p0 =	slt.u32 s5, $0x78  }
0x3fd: {  	[tilespmem:s4+$0xFFFFFFF0] =	vst v0  }
0x3fe: {  	[tilespmem:s4+$0xFFFFFFC0] =	vst v0  }
0x3ff: {  	[tilespmem:s3+$0xFFFFFFC0] =	vst v0  }
0x400: {  	[tilespmem:s3+$0x30] =	vst v0  }
0x401: {  	[tilespmem:s4+$0xFFFFFFE0] =	vst v0  }
0x402: {  	[tilespmem:s4+$0x10] =	vst v0  }
0x403: {  	[tilespmem:s4+$0x20] =	vst v0  }
0x404: {  	[tilespmem:s3+$0x20] =	vst v0  }
0x405: {  	[tilespmem:s3+$0x10] =	vst v0  }
.Ltmp12:
0x406: {  	[tilespmem:s3+$0xFFFFFFE0] =	vst v0;
	(pc) =	sbr.rel @p0 .LBB2_26-.Ltmp12, $4  }
0x407: {  	[tilespmem:s4+$0x0] =	vst v0  }
0x408: {  	[tilespmem:s3+$0x0] =	vst v0  }
0x409: {  	[tilespmem:s3+$0xFFFFFFF0] =	vst v0  }
0x40a: {  	[tilespmem:s4+$0xFFFFFFD0] =	vst v0  }
0x40b: {  	[tilespmem:s3+$0xFFFFFFD0] =	vst v0;
	s22 =	simm.s32 $0x8040  }
0x40c: {  	v7 =	vld [tilespmem:s22+$0x30]  }
0x40d: {  	s21 =	simm.s32 $0x40;
	v8 =	vld [tilespmem:s22+$0xFFFFFFC0]  }
0x40e: {  	v12 =	vld [tilespmem:s21+$0x20]  }
0x40f: {  	v15 =	vld [tilespmem:s21+$0x0]  }
0x410: {  	s19 =	sshll.u32 s19, $0x8;
	v20 =	vld [tilespmem:s21+$0xFFFFFFF0]  }
0x411: {  	s4 =	sshll.u32 s20, $0x8;
	s20 =	sor.u32 s19, s18  }
0x412: {  	s19 =	sor.u32 s4, s17;
	v6 =	vmov s20  }
0x413: {  	v5 =	vmov s19;
	v9 =	vshll.u32 v7, $0x4;
	v7 =	vshrl.u32 v7, $0x7  }
0x414: {  	v10 =	vld [tilespmem:s21+$0xFFFFFFC0];
	v13 =	vshrl.u32 v8, $0x7;
	v8 =	vshll.u32 v8, $0x4;
	v22 =	vshll.u32 v12, $0x4  }
0x415: {  	v11 =	vld [tilespmem:s21+$0x30];
	v12 =	vshrl.u32 v12, $0x7;
	v24 =	vshll.u32 v15, $0x4;
	v26 =	vshrl.u32 v20, $0x7  }
0x416: {  	v9 =	vor.u32 v1, v9;
	v7 =	vand.u32 $0xFFFFFF, v7;
	v13 =	vand.u32 $0xFFFFFF, v13  }
0x417: {  	v14 =	vld [tilespmem:s21+$0x10];
	v8 =	vor.u32 v1, v8;
	v21 =	vand.u32 $0xFFFFFF, v12;
	v12 =	vshrl.u32 v15, $0x7  }
0x418: {  	v16 =	vld [tilespmem:s21+$0xFFFFFFD0];
	vm6 =	veq.s32 v13, v5;
	v18 =	vand.u32 $0x7FF, v8;
	v9 =	vand.u32 $0x7FF, v9  }
0x419: {  	v8 =	vshll.u32 v10, $0x4;
	v10 =	vshrl.u32 v10, $0x7;
	vm4 =	veq.s32 v7, v5  }
0x41a: {  	v7 =	vld [tilespmem:s21+$0xFFFFFFE0];
	v13 =	vshll.u32 v11, $0x4;
	v11 =	vshrl.u32 v11, $0x7;
	v10 =	vand.u32 $0xFFFFFF, v10  }
0x41b: {  	v8 =	vor.u32 v1, v8;
	v19 =	vand.u32 $0xFFFFFF, v11;
	v11 =	vand.u32 $0xFFFFFF, v12  }
0x41c: {  	v17 =	vand.u32 $0x7FF, v8;
	v8 =	vshrl.u32 v14, $0x7;
	vm3 =	veq.s32 v11, v6  }
0x41d: {  	vm5 =	veq.s32 v10, v6;
	v10 =	vshrl.u32 v16, $0x7;
	vm7 =	veq.s32 v19, v6  }
0x41e: {  	v15 =	vld [tilespmem:s22+$0xFFFFFFF0];
	v14 =	vshll.u32 v14, $0x4;
	v8 =	vand.u32 $0xFFFFFF, v8;
	v10 =	vand.u32 $0xFFFFFF, v10  }
0x41f: {  	v11 =	vld [tilespmem:s22+$0xFFFFFFD0];
	v25 =	vor.u32 v1, v14;
	v14 =	vor.u32 v1, v24;
	v12 =	vshrl.u32 v7, $0x7  }
0x420: {  	v19 =	vld [tilespmem:s22+$0x0];
	vm1 =	veq.s32 v8, v6;
	v8 =	vor.u32 v1, v13;
	v12 =	vand.u32 $0xFFFFFF, v12  }
0x421: {  	v13 =	vshll.u32 v16, $0x4;
	v16 =	vld [tilespmem:s22+$0xFFFFFFE0];
	v23 =	vand.u32 $0x7FF, v8;
	vm0 =	veq.s32 v12, v6  }
0x422: {  	v8 =	vld [tilespmem:s22+$0x20];
	v12 =	vshll.u32 v7, $0x4;
	v7 =	vor.u32 v1, v13;
	v13 =	vshll.u32 v20, $0x4  }
0x423: {  	vm2 =	veq.s32 v10, v6;
	v14 =	vand.u32 $0x7FF, v14;
	v20 =	vld [tilespmem:s22+$0x10];
	v10 =	vor.u32 v1, v13  }
0x424: {  	v7 =	vand.u32 $0x7FF, v7;
	[tilespmem:v17+s24+$0x0] =	vst.idx.add.s32.msk vm5, v2;
	v17 =	vshrl.u32 v11, $0x7;
	v63 =	vor.u32 v1, v12  }
0x425: {  	s30 =	simm.s32 $0x0;
	v12 =	vand.u32 $0x7FF, v25;
	vm5 =	veq.s32 v21, v6;
	v21 =	vand.u32 $0xFFFFFF, v26;
	[tilespmem:v18+s25+$0x0] =	vst.idx.add.s32.msk vm6, v2  }
0x426: {  	s3 =	simm.s32 $0xC0;
	s4 =	simm.s32 $0x80C0;
	s21 =	simm.s32 $0x117F0;
	v13 =	vand.u32 $0x7FF, v10;
	v10 =	vand.u32 $0x7FF, v63;
	v18 =	vor.u32 v1, v22;
	[tilespmem:v23+s24+$0x0] =	vst.idx.add.s32.msk vm7, v2  }
.LBB2_28:
0x427: {  	s30 =	sadd.s32 $0x8, s30;
	vm6 =	veq.s32 v21, v6;
	v21 =	vshll.u32 v19, $0x4;
	v19 =	vshrl.u32 v19, $0x7;
	[tilespmem:v9+s25+$0x0] =	vst.idx.add.s32.msk vm4, v2;
	s22 =	simm.s32 $0x107F0  }
0x428: {  	v22 =	vld [tilespmem:s3+$0xFFFFFFD0];
	p0 =	slt.u32 s30, $0x7F8;
	v9 =	vand.u32 $0xFFFFFF, v19;
	v19 =	vshll.u32 v20, $0x4;
	v20 =	vshrl.u32 v20, $0x7  }
0x429: {  	v24 =	vshll.u32 v16, $0x4;
	v16 =	vshrl.u32 v16, $0x7;
	v23 =	vld [tilespmem:s4+$0x30];
	v19 =	vor.u32 v1, v19  }
0x42a: {  	v11 =	vshll.u32 v11, $0x4;
	v24 =	vor.u32 v1, v24;
	v16 =	vand.u32 $0xFFFFFF, v16;
	v25 =	vld [tilespmem:s3+$0xFFFFFFE0]  }
0x42b: {  	v17 =	vand.u32 $0xFFFFFF, v17;
	v27 =	vshll.u32 v15, $0x4;
	v15 =	vshrl.u32 v15, $0x7;
	v26 =	vld [tilespmem:s4+$0xFFFFFFC0]  }
0x42c: {  	v18 =	vand.u32 $0x7FF, v18;
	v15 =	vand.u32 $0xFFFFFF, v15;
	v20 =	vand.u32 $0xFFFFFF, v20;
	v28 =	vld [tilespmem:s3+$0x0]  }
0x42d: {  	v21 =	vor.u32 v1, v21;
	vm4 =	veq.s32 v9, v5;
	vm8 =	veq.s32 v20, v5;
	v29 =	vld [tilespmem:s3+$0x10]  }
0x42e: {  	v19 =	vand.u32 $0x7FF, v19;
	v20 =	vld [tilespmem:s3+$0x20];
	v9 =	vshll.u32 v23, $0x4;
	v23 =	vshrl.u32 v23, $0x7  }
0x42f: {  	v21 =	vand.u32 $0x7FF, v21;
	v30 =	vld [tilespmem:s3+$0xFFFFFFC0];
	v9 =	vor.u32 v1, v9;
	v23 =	vand.u32 $0xFFFFFF, v23  }
0x430: {  	v27 =	vor.u32 v1, v27;
	vm7 =	veq.s32 v15, v5;
	v31 =	vshrl.u32 v26, $0x7;
	[tilespmem:v14+s24+$0x0] =	vst.idx.add.s32.msk vm3, v2  }
0x431: {  	v27 =	vand.u32 $0x7FF, v27;
	v14 =	vshll.u32 v26, $0x4;
	v15 =	vand.u32 $0xFFFFFF, v31;
	v26 =	vld [tilespmem:s3+$0x30]  }
0x432: {  	v11 =	vor.u32 v1, v11;
	[tilespmem:v13+s24+$0x0] =	vst.idx.add.s32.msk vm6, v2;
	v13 =	vshll.u32 v8, $0x4;
	v8 =	vshrl.u32 v8, $0x7  }
0x433: {  	[tilespmem:v12+s24+$0x0] =	vst.idx.add.s32.msk vm1, v2;
	v12 =	vor.u32 v1, v13;
	v8 =	vand.u32 $0xFFFFFF, v8  }
0x434: {  	vm9 =	veq.s32 v16, v5;
	[tilespmem:v19+s25+$0x0] =	vst.idx.add.s32.msk vm8, v2  }
0x435: {  	vm3 =	veq.s32 v17, v5;
	v13 =	vand.u32 $0x7FF, v24;
	vm1 =	veq.s32 v8, v5;
	[tilespmem:v21+s25+$0x0] =	vst.idx.add.s32.msk vm4, v2  }
0x436: {  	v11 =	vand.u32 $0x7FF, v11;
	v8 =	vor.u32 v1, v14;
	[tilespmem:v10+s24+$0x0] =	vst.idx.add.s32.msk vm0, v2;
	v10 =	vand.u32 $0x7FF, v12  }
0x437: {  	v9 =	vand.u32 $0x7FF, v9;
	vm6 =	veq.s32 v15, v5;
	v21 =	vand.u32 $0x7FF, v8;
	[tilespmem:v27+s25+$0x0] =	vst.idx.add.s32.msk vm7, v2  }
0x438: {  	v8 =	vshll.u32 v30, $0x4;
	vm4 =	veq.s32 v23, v5;
	v12 =	vshrl.u32 v30, $0x7;
	[tilespmem:v7+s24+$0x0] =	vst.idx.add.s32.msk vm2, v2  }
0x439: {  	v14 =	vshrl.u32 v26, $0x7;
	v7 =	vand.u32 $0xFFFFFF, v12;
	v12 =	vshll.u32 v26, $0x4;
	[tilespmem:v18+s24+$0x0] =	vst.idx.add.s32.msk vm5, v2  }
0x43a: {  	v15 =	vshrl.u32 v20, $0x7;
	v8 =	vor.u32 v1, v8;
	v18 =	vshll.u32 v20, $0x4;
	[tilespmem:v13+s25+$0x0] =	vst.idx.add.s32.msk vm9, v2  }
0x43b: {  	v23 =	vand.u32 $0xFFFFFF, v15;
	v13 =	vand.u32 $0x7FF, v8;
	v8 =	vshrl.u32 v29, $0x7;
	[tilespmem:v11+s25+$0x0] =	vst.idx.add.s32.msk vm3, v2  }
0x43c: {  	v14 =	vand.u32 $0xFFFFFF, v14;
	v11 =	vshrl.u32 v28, $0x7;
	v8 =	vand.u32 $0xFFFFFF, v8;
	[tilespmem:v10+s25+$0x0] =	vst.idx.add.s32.msk vm1, v2  }
0x43d: {  	v11 =	vand.u32 $0xFFFFFF, v11;
	vm1 =	veq.s32 v8, v6;
	v8 =	vor.u32 v1, v12;
	v10 =	vld [tilespmem:s3+$0xFFFFFFF0]  }
0x43e: {  	v12 =	vshrl.u32 v25, $0x7;
	vm3 =	veq.s32 v11, v6;
	v24 =	vand.u32 $0x7FF, v8  }
0x43f: {  	vm5 =	veq.s32 v7, v6;
	v7 =	vshrl.u32 v22, $0x7;
	v12 =	vand.u32 $0xFFFFFF, v12;
	v8 =	vld [tilespmem:s4+$0x20]  }
0x440: {  	v15 =	vshll.u32 v22, $0x4;
	vm7 =	veq.s32 v14, v6;
	vm0 =	veq.s32 v12, v6;
	v11 =	vld [tilespmem:s4+$0xFFFFFFD0]  }
0x441: {  	v14 =	vshll.u32 v28, $0x4;
	v7 =	vand.u32 $0xFFFFFF, v7;
	v12 =	vshll.u32 v25, $0x4;
	v16 =	vld [tilespmem:s4+$0xFFFFFFE0]  }
0x442: {  	v17 =	vor.u32 v1, v15;
	v22 =	vshll.u32 v29, $0x4;
	v20 =	vshll.u32 v10, $0x4;
	v19 =	vld [tilespmem:s4+$0x0]  }
.Ltmp13:
0x443: {  	v22 =	vor.u32 v1, v22;
	vm2 =	veq.s32 v7, v6;
	v15 =	vld [tilespmem:s4+$0xFFFFFFF0];
	v25 =	vor.u32 v1, v20;
	(pc) =	sbr.rel @p0 .LBB2_28-.Ltmp13, $4  }
0x444: {  	v7 =	vand.u32 $0x7FF, v17;
	v26 =	vshrl.u32 v10, $0x7;
	v10 =	vor.u32 v1, v14;
	v20 =	vld [tilespmem:s4+$0x10]  }
0x445: {  	v27 =	vor.u32 v1, v12;
	[tilespmem:v13+s24+$0x0] =	vst.idx.add.s32.msk vm5, v2;
	v17 =	vshrl.u32 v11, $0x7;
	v13 =	vand.u32 $0x7FF, v25  }
0x446: {  	v12 =	vand.u32 $0x7FF, v22;
	v14 =	vand.u32 $0x7FF, v10;
	vm5 =	veq.s32 v23, v6;
	[tilespmem:v24+s24+$0x0] =	vst.idx.add.s32.msk vm7, v2  }
0x447: {  	v18 =	vor.u32 v1, v18;
	s3 =	sadd.s32 $0x80, s3;
	v10 =	vand.u32 $0x7FF, v27;
	s4 =	sadd.s32 $0x80, s4;
	[tilespmem:v21+s25+$0x0] =	vst.idx.add.s32.msk vm6, v2;
	v21 =	vand.u32 $0xFFFFFF, v26  }
0x448: {  	_ =	sdelay $0x3  }
0x449: {  	vm6 =	veq.s32 v21, v6;
	v6 =	vshll.u32 v19, $0x4;
	v19 =	vshrl.u32 v19, $0x7  }
0x44a: {  	v22 =	vshll.u32 v16, $0x4;
	v16 =	vshrl.u32 v16, $0x7;
	v63 =	vshrl.u32 v15, $0x7;
	[tilespmem:v9+s25+$0x0] =	vst.idx.add.s32.msk vm4, v2  }
0x44b: {  	v9 =	vshll.u32 v15, $0x4;
	v11 =	vshll.u32 v11, $0x4;
	[tilespmem:v12+s24+$0x0] =	vst.idx.add.s32.msk vm1, v2;
	v12 =	vshll.u32 v8, $0x4  }
0x44c: {  	v8 =	vshrl.u32 v8, $0x7;
	v19 =	vand.u32 $0xFFFFFF, v19;
	v61 =	vshll.u32 v20, $0x4  }
0x44d: {  	[tilespmem:v14+s24+$0x0] =	vst.idx.add.s32.msk vm3, v2;
	v62 =	vshrl.u32 v20, $0x7;
	v6 =	vor.u32 v1, v6;
	v15 =	vand.u32 $0xFFFFFF, v63  }
0x44e: {  	v9 =	vor.u32 v1, v9;
	v14 =	vor.u32 v1, v22;
	vm8 =	veq.s32 v19, v5  }
0x44f: {  	v11 =	vor.u32 v1, v11;
	v20 =	vand.u32 $0xFFFFFF, v62;
	v6 =	vand.u32 $0x7FF, v6  }
0x450: {  	vm12 =	veq.s32 v15, v5;
	v15 =	vand.u32 $0xFFFFFF, v16;
	v16 =	vand.u32 $0x7FF, v18  }
0x451: {  	[tilespmem:v10+s24+$0x0] =	vst.idx.add.s32.msk vm0, v2;
	v21 =	vor.u32 v1, v61;
	v9 =	vand.u32 $0x7FF, v9;
	vm7 =	veq.s32 v20, v5  }
0x452: {  	v19 =	vand.u32 $0x7FF, v21;
	vm13 =	veq.s32 v15, v5;
	[tilespmem:v13+s24+$0x0] =	vst.idx.add.s32.msk vm6, v2;
	v13 =	vand.u32 $0xFFFFFF, v17  }
0x453: {  	[tilespmem:v7+s24+$0x0] =	vst.idx.add.s32.msk vm2, v2;
	v8 =	vand.u32 $0xFFFFFF, v8;
	vm14 =	veq.s32 v13, v5;
	v13 =	vand.u32 $0x7FF, v14  }
0x454: {  	vm15 =	veq.s32 v8, v5;
	v5 =	vand.u32 $0x7FF, v11;
	[tilespmem:v6+s25+$0x0] =	vst.idx.add.s32.msk vm8, v2;
	v6 =	vor.u32 v1, v12  }
0x455: {  	[tilespmem:v16+s24+$0x0] =	vst.idx.add.s32.msk vm5, v2;
	v6 =	vand.u32 $0x7FF, v6  }
0x456: {  	[tilespmem:v9+s25+$0x0] =	vst.idx.add.s32.msk vm12, v2  }
0x457: {  	[tilespmem:v19+s25+$0x0] =	vst.idx.add.s32.msk vm7, v2  }
0x458: {  	[tilespmem:v13+s25+$0x0] =	vst.idx.add.s32.msk vm13, v2  }
0x459: {  	[tilespmem:v5+s25+$0x0] =	vst.idx.add.s32.msk vm14, v2  }
0x45a: {  	[tilespmem:v6+s25+$0x0] =	vst.idx.add.s32.msk vm15, v2  }
0x45b: {  	v11 =	vld [tilespmem:s22+$0xFFFFFFD0]  }
0x45c: {  	v12 =	vld [tilespmem:s22+$0xFFFFFFE0]  }
0x45d: {  	v9 =	vld [tilespmem:s22+$0xFFFFFFF0]  }
0x45e: {  	v6 =	vld [tilespmem:s22+$0x0]  }
0x45f: {  	v7 =	vld [tilespmem:s21+$0x0]  }
0x460: {  	v10 =	vld [tilespmem:s21+$0xFFFFFFF0]  }
0x461: {  	v13 =	vld [tilespmem:s21+$0xFFFFFFE0]  }
0x462: {  	s3 =	simm.s32 $0x107B0;
	v14 =	vld [tilespmem:s21+$0xFFFFFFD0]  }
0x463: {  	v15 =	vimm.s32 $0x0;
	v5 =	vld [tilespmem:s3+$0xFFFFFFD0]  }
0x464: {  	v8 =	vld [tilespmem:s3+$0xFFFFFFE0];
	v16 =	vadd.s32 v15, v6  }
0x465: {  	v7 =	vadd.s32 v15, v7;
	v6 =	vld [tilespmem:s3+$0xFFFFFFF0];
	[tilespmem:s22+$0x0] =	vst v16;
	v15 =	vadd.s32 v16, v9  }
0x466: {  	s4 =	simm.s32 $0x117B0;
	v9 =	vld [tilespmem:s3+$0x0];
	[tilespmem:s22+$0xFFFFFFF0] =	vst v15;
	v15 =	vadd.s32 v15, v12  }
0x467: {  	v10 =	vadd.s32 v7, v10;
	v12 =	vld [tilespmem:s4+$0x0];
	[tilespmem:s22+$0xFFFFFFE0] =	vst v15;
	v16 =	vadd.s32 v15, v11  }
0x468: {  	v17 =	vadd.s32 v10, v13;
	v13 =	vld [tilespmem:s4+$0xFFFFFFF0];
	[tilespmem:s22+$0xFFFFFFD0] =	vst v16  }
0x469: {  	v15 =	vadd.s32 v17, v14;
	v14 =	vld [tilespmem:s4+$0xFFFFFFE0];
	[tilespmem:s21+$0xFFFFFFE0] =	vst v17  }
0x46a: {  	s5 =	simm.s32 $0x4;
	v11 =	vld [tilespmem:s4+$0xFFFFFFD0];
	s22 =	simm.s32 $0x10770;
	[tilespmem:s21+$0xFFFFFFD0] =	vst v15  }
.LBB2_30:
0x46b: {  	v17 =	vld [tilespmem:s22+$0xFFFFFFD0];
	[tilespmem:s21+$0xFFFFFFF0] =	vst v10  }
0x46c: {  	v9 =	vadd.s32 v16, v9;
	s5 =	sadd.s32 $0x4, s5;
	v18 =	vld [tilespmem:s22+$0xFFFFFFE0];
	[tilespmem:s21+$0x0] =	vst v7;
	v7 =	vadd.s32 v15, v12;
	s21 =	smov.u32 s4  }
0x46d: {  	v12 =	vadd.s32 v9, v6;
	p0 =	slt.u32 s5, $0x7C;
	[tilespmem:s3+$0x0] =	vst v9;
	v6 =	vld [tilespmem:s22+$0xFFFFFFF0];
	v10 =	vadd.s32 v7, v13  }
.Ltmp14:
0x46e: {  	s4 =	sadd.s32 $0xFFFFFFC0, s4;
	v8 =	vadd.s32 v12, v8;
	v9 =	vld [tilespmem:s22+$0x0];
	[tilespmem:s3+$0xFFFFFFF0] =	vst v12;
	v19 =	vadd.s32 v10, v14;
	(pc) =	sbr.rel @p0 .LBB2_30-.Ltmp14, $4  }
0x46f: {  	v16 =	vadd.s32 v8, v5;
	v12 =	vld [tilespmem:s4+$0x0];
	[tilespmem:s3+$0xFFFFFFE0] =	vst v8;
	v15 =	vadd.s32 v19, v11  }
0x470: {  	v13 =	vld [tilespmem:s4+$0xFFFFFFF0];
	[tilespmem:s3+$0xFFFFFFD0] =	vst v16;
	v5 =	vmov v17;
	s3 =	smov.u32 s22  }
0x471: {  	v14 =	vld [tilespmem:s4+$0xFFFFFFE0];
	[tilespmem:s21+$0xFFFFFFD0] =	vst v15;
	v8 =	vmov v18  }
0x472: {  	s22 =	sadd.s32 $0xFFFFFFC0, s22;
	v11 =	vld [tilespmem:s4+$0xFFFFFFD0];
	[tilespmem:s21+$0xFFFFFFE0] =	vst v19  }
0x473: {  	[tilespmem:s21+$0xFFFFFFF0] =	vst v10  }
0x474: {  	v9 =	vadd.s32 v16, v9;
	[tilespmem:s21+$0x0] =	vst v7  }
0x475: {  	[tilespmem:s3+$0x0] =	vst v9;
	v6 =	vadd.s32 v9, v6  }
0x476: {  	v53 =	vadd.s32 v15, v12;
	[tilespmem:s3+$0xFFFFFFF0] =	vst v6  }
0x477: {  	v6 =	vadd.s32 v6, v8;
	[tilespmem:s4+$0x0] =	vst v53  }
0x478: {  	v54 =	vadd.s32 v53, v13;
	[tilespmem:s3+$0xFFFFFFE0] =	vst v6  }
0x479: {  	v5 =	vadd.s32 v6, v5;
	[tilespmem:s4+$0xFFFFFFF0] =	vst v54  }
0x47a: {  	v55 =	vadd.s32 v54, v14;
	[tilespmem:s3+$0xFFFFFFD0] =	vst v5  }
0x47b: {  	v56 =	vadd.s32 v55, v11;
	[tilespmem:s4+$0xFFFFFFE0] =	vst v55  }
0x47c: {  	[tilespmem:s4+$0xFFFFFFD0] =	vst v56  }
0x47d: {  	v5 =	vld [tilespmem:$0x10400];
	_ =	sdelay $0x2  }
0x47e: {  	(xrf0) =	vadd.scan.msk.s32 $0xffff, v3  }
0x47f: {  	(xrf0) =	vadd.scan.msk.s32 $0xffff, v4;
	v3 =	vld [tilespmem:$0x11400]  }
0x480: {  	(xrf0) =	vadd.scan.msk.s32 $0xffff, v5;
	_ =	sdelay $0x3  }
0x481: {  	v57, _, _ =	vpop (xrf0);
	(xrf0) =	vadd.scan.msk.s32 $0xffff, v3  }
0x482: {  	(v2sf) =	vpush v57, $0xF;
	v3, _, _ =	vpop (xrf0)  }
0x483: {  	(v2sf) =	vpush v3, $0xF;
	v3, _, _ =	vpop (xrf0)  }
0x484: {  	(v2sf) =	vpush v3, $0xF;
	_ =	sdelay $0x2  }
0x485: {  	v3, _, _ =	vpop (xrf0)  }
0x486: {  	(v2sf) =	vpush v3, $0xF;
	_ =	sdelay $0x8  }
0x487: {  	p0 =	slt.u32 s18, $0xFF;
	s3 =	spop (v2sf)  }
0x488: {  	s3 =	simm.s32 @!p0 $0x0;
	s4 =	spop (v2sf)  }
0x489: {  	s3 =	ssub.s32 s16, s3;
	s5 =	spop (v2sf)  }
0x48a: {  	p0 =	slt.s32 s5, s3;
	s5 =	simm.s32 $0x0  }
0x48b: {  	p1 =	slt.u32 s17, $0xFF;
	s5 =	simm.s32 @!p0 $0x40  }
0x48c: {  	s4 =	simm.s32 @!p1 $0x0;
	s16 =	sor.u32 $0x20, s5  }
0x48d: {  	s0 =	ssub.s32 s0, s4;
	s18 =	spop (v2sf);
	s21 =	sshll.u32 s16, $0x4  }
0x48e: {  	s4 =	simm.s32 $0x0;
	p0 =	slt.s32 s18, s0;
	v3 =	vld [tilespmem:s21+$0x10000]  }
0x48f: {  	s4 =	simm.s32 @!p0 $0x40  }
0x490: {  	s17 =	sor.u32 $0x20, s4  }
0x491: {  	s22 =	sshll.u32 s17, $0x4  }
0x492: {  	v58 =	vld [tilespmem:s22+$0x11000]  }
0x493: {  	(xrf0) =	vadd.scan.msk.s32 $0xffff, v3;
	_ =	sdelay $0x3  }
0x494: {  	(xrf0) =	vadd.scan.msk.s32 $0xffff, v58;
	_ =	sdelay $0x1  }
0x495: {  	v3, _, _ =	vpop (xrf0)  }
0x496: {  	(v2sf) =	vpush v3, $0xF;
	_ =	sdelay $0x2  }
0x497: {  	v3, _, _ =	vpop (xrf0)  }
0x498: {  	(v2sf) =	vpush v3, $0xF;
	_ =	sdelay $0xa  }
0x499: {  	s30 =	spop (v2sf)  }
0x49a: {  	p0 =	slt.s32 s30, s3  }
0x49b: {  	s16 =	smov.u32 @p0 s5  }
0x49c: {  	s18 =	sor.u32 $0x10, s16  }
0x49d: {  	s21 =	spop (v2sf);
	s22 =	sshll.u32 s18, $0x4  }
0x49e: {  	p0 =	slt.s32 s21, s0;
	v3 =	vld [tilespmem:s22+$0x10000]  }
0x49f: {  	s17 =	smov.u32 @p0 s4  }
0x4a0: {  	s21 =	sor.u32 $0x10, s17  }
0x4a1: {  	s30 =	sshll.u32 s21, $0x4  }
0x4a2: {  	v59 =	vld [tilespmem:s30+$0x11000]  }
0x4a3: {  	(xrf0) =	vadd.scan.msk.s32 $0xffff, v3;
	_ =	sdelay $0x3  }
0x4a4: {  	(xrf0) =	vadd.scan.msk.s32 $0xffff, v59;
	_ =	sdelay $0x1  }
0x4a5: {  	v3, _, _ =	vpop (xrf0)  }
0x4a6: {  	(v2sf) =	vpush v3, $0xF;
	_ =	sdelay $0x2  }
0x4a7: {  	v3, _, _ =	vpop (xrf0)  }
0x4a8: {  	(v2sf) =	vpush v3, $0xF;
	_ =	sdelay $0xa  }
0x4a9: {  	s5 =	spop (v2sf)  }
0x4aa: {  	p0 =	slt.s32 s5, s3  }
0x4ab: {  	s18 =	smov.u32 @p0 s16  }
0x4ac: {  	s5 =	sor.u32 $0x8, s18  }
0x4ad: {  	s22 =	spop (v2sf);
	s30 =	sshll.u32 s5, $0x4  }
0x4ae: {  	p0 =	slt.s32 s22, s0;
	s22 =	sand.u32 $0x3FFFFFF0, s30  }
0x4af: {  	s21 =	smov.u32 @p0 s17;
	v3 =	vld [tilespmem:s22+$0x10000]  }
0x4b0: {  	s4 =	sor.u32 $0x8, s21  }
0x4b1: {  	s30 =	sshll.u32 s4, $0x4  }
0x4b2: {  	s16 =	sand.u32 $0x3FFFFFF0, s30  }
0x4b3: {  	v60 =	vld [tilespmem:s16+$0x11000]  }
0x4b4: {  	(xrf0) =	vadd.scan.msk.s32 $0xffff, v3;
	_ =	sdelay $0x3  }
0x4b5: {  	(xrf0) =	vadd.scan.msk.s32 $0xffff, v60;
	_ =	sdelay $0x1  }
0x4b6: {  	v3, _, _ =	vpop (xrf0)  }
0x4b7: {  	(v2sf) =	vpush v3, $0xF;
	_ =	sdelay $0x2  }
0x4b8: {  	v3, _, _ =	vpop (xrf0)  }
0x4b9: {  	(v2sf) =	vpush v3, $0xF;
	_ =	sdelay $0xa  }
0x4ba: {  	s17 =	spop (v2sf)  }
0x4bb: {  	p0 =	slt.s32 s17, s3  }
0x4bc: {  	s5 =	smov.u32 @p0 s18  }
0x4bd: {  	s16 =	sadd.s32 $0x4, s5  }
0x4be: {  	s22 =	spop (v2sf);
	s30 =	smin.u32 s16, $0x7F  }
0x4bf: {  	p0 =	slt.s32 s22, s0;
	s18 =	sshll.u32 s30, $0x4  }
0x4c0: {  	s4 =	smov.u32 @p0 s21;
	v3 =	vld [tilespmem:s18+$0x10000]  }
0x4c1: {  	s17 =	sadd.s32 $0x4, s4  }
0x4c2: {  	s22 =	smin.u32 s17, $0x7F  }
0x4c3: {  	s18 =	sshll.u32 s22, $0x4  }
0x4c4: {  	v61 =	vld [tilespmem:s18+$0x11000]  }
0x4c5: {  	(xrf0) =	vadd.scan.msk.s32 $0xffff, v3;
	_ =	sdelay $0x3  }
0x4c6: {  	(xrf0) =	vadd.scan.msk.s32 $0xffff, v61;
	_ =	sdelay $0x1  }
0x4c7: {  	v3, _, _ =	vpop (xrf0)  }
0x4c8: {  	(v2sf) =	vpush v3, $0xF;
	_ =	sdelay $0x2  }
0x4c9: {  	v3, _, _ =	vpop (xrf0)  }
0x4ca: {  	(v2sf) =	vpush v3, $0xF;
	_ =	sdelay $0xa  }
0x4cb: {  	s30 =	spop (v2sf)  }
0x4cc: {  	s18 =	smov.u32 s5;
	p0 =	sge.s32 s30, s3  }
0x4cd: {  	p1 =	slt.u32 s5, $0x7C;
	s18 =	smov.u32 @p0 s16  }
0x4ce: {  	s5 =	smov.u32 @p1 s18  }
0x4cf: {  	s21 =	spop (v2sf);
	s18 =	sadd.s32 $0x2, s5  }
0x4d0: {  	p0 =	sge.s32 s21, s0;
	s16 =	smov.u32 s4;
	s22 =	smin.u32 s18, $0x7F  }
0x4d1: {  	p1 =	slt.u32 s4, $0x7C;
	s16 =	smov.u32 @p0 s17;
	s30 =	sshll.u32 s22, $0x4  }
0x4d2: {  	s4 =	smov.u32 @p1 s16;
	v3 =	vld [tilespmem:s30+$0x10000]  }
0x4d3: {  	s16 =	sadd.s32 $0x2, s4  }
0x4d4: {  	s21 =	smin.u32 s16, $0x7F  }
0x4d5: {  	s17 =	sshll.u32 s21, $0x4  }
0x4d6: {  	v62 =	vld [tilespmem:s17+$0x11000]  }
0x4d7: {  	(xrf0) =	vadd.scan.msk.s32 $0xffff, v3;
	_ =	sdelay $0x3  }
0x4d8: {  	(xrf0) =	vadd.scan.msk.s32 $0xffff, v62;
	_ =	sdelay $0x1  }
0x4d9: {  	v3, _, _ =	vpop (xrf0)  }
0x4da: {  	(v2sf) =	vpush v3, $0xF;
	_ =	sdelay $0x2  }
0x4db: {  	v3, _, _ =	vpop (xrf0)  }
0x4dc: {  	(v2sf) =	vpush v3, $0xF;
	_ =	sdelay $0xa  }
0x4dd: {  	p0 =	slt.u32 s5, $0x7E;
	s21 =	smov.u32 s5;
	s22 =	spop (v2sf)  }
0x4de: {  	s21 =	smov.u32 @p0 s18;
	p1 =	sge.s32 s22, s3  }
0x4df: {  	s5 =	smov.u32 @p1 s21  }
0x4e0: {  	p0 =	slt.u32 s4, $0x7E;
	s17 =	sadd.s32 $0x1, s5  }
0x4e1: {  	s30 =	spop (v2sf);
	s21 =	smov.u32 s4;
	s22 =	smin.u32 s17, $0x7F  }
0x4e2: {  	p1 =	sge.s32 s30, s0;
	s21 =	smov.u32 @p0 s16;
	s18 =	sshll.u32 s22, $0x4  }
0x4e3: {  	s4 =	smov.u32 @p1 s21;
	v3 =	vld [tilespmem:s18+$0x10000]  }
0x4e4: {  	s16 =	sadd.s32 $0x1, s4  }
0x4e5: {  	s22 =	smin.u32 s16, $0x7F  }
0x4e6: {  	s18 =	sshll.u32 s22, $0x4  }
0x4e7: {  	v63 =	vld [tilespmem:s18+$0x11000]  }
0x4e8: {  	(xrf0) =	vadd.scan.msk.s32 $0xffff, v3;
	_ =	sdelay $0x3  }
0x4e9: {  	(xrf0) =	vadd.scan.msk.s32 $0xffff, v63;
	_ =	sdelay $0x1  }
0x4ea: {  	v3, _, _ =	vpop (xrf0)  }
0x4eb: {  	(v2sf) =	vpush v3, $0xF;
	_ =	sdelay $0x2  }
0x4ec: {  	v3, _, _ =	vpop (xrf0)  }
0x4ed: {  	(v2sf) =	vpush v3, $0xF;
	_ =	sdelay $0xa  }
0x4ee: {  	p0 =	slt.u32 s5, $0x7F;
	s21 =	smov.u32 s5;
	s30 =	spop (v2sf)  }
0x4ef: {  	s21 =	smov.u32 @p0 s17;
	p1 =	sge.s32 s30, s3  }
0x4f0: {  	s20 =	sshll.u32 s20, $0x7;
	s5 =	smov.u32 @p1 s21  }
0x4f1: {  	s3 =	sor.u32 s20, s5  }
0x4f2: {  	p0 =	slt.u32 s4, $0x7F;
	s21 =	spop (v2sf);
	s5 =	smov.u32 s4;
	v3 =	vmov s3  }
0x4f3: {  	s22 =	simm.s32 $0x12000;
	p1 =	sge.s32 s21, s0;
	s5 =	smov.u32 @p0 s16;
	[tilespmem:$0x12000] =	vst v3  }
0x4f4: {  	[hbm4b:s11+s2] =	stream.linear.scatter [tilespmem:s22], [sflag:$0x5], $0x80, $0x38;
	[tilespmem:$0x12080] =	vst v63  }
0x4f5: {  	s30 =	sshll.u32 s19, $0x7;
	s4 =	smov.u32 @p1 s5;
	_ =	swait.ge [sflag:s31], $0x80  }
0x4f6: {  	s1 =	sadd.s32 $0x1, s1;
	s0 =	sor.u32 s30, s4;
	[sflag:s31] =	ssyncset.done $0x0  }
0x4f7: {  	p0 =	sne.s32 s1, s13;
	v3 =	vmov s0;
	[sflag:s31] =	ssyncadd.s32 $0xFFFFFF80  }
.Ltmp15:
0x4f8: {  	[tilespmem:$0x12000] =	vst v3;
	(pc) =	sbr.rel @p0 .LBB2_1-.Ltmp15, $4  }
0x4f9: {  	[hbm4b:s12+s2] =	stream.linear.scatter [tilespmem:s22], [sflag:$0x5], $0x80, $0x38;
	[tilespmem:$0x12080] =	vst v63  }
0x4fa: {  	_ =	swait.ge [sflag:s31], $0x80  }
0x4fb: {  	[sflag:s31] =	ssyncset.done $0x0  }
0x4fc: {  	[sflag:s31] =	ssyncadd.s32 $0xFFFFFF80  }
0x4fd: {  	_ =	sfence.sel $0x180000  }
0x4fe: {  	[bflag:$0x0] =	sbarrier.arrive $0xFFFF  }
0x4ff: {  	_ =	strace $0x90000047  }
0x500: {  	s0 =	stileid.u32;
	[bflag:$0x2] =	sbarrier.arrive $0xFFFF  }
0x501: {  	p0 =	sne.s32 s0, $0x0;
	s0 =	rddreg [dreg:$0x2]  }
0x502: {  	s0 =	sadd.s32 @!p0 $0x100000, s0  }
0x503: {  	[sflag:s0] =	ssyncadd.tile.s32 @!p0 $0x1;
	_ =	shalt  }
.Lfunc_end2:
_tile_overlayer_lowered:
.L_overlay_start_2:
0x504: {  	(tag) =	ssettag $0x2  }
0x505: {  	s0 =	rddreg [dreg:$0x0];
	s2 =	stileid.u32  }
0x506: {  	s1 =	rddreg [dreg:$0x1];
	p0 =	sne.s32 s2, $0x0  }
0x507: {  	s3 =	rddreg [dreg:$0x2];
	[bflag:$0x3] =	sbarrier.arrive $0xFFFF;
	s2 =	simm.s32 @!p0 $0x1C05  }
0x508: {  	[timem:s3], [sflag:s2] =	dma.local @!p0 [hbm:s0], s1  }
0x509: {  	s0 =	simm.s32 @!p0 $0x5  }
0x50a: {  	_ =	swait.ge @!p0 [sflag:s0], s1  }
0x50b: {  	s1 =	ssub.s32 @!p0 $0x0, s1;
	[sflag:s0] =	ssyncset.done @!p0 $0x0  }
0x50c: {  	[sflag:s0] =	ssyncadd.s32 @!p0 s1  }
0x50d: {  	[bflag:$0x3] =	sbarrier.arrive $0xFFFF  }
0x50e: {  	_ =	shalt  }

</sc_bundles>
